<compile_context>
chip_gen: v7x
topology: tpu7x:2x2x1
jax: 0.10.2.dev20260603
libtpu: 0.0.44.dev20260713+nightly
codegen_flags: <defaults>
</compile_context>

<pallas_src>
import jax
import jax.numpy as jnp
from jax import lax
from jax.experimental import pallas as pl
from jax.experimental.pallas import tpu as pltpu
from jax.experimental.pallas import tpu_sc as plsc

B = 4
S = 8192
D = 128
N = B * S

NC = 2
NS = 16
NW = NC * NS

PPW = S // NW
CH = 128
SUBS = PPW // CH
NCH = B * SUBS
NBUF = 5
LA = 4
LANES = 16
VPR = D // LANES


def _body(x_hbm, tok_hbm, pos_hbm, out_hbm, idx_v, pos_v, bufs, isem, gsem, wsem):
    c = lax.axis_index("c")
    s = lax.axis_index("s")
    wid = s * NC + c
    p0 = wid * PPW

    idx_copies = [
        pltpu.async_copy(
            x_hbm.at[bt, pl.ds(p0 + sub * CH, CH)],
            idx_v.at[bt * SUBS + sub],
            isem,
        )
        for bt in range(B)
        for sub in range(SUBS)
    ]
    pltpu.sync_copy(pos_hbm.at[pl.ds(p0, PPW)], pos_v)
    for cp in idx_copies:
        cp.wait()


    gathers, writebacks = {}, {}

    def prefill_and_gather(t):
        if t < NCH:
            if t >= NBUF:
                writebacks.pop(t - NBUF).wait()
            buf = bufs.at[t % NBUF]
            prow = (t % SUBS) * CH

            def copy_row(r, carry):
                for k in range(VPR):
                    sl = pl.ds(k * LANES, LANES)
                    buf[r, sl] = pos_v[prow + r, sl]
                return carry

            lax.fori_loop(0, CH, copy_row, 0)
            gathers[t] = pltpu.async_copy(
                tok_hbm.at[idx_v.at[t]], buf, gsem, add=True)

    for t in range(LA):
        prefill_and_gather(t)

    for j in range(NCH):
        prefill_and_gather(j + LA)
        gathers.pop(j).wait()
        bt, sub = j // SUBS, j % SUBS
        writebacks[j] = pltpu.async_copy(
            bufs.at[j % NBUF], out_hbm.at[bt, pl.ds(p0 + sub * CH, CH)], wsem)

    for j in sorted(writebacks):
        writebacks.pop(j).wait()


@jax.jit
def _embed(x_flat, tok_table, pos_table):
    run = pl.kernel(
        _body,
        out_type=jax.ShapeDtypeStruct((B, S, D), jnp.float32),
        mesh=plsc.VectorSubcoreMesh(
            core_axis_name="c", subcore_axis_name="s",
            num_cores=NC, num_subcores=NS,
        ),
        scratch_types=[
            pltpu.VMEM((NCH, CH), jnp.int32),
            pltpu.VMEM((PPW, D), jnp.float32),
            pltpu.VMEM((NBUF, CH, D), jnp.float32),
            pltpu.SemaphoreType.DMA,
            pltpu.SemaphoreType.DMA,
            pltpu.SemaphoreType.DMA,
        ],
    )
    return run(x_flat, tok_table, pos_table)


def kernel(x, tok_table, pos_table):
    return _embed(x.astype(jnp.int32), tok_table, pos_table)

# --- scband reference (transcript-rebuilt; emitter-appended) ---
"""Pipeline reference for scband-embedding-47347719471534 (READ-ONLY COPY).

The authoritative reference and input builder live on the scoring server;
editing this copy changes nothing except your own understanding.
"""

import jax, jax.numpy as jnp
import numpy as np

VOCAB_SIZE = 100000
N_EMBD = 128
CTX_SIZE = 8192
BATCH = 4
SEQ_LEN = 8192

def setup_inputs(seed: int = 0) -> dict:
    key = jax.random.key(seed)
    k1, k2, k3 = jax.random.split(key, 3)
    x = jax.random.randint(k1, (BATCH, SEQ_LEN), 0, VOCAB_SIZE, dtype=jnp.int64 if jax.config.jax_enable_x64 else jnp.int32)
    tok_table = jax.random.normal(k2, (VOCAB_SIZE, N_EMBD), dtype=jnp.float32)
    pos_table = jax.random.normal(k3, (CTX_SIZE, N_EMBD), dtype=jnp.float32)
    return {"x": x, "tok_table": tok_table, "pos_table": pos_table}

def reference(x, tok_table, pos_table):
    # tok_embeddings = tok_embedding_table(x)
    tok_embeddings = jnp.take(tok_table, x, axis=0)  # [B, S, D]
    seq_len = x.shape[1]
    pos_ids = jnp.arange(0, seq_len)[None, :]  # [1, S]
    pos_embeddings = jnp.take(pos_table, pos_ids, axis=0)  # [1, S, D]
    return tok_embeddings + pos_embeddings

if __name__ == "__main__":
    import jax
    _d = setup_inputs()
    print(jax.jit(kernel)(*tuple(_d.values())))

</pallas_src>

<mosaic_0001>
#map = affine_map<(d0, d1) -> (0, 0)>
#map1 = affine_map<(d0, d1) -> (0, 0, 0)>
module attributes {stable_mosaic.version = 14 : i64} {
  func.func @_body(%arg0: i32, %arg1: i32, %arg2: memref<4x8192xi32, #tpu.memory_space<hbm>>, %arg3: memref<100000x128xf32, #tpu.memory_space<hbm>>, %arg4: memref<8192x128xf32, #tpu.memory_space<hbm>>, %arg5: memref<4x8192x128xf32, #tpu.memory_space<hbm>>, %arg6: memref<8x128xi32, #tpu.memory_space<vmem>>, %arg7: memref<256x128xf32, #tpu.memory_space<vmem>>, %arg8: memref<5x128x128xf32, #tpu.memory_space<vmem>>, %arg9: memref<!tpu.dma_semaphore, #tpu.memory_space<semaphore_mem>>, %arg10: memref<!tpu.dma_semaphore, #tpu.memory_space<semaphore_mem>>, %arg11: memref<!tpu.dma_semaphore, #tpu.memory_space<semaphore_mem>>) attributes {dimension_semantics = [#tpu.dimension_semantics<core_parallel>, #tpu.dimension_semantics<subcore_parallel>], iteration_bounds = array<i64: 2, 16>, scalar_prefetch = 0 : i64, scratch_operands = 6 : i64, tpu.core_type = #tpu.core_type<sc_vector_subcore>, window_params = [{transform_indices = #map}, {transform_indices = #map}, {transform_indices = #map}, {transform_indices = #map1}]} {
    %mul3A = arith.constant 2 : i32
    %mul3A_0 = arith.muli %arg1, %mul3A : i32
    %add3A = arith.addi %mul3A_0, %arg0 : i32
    %mul3A_1 = arith.constant 256 : i32
    %mul3A_2 = arith.muli %add3A, %mul3A_1 : i32
    %add3A_3 = arith.constant 0 : i32
    %add3A_4 = arith.addi %mul3A_2, %add3A_3 : i32
    %dma_start3A = arith.constant 0 : i32
    %dma_start3A_5 = arith.constant 0 : i32
    %dma_start3A_6 = arith.constant 0 : i32
    %dma_start3A_7 = tpu.memref_slice %arg6[%dma_start3A_5, %dma_start3A_6] : memref<8x128xi32, #tpu.memory_space<vmem>> -> memref<1x128xi32, #tpu.memory_space<vmem>>
    %dma_start3A_8 = tpu.memref_squeeze %dma_start3A_7 : memref<1x128xi32, #tpu.memory_space<vmem>> -> memref<128xi32, #tpu.memory_space<vmem>>
    %dma_start3A_9 = tpu.memref_slice %arg2[%dma_start3A, %add3A_4] : memref<4x8192xi32, #tpu.memory_space<hbm>> -> memref<1x128xi32, #tpu.memory_space<hbm>>
    %dma_start3A_10 = tpu.memref_squeeze %dma_start3A_9 : memref<1x128xi32, #tpu.memory_space<hbm>> -> memref<128xi32, #tpu.memory_space<hbm>>
    %dma_start3A_11 = arith.constant 0 : i32
    %dma_start3A_12 = tpu.memref_slice %arg6[%dma_start3A_5, %dma_start3A_11] : memref<8x128xi32, #tpu.memory_space<vmem>> -> memref<1x128xi32, #tpu.memory_space<vmem>>
    %dma_start3A_13 = tpu.memref_squeeze %dma_start3A_12 : memref<1x128xi32, #tpu.memory_space<vmem>> -> memref<128xi32, #tpu.memory_space<vmem>>
    %dma_start3A_14 = tpu.memref_slice %arg2[%dma_start3A, %add3A_4] : memref<4x8192xi32, #tpu.memory_space<hbm>> -> memref<1x128xi32, #tpu.memory_space<hbm>>
    %dma_start3A_15 = tpu.memref_squeeze %dma_start3A_14 : memref<1x128xi32, #tpu.memory_space<hbm>> -> memref<128xi32, #tpu.memory_space<hbm>>
    tpu.enqueue_dma source(%dma_start3A_15 : memref<128xi32, #tpu.memory_space<hbm>>) target(%dma_start3A_13 : memref<128xi32, #tpu.memory_space<vmem>>) target_semaphore(%arg9 : memref<!tpu.dma_semaphore, #tpu.memory_space<semaphore_mem>>)
    %add3A_16 = arith.constant 128 : i32
    %add3A_17 = arith.addi %mul3A_2, %add3A_16 : i32
    %dma_start3A_18 = arith.constant 0 : i32
    %dma_start3A_19 = arith.constant 1 : i32
    %dma_start3A_20 = arith.constant 0 : i32
    %dma_start3A_21 = tpu.memref_slice %arg6[%dma_start3A_19, %dma_start3A_20] : memref<8x128xi32, #tpu.memory_space<vmem>> -> memref<1x128xi32, #tpu.memory_space<vmem>>
    %dma_start3A_22 = tpu.memref_squeeze %dma_start3A_21 : memref<1x128xi32, #tpu.memory_space<vmem>> -> memref<128xi32, #tpu.memory_space<vmem>>
    %dma_start3A_23 = tpu.memref_slice %arg2[%dma_start3A_18, %add3A_17] : memref<4x8192xi32, #tpu.memory_space<hbm>> -> memref<1x128xi32, #tpu.memory_space<hbm>>
    %dma_start3A_24 = tpu.memref_squeeze %dma_start3A_23 : memref<1x128xi32, #tpu.memory_space<hbm>> -> memref<128xi32, #tpu.memory_space<hbm>>
    %dma_start3A_25 = arith.constant 0 : i32
    %dma_start3A_26 = tpu.memref_slice %arg6[%dma_start3A_19, %dma_start3A_25] : memref<8x128xi32, #tpu.memory_space<vmem>> -> memref<1x128xi32, #tpu.memory_space<vmem>>
    %dma_start3A_27 = tpu.memref_squeeze %dma_start3A_26 : memref<1x128xi32, #tpu.memory_space<vmem>> -> memref<128xi32, #tpu.memory_space<vmem>>
    %dma_start3A_28 = tpu.memref_slice %arg2[%dma_start3A_18, %add3A_17] : memref<4x8192xi32, #tpu.memory_space<hbm>> -> memref<1x128xi32, #tpu.memory_space<hbm>>
    %dma_start3A_29 = tpu.memref_squeeze %dma_start3A_28 : memref<1x128xi32, #tpu.memory_space<hbm>> -> memref<128xi32, #tpu.memory_space<hbm>>
    tpu.enqueue_dma source(%dma_start3A_29 : memref<128xi32, #tpu.memory_space<hbm>>) target(%dma_start3A_27 : memref<128xi32, #tpu.memory_space<vmem>>) target_semaphore(%arg9 : memref<!tpu.dma_semaphore, #tpu.memory_space<semaphore_mem>>)
    %add3A_30 = arith.constant 0 : i32
    %add3A_31 = arith.addi %mul3A_2, %add3A_30 : i32
    %dma_start3A_32 = arith.constant 1 : i32
    %dma_start3A_33 = arith.constant 2 : i32
    %dma_start3A_34 = arith.constant 0 : i32
    %dma_start3A_35 = tpu.memref_slice %arg6[%dma_start3A_33, %dma_start3A_34] : memref<8x128xi32, #tpu.memory_space<vmem>> -> memref<1x128xi32, #tpu.memory_space<vmem>>
    %dma_start3A_36 = tpu.memref_squeeze %dma_start3A_35 : memref<1x128xi32, #tpu.memory_space<vmem>> -> memref<128xi32, #tpu.memory_space<vmem>>
    %dma_start3A_37 = tpu.memref_slice %arg2[%dma_start3A_32, %add3A_31] : memref<4x8192xi32, #tpu.memory_space<hbm>> -> memref<1x128xi32, #tpu.memory_space<hbm>>
    %dma_start3A_38 = tpu.memref_squeeze %dma_start3A_37 : memref<1x128xi32, #tpu.memory_space<hbm>> -> memref<128xi32, #tpu.memory_space<hbm>>
    %dma_start3A_39 = arith.constant 0 : i32
    %dma_start3A_40 = tpu.memref_slice %arg6[%dma_start3A_33, %dma_start3A_39] : memref<8x128xi32, #tpu.memory_space<vmem>> -> memref<1x128xi32, #tpu.memory_space<vmem>>
    %dma_start3A_41 = tpu.memref_squeeze %dma_start3A_40 : memref<1x128xi32, #tpu.memory_space<vmem>> -> memref<128xi32, #tpu.memory_space<vmem>>
    %dma_start3A_42 = tpu.memref_slice %arg2[%dma_start3A_32, %add3A_31] : memref<4x8192xi32, #tpu.memory_space<hbm>> -> memref<1x128xi32, #tpu.memory_space<hbm>>
    %dma_start3A_43 = tpu.memref_squeeze %dma_start3A_42 : memref<1x128xi32, #tpu.memory_space<hbm>> -> memref<128xi32, #tpu.memory_space<hbm>>
    tpu.enqueue_dma source(%dma_start3A_43 : memref<128xi32, #tpu.memory_space<hbm>>) target(%dma_start3A_41 : memref<128xi32, #tpu.memory_space<vmem>>) target_semaphore(%arg9 : memref<!tpu.dma_semaphore, #tpu.memory_space<semaphore_mem>>)
    %add3A_44 = arith.constant 128 : i32
    %add3A_45 = arith.addi %mul3A_2, %add3A_44 : i32
    %dma_start3A_46 = arith.constant 1 : i32
    %dma_start3A_47 = arith.constant 3 : i32
    %dma_start3A_48 = arith.constant 0 : i32
    %dma_start3A_49 = tpu.memref_slice %arg6[%dma_start3A_47, %dma_start3A_48] : memref<8x128xi32, #tpu.memory_space<vmem>> -> memref<1x128xi32, #tpu.memory_space<vmem>>
    %dma_start3A_50 = tpu.memref_squeeze %dma_start3A_49 : memref<1x128xi32, #tpu.memory_space<vmem>> -> memref<128xi32, #tpu.memory_space<vmem>>
    %dma_start3A_51 = tpu.memref_slice %arg2[%dma_start3A_46, %add3A_45] : memref<4x8192xi32, #tpu.memory_space<hbm>> -> memref<1x128xi32, #tpu.memory_space<hbm>>
    %dma_start3A_52 = tpu.memref_squeeze %dma_start3A_51 : memref<1x128xi32, #tpu.memory_space<hbm>> -> memref<128xi32, #tpu.memory_space<hbm>>
    %dma_start3A_53 = arith.constant 0 : i32
    %dma_start3A_54 = tpu.memref_slice %arg6[%dma_start3A_47, %dma_start3A_53] : memref<8x128xi32, #tpu.memory_space<vmem>> -> memref<1x128xi32, #tpu.memory_space<vmem>>
    %dma_start3A_55 = tpu.memref_squeeze %dma_start3A_54 : memref<1x128xi32, #tpu.memory_space<vmem>> -> memref<128xi32, #tpu.memory_space<vmem>>
    %dma_start3A_56 = tpu.memref_slice %arg2[%dma_start3A_46, %add3A_45] : memref<4x8192xi32, #tpu.memory_space<hbm>> -> memref<1x128xi32, #tpu.memory_space<hbm>>
    %dma_start3A_57 = tpu.memref_squeeze %dma_start3A_56 : memref<1x128xi32, #tpu.memory_space<hbm>> -> memref<128xi32, #tpu.memory_space<hbm>>
    tpu.enqueue_dma source(%dma_start3A_57 : memref<128xi32, #tpu.memory_space<hbm>>) target(%dma_start3A_55 : memref<128xi32, #tpu.memory_space<vmem>>) target_semaphore(%arg9 : memref<!tpu.dma_semaphore, #tpu.memory_space<semaphore_mem>>)
    %add3A_58 = arith.constant 0 : i32
    %add3A_59 = arith.addi %mul3A_2, %add3A_58 : i32
    %dma_start3A_60 = arith.constant 2 : i32
    %dma_start3A_61 = arith.constant 4 : i32
    %dma_start3A_62 = arith.constant 0 : i32
    %dma_start3A_63 = tpu.memref_slice %arg6[%dma_start3A_61, %dma_start3A_62] : memref<8x128xi32, #tpu.memory_space<vmem>> -> memref<1x128xi32, #tpu.memory_space<vmem>>
    %dma_start3A_64 = tpu.memref_squeeze %dma_start3A_63 : memref<1x128xi32, #tpu.memory_space<vmem>> -> memref<128xi32, #tpu.memory_space<vmem>>
    %dma_start3A_65 = tpu.memref_slice %arg2[%dma_start3A_60, %add3A_59] : memref<4x8192xi32, #tpu.memory_space<hbm>> -> memref<1x128xi32, #tpu.memory_space<hbm>>
    %dma_start3A_66 = tpu.memref_squeeze %dma_start3A_65 : memref<1x128xi32, #tpu.memory_space<hbm>> -> memref<128xi32, #tpu.memory_space<hbm>>
    %dma_start3A_67 = arith.constant 0 : i32
    %dma_start3A_68 = tpu.memref_slice %arg6[%dma_start3A_61, %dma_start3A_67] : memref<8x128xi32, #tpu.memory_space<vmem>> -> memref<1x128xi32, #tpu.memory_space<vmem>>
    %dma_start3A_69 = tpu.memref_squeeze %dma_start3A_68 : memref<1x128xi32, #tpu.memory_space<vmem>> -> memref<128xi32, #tpu.memory_space<vmem>>
    %dma_start3A_70 = tpu.memref_slice %arg2[%dma_start3A_60, %add3A_59] : memref<4x8192xi32, #tpu.memory_space<hbm>> -> memref<1x128xi32, #tpu.memory_space<hbm>>
    %dma_start3A_71 = tpu.memref_squeeze %dma_start3A_70 : memref<1x128xi32, #tpu.memory_space<hbm>> -> memref<128xi32, #tpu.memory_space<hbm>>
    tpu.enqueue_dma source(%dma_start3A_71 : memref<128xi32, #tpu.memory_space<hbm>>) target(%dma_start3A_69 : memref<128xi32, #tpu.memory_space<vmem>>) target_semaphore(%arg9 : memref<!tpu.dma_semaphore, #tpu.memory_space<semaphore_mem>>)
    %add3A_72 = arith.constant 128 : i32
    %add3A_73 = arith.addi %mul3A_2, %add3A_72 : i32
    %dma_start3A_74 = arith.constant 2 : i32
    %dma_start3A_75 = arith.constant 5 : i32
    %dma_start3A_76 = arith.constant 0 : i32
    %dma_start3A_77 = tpu.memref_slice %arg6[%dma_start3A_75, %dma_start3A_76] : memref<8x128xi32, #tpu.memory_space<vmem>> -> memref<1x128xi32, #tpu.memory_space<vmem>>
    %dma_start3A_78 = tpu.memref_squeeze %dma_start3A_77 : memref<1x128xi32, #tpu.memory_space<vmem>> -> memref<128xi32, #tpu.memory_space<vmem>>
    %dma_start3A_79 = tpu.memref_slice %arg2[%dma_start3A_74, %add3A_73] : memref<4x8192xi32, #tpu.memory_space<hbm>> -> memref<1x128xi32, #tpu.memory_space<hbm>>
    %dma_start3A_80 = tpu.memref_squeeze %dma_start3A_79 : memref<1x128xi32, #tpu.memory_space<hbm>> -> memref<128xi32, #tpu.memory_space<hbm>>
    %dma_start3A_81 = arith.constant 0 : i32
    %dma_start3A_82 = tpu.memref_slice %arg6[%dma_start3A_75, %dma_start3A_81] : memref<8x128xi32, #tpu.memory_space<vmem>> -> memref<1x128xi32, #tpu.memory_space<vmem>>
    %dma_start3A_83 = tpu.memref_squeeze %dma_start3A_82 : memref<1x128xi32, #tpu.memory_space<vmem>> -> memref<128xi32, #tpu.memory_space<vmem>>
    %dma_start3A_84 = tpu.memref_slice %arg2[%dma_start3A_74, %add3A_73] : memref<4x8192xi32, #tpu.memory_space<hbm>> -> memref<1x128xi32, #tpu.memory_space<hbm>>
    %dma_start3A_85 = tpu.memref_squeeze %dma_start3A_84 : memref<1x128xi32, #tpu.memory_space<hbm>> -> memref<128xi32, #tpu.memory_space<hbm>>
    tpu.enqueue_dma source(%dma_start3A_85 : memref<128xi32, #tpu.memory_space<hbm>>) target(%dma_start3A_83 : memref<128xi32, #tpu.memory_space<vmem>>) target_semaphore(%arg9 : memref<!tpu.dma_semaphore, #tpu.memory_space<semaphore_mem>>)
    %add3A_86 = arith.constant 0 : i32
    %add3A_87 = arith.addi %mul3A_2, %add3A_86 : i32
    %dma_start3A_88 = arith.constant 3 : i32
    %dma_start3A_89 = arith.constant 6 : i32
    %dma_start3A_90 = arith.constant 0 : i32
    %dma_start3A_91 = tpu.memref_slice %arg6[%dma_start3A_89, %dma_start3A_90] : memref<8x128xi32, #tpu.memory_space<vmem>> -> memref<1x128xi32, #tpu.memory_space<vmem>>
    %dma_start3A_92 = tpu.memref_squeeze %dma_start3A_91 : memref<1x128xi32, #tpu.memory_space<vmem>> -> memref<128xi32, #tpu.memory_space<vmem>>
    %dma_start3A_93 = tpu.memref_slice %arg2[%dma_start3A_88, %add3A_87] : memref<4x8192xi32, #tpu.memory_space<hbm>> -> memref<1x128xi32, #tpu.memory_space<hbm>>
    %dma_start3A_94 = tpu.memref_squeeze %dma_start3A_93 : memref<1x128xi32, #tpu.memory_space<hbm>> -> memref<128xi32, #tpu.memory_space<hbm>>
    %dma_start3A_95 = arith.constant 0 : i32
    %dma_start3A_96 = tpu.memref_slice %arg6[%dma_start3A_89, %dma_start3A_95] : memref<8x128xi32, #tpu.memory_space<vmem>> -> memref<1x128xi32, #tpu.memory_space<vmem>>
    %dma_start3A_97 = tpu.memref_squeeze %dma_start3A_96 : memref<1x128xi32, #tpu.memory_space<vmem>> -> memref<128xi32, #tpu.memory_space<vmem>>
    %dma_start3A_98 = tpu.memref_slice %arg2[%dma_start3A_88, %add3A_87] : memref<4x8192xi32, #tpu.memory_space<hbm>> -> memref<1x128xi32, #tpu.memory_space<hbm>>
    %dma_start3A_99 = tpu.memref_squeeze %dma_start3A_98 : memref<1x128xi32, #tpu.memory_space<hbm>> -> memref<128xi32, #tpu.memory_space<hbm>>
    tpu.enqueue_dma source(%dma_start3A_99 : memref<128xi32, #tpu.memory_space<hbm>>) target(%dma_start3A_97 : memref<128xi32, #tpu.memory_space<vmem>>) target_semaphore(%arg9 : memref<!tpu.dma_semaphore, #tpu.memory_space<semaphore_mem>>)
    %add3A_100 = arith.constant 128 : i32
    %add3A_101 = arith.addi %mul3A_2, %add3A_100 : i32
    %dma_start3A_102 = arith.constant 3 : i32
    %dma_start3A_103 = arith.constant 7 : i32
    %dma_start3A_104 = arith.constant 0 : i32
    %dma_start3A_105 = tpu.memref_slice %arg6[%dma_start3A_103, %dma_start3A_104] : memref<8x128xi32, #tpu.memory_space<vmem>> -> memref<1x128xi32, #tpu.memory_space<vmem>>
    %dma_start3A_106 = tpu.memref_squeeze %dma_start3A_105 : memref<1x128xi32, #tpu.memory_space<vmem>> -> memref<128xi32, #tpu.memory_space<vmem>>
    %dma_start3A_107 = tpu.memref_slice %arg2[%dma_start3A_102, %add3A_101] : memref<4x8192xi32, #tpu.memory_space<hbm>> -> memref<1x128xi32, #tpu.memory_space<hbm>>
    %dma_start3A_108 = tpu.memref_squeeze %dma_start3A_107 : memref<1x128xi32, #tpu.memory_space<hbm>> -> memref<128xi32, #tpu.memory_space<hbm>>
    %dma_start3A_109 = arith.constant 0 : i32
    %dma_start3A_110 = tpu.memref_slice %arg6[%dma_start3A_103, %dma_start3A_109] : memref<8x128xi32, #tpu.memory_space<vmem>> -> memref<1x128xi32, #tpu.memory_space<vmem>>
    %dma_start3A_111 = tpu.memref_squeeze %dma_start3A_110 : memref<1x128xi32, #tpu.memory_space<vmem>> -> memref<128xi32, #tpu.memory_space<vmem>>
    %dma_start3A_112 = tpu.memref_slice %arg2[%dma_start3A_102, %add3A_101] : memref<4x8192xi32, #tpu.memory_space<hbm>> -> memref<1x128xi32, #tpu.memory_space<hbm>>
    %dma_start3A_113 = tpu.memref_squeeze %dma_start3A_112 : memref<1x128xi32, #tpu.memory_space<hbm>> -> memref<128xi32, #tpu.memory_space<hbm>>
    tpu.enqueue_dma source(%dma_start3A_113 : memref<128xi32, #tpu.memory_space<hbm>>) target(%dma_start3A_111 : memref<128xi32, #tpu.memory_space<vmem>>) target_semaphore(%arg9 : memref<!tpu.dma_semaphore, #tpu.memory_space<semaphore_mem>>)
    "tpu.region"() ({
      %run_scoped3A = tpu.sem_alloc : memref<!tpu.dma_semaphore, #tpu.memory_space<semaphore_mem>>
      %dma_start3A_728 = arith.constant 0 : i32
      %dma_start3A_729 = tpu.memref_slice %arg4[%mul3A_2, %dma_start3A_728] : memref<8192x128xf32, #tpu.memory_space<hbm>> -> memref<256x128xf32, #tpu.memory_space<hbm>>
      %dma_start3A_730 = arith.constant 0 : i32
      %dma_start3A_731 = tpu.memref_slice %arg4[%mul3A_2, %dma_start3A_730] : memref<8192x128xf32, #tpu.memory_space<hbm>> -> memref<256x128xf32, #tpu.memory_space<hbm>>
      tpu.enqueue_dma source(%dma_start3A_731 : memref<256x128xf32, #tpu.memory_space<hbm>>) target(%arg7 : memref<256x128xf32, #tpu.memory_space<vmem>>) target_semaphore(%run_scoped3A : memref<!tpu.dma_semaphore, #tpu.memory_space<semaphore_mem>>)
      %dma_wait3A_732 = arith.constant 0 : i32
      %dma_wait3A_733 = tpu.memref_slice %arg4[%mul3A_2, %dma_wait3A_732] : memref<8192x128xf32, #tpu.memory_space<hbm>> -> memref<256x128xf32, #tpu.memory_space<hbm>>
      %dma_wait3A_734 = arith.constant 0 : i32
      %dma_wait3A_735 = tpu.memref_slice %arg4[%mul3A_2, %dma_wait3A_734] : memref<8192x128xf32, #tpu.memory_space<hbm>> -> memref<256x128xf32, #tpu.memory_space<hbm>>
      tpu.wait_dma2 semaphore(%run_scoped3A : memref<!tpu.dma_semaphore, #tpu.memory_space<semaphore_mem>>) src(%dma_wait3A_735 : memref<256x128xf32, #tpu.memory_space<hbm>>) dst(%arg7 : memref<256x128xf32, #tpu.memory_space<vmem>>)
      tpu.yield
    }) : () -> ()
    %dma_wait3A = arith.constant 0 : i32
    %dma_wait3A_114 = arith.constant 0 : i32
    %dma_wait3A_115 = arith.constant 0 : i32
    %dma_wait3A_116 = tpu.memref_slice %arg6[%dma_wait3A_114, %dma_wait3A_115] : memref<8x128xi32, #tpu.memory_space<vmem>> -> memref<1x128xi32, #tpu.memory_space<vmem>>
    %dma_wait3A_117 = tpu.memref_squeeze %dma_wait3A_116 : memref<1x128xi32, #tpu.memory_space<vmem>> -> memref<128xi32, #tpu.memory_space<vmem>>
    %dma_wait3A_118 = tpu.memref_slice %arg2[%dma_wait3A, %add3A_4] : memref<4x8192xi32, #tpu.memory_space<hbm>> -> memref<1x128xi32, #tpu.memory_space<hbm>>
    %dma_wait3A_119 = tpu.memref_squeeze %dma_wait3A_118 : memref<1x128xi32, #tpu.memory_space<hbm>> -> memref<128xi32, #tpu.memory_space<hbm>>
    %dma_wait3A_120 = arith.constant 0 : i32
    %dma_wait3A_121 = tpu.memref_slice %arg6[%dma_wait3A_114, %dma_wait3A_120] : memref<8x128xi32, #tpu.memory_space<vmem>> -> memref<1x128xi32, #tpu.memory_space<vmem>>
    %dma_wait3A_122 = tpu.memref_squeeze %dma_wait3A_121 : memref<1x128xi32, #tpu.memory_space<vmem>> -> memref<128xi32, #tpu.memory_space<vmem>>
    %dma_wait3A_123 = tpu.memref_slice %arg2[%dma_wait3A, %add3A_4] : memref<4x8192xi32, #tpu.memory_space<hbm>> -> memref<1x128xi32, #tpu.memory_space<hbm>>
    %dma_wait3A_124 = tpu.memref_squeeze %dma_wait3A_123 : memref<1x128xi32, #tpu.memory_space<hbm>> -> memref<128xi32, #tpu.memory_space<hbm>>
    tpu.wait_dma2 semaphore(%arg9 : memref<!tpu.dma_semaphore, #tpu.memory_space<semaphore_mem>>) src(%dma_wait3A_124 : memref<128xi32, #tpu.memory_space<hbm>>) dst(%dma_wait3A_122 : memref<128xi32, #tpu.memory_space<vmem>>)
    %dma_wait3A_125 = arith.constant 0 : i32
    %dma_wait3A_126 = arith.constant 1 : i32
    %dma_wait3A_127 = arith.constant 0 : i32
    %dma_wait3A_128 = tpu.memref_slice %arg6[%dma_wait3A_126, %dma_wait3A_127] : memref<8x128xi32, #tpu.memory_space<vmem>> -> memref<1x128xi32, #tpu.memory_space<vmem>>
    %dma_wait3A_129 = tpu.memref_squeeze %dma_wait3A_128 : memref<1x128xi32, #tpu.memory_space<vmem>> -> memref<128xi32, #tpu.memory_space<vmem>>
    %dma_wait3A_130 = tpu.memref_slice %arg2[%dma_wait3A_125, %add3A_17] : memref<4x8192xi32, #tpu.memory_space<hbm>> -> memref<1x128xi32, #tpu.memory_space<hbm>>
    %dma_wait3A_131 = tpu.memref_squeeze %dma_wait3A_130 : memref<1x128xi32, #tpu.memory_space<hbm>> -> memref<128xi32, #tpu.memory_space<hbm>>
    %dma_wait3A_132 = arith.constant 0 : i32
    %dma_wait3A_133 = tpu.memref_slice %arg6[%dma_wait3A_126, %dma_wait3A_132] : memref<8x128xi32, #tpu.memory_space<vmem>> -> memref<1x128xi32, #tpu.memory_space<vmem>>
    %dma_wait3A_134 = tpu.memref_squeeze %dma_wait3A_133 : memref<1x128xi32, #tpu.memory_space<vmem>> -> memref<128xi32, #tpu.memory_space<vmem>>
    %dma_wait3A_135 = tpu.memref_slice %arg2[%dma_wait3A_125, %add3A_17] : memref<4x8192xi32, #tpu.memory_space<hbm>> -> memref<1x128xi32, #tpu.memory_space<hbm>>
    %dma_wait3A_136 = tpu.memref_squeeze %dma_wait3A_135 : memref<1x128xi32, #tpu.memory_space<hbm>> -> memref<128xi32, #tpu.memory_space<hbm>>
    tpu.wait_dma2 semaphore(%arg9 : memref<!tpu.dma_semaphore, #tpu.memory_space<semaphore_mem>>) src(%dma_wait3A_136 : memref<128xi32, #tpu.memory_space<hbm>>) dst(%dma_wait3A_134 : memref<128xi32, #tpu.memory_space<vmem>>)
    %dma_wait3A_137 = arith.constant 1 : i32
    %dma_wait3A_138 = arith.constant 2 : i32
    %dma_wait3A_139 = arith.constant 0 : i32
    %dma_wait3A_140 = tpu.memref_slice %arg6[%dma_wait3A_138, %dma_wait3A_139] : memref<8x128xi32, #tpu.memory_space<vmem>> -> memref<1x128xi32, #tpu.memory_space<vmem>>
    %dma_wait3A_141 = tpu.memref_squeeze %dma_wait3A_140 : memref<1x128xi32, #tpu.memory_space<vmem>> -> memref<128xi32, #tpu.memory_space<vmem>>
    %dma_wait3A_142 = tpu.memref_slice %arg2[%dma_wait3A_137, %add3A_31] : memref<4x8192xi32, #tpu.memory_space<hbm>> -> memref<1x128xi32, #tpu.memory_space<hbm>>
    %dma_wait3A_143 = tpu.memref_squeeze %dma_wait3A_142 : memref<1x128xi32, #tpu.memory_space<hbm>> -> memref<128xi32, #tpu.memory_space<hbm>>
    %dma_wait3A_144 = arith.constant 0 : i32
    %dma_wait3A_145 = tpu.memref_slice %arg6[%dma_wait3A_138, %dma_wait3A_144] : memref<8x128xi32, #tpu.memory_space<vmem>> -> memref<1x128xi32, #tpu.memory_space<vmem>>
    %dma_wait3A_146 = tpu.memref_squeeze %dma_wait3A_145 : memref<1x128xi32, #tpu.memory_space<vmem>> -> memref<128xi32, #tpu.memory_space<vmem>>
    %dma_wait3A_147 = tpu.memref_slice %arg2[%dma_wait3A_137, %add3A_31] : memref<4x8192xi32, #tpu.memory_space<hbm>> -> memref<1x128xi32, #tpu.memory_space<hbm>>
    %dma_wait3A_148 = tpu.memref_squeeze %dma_wait3A_147 : memref<1x128xi32, #tpu.memory_space<hbm>> -> memref<128xi32, #tpu.memory_space<hbm>>
    tpu.wait_dma2 semaphore(%arg9 : memref<!tpu.dma_semaphore, #tpu.memory_space<semaphore_mem>>) src(%dma_wait3A_148 : memref<128xi32, #tpu.memory_space<hbm>>) dst(%dma_wait3A_146 : memref<128xi32, #tpu.memory_space<vmem>>)
    %dma_wait3A_149 = arith.constant 1 : i32
    %dma_wait3A_150 = arith.constant 3 : i32
    %dma_wait3A_151 = arith.constant 0 : i32
    %dma_wait3A_152 = tpu.memref_slice %arg6[%dma_wait3A_150, %dma_wait3A_151] : memref<8x128xi32, #tpu.memory_space<vmem>> -> memref<1x128xi32, #tpu.memory_space<vmem>>
    %dma_wait3A_153 = tpu.memref_squeeze %dma_wait3A_152 : memref<1x128xi32, #tpu.memory_space<vmem>> -> memref<128xi32, #tpu.memory_space<vmem>>
    %dma_wait3A_154 = tpu.memref_slice %arg2[%dma_wait3A_149, %add3A_45] : memref<4x8192xi32, #tpu.memory_space<hbm>> -> memref<1x128xi32, #tpu.memory_space<hbm>>
    %dma_wait3A_155 = tpu.memref_squeeze %dma_wait3A_154 : memref<1x128xi32, #tpu.memory_space<hbm>> -> memref<128xi32, #tpu.memory_space<hbm>>
    %dma_wait3A_156 = arith.constant 0 : i32
    %dma_wait3A_157 = tpu.memref_slice %arg6[%dma_wait3A_150, %dma_wait3A_156] : memref<8x128xi32, #tpu.memory_space<vmem>> -> memref<1x128xi32, #tpu.memory_space<vmem>>
    %dma_wait3A_158 = tpu.memref_squeeze %dma_wait3A_157 : memref<1x128xi32, #tpu.memory_space<vmem>> -> memref<128xi32, #tpu.memory_space<vmem>>
    %dma_wait3A_159 = tpu.memref_slice %arg2[%dma_wait3A_149, %add3A_45] : memref<4x8192xi32, #tpu.memory_space<hbm>> -> memref<1x128xi32, #tpu.memory_space<hbm>>
    %dma_wait3A_160 = tpu.memref_squeeze %dma_wait3A_159 : memref<1x128xi32, #tpu.memory_space<hbm>> -> memref<128xi32, #tpu.memory_space<hbm>>
    tpu.wait_dma2 semaphore(%arg9 : memref<!tpu.dma_semaphore, #tpu.memory_space<semaphore_mem>>) src(%dma_wait3A_160 : memref<128xi32, #tpu.memory_space<hbm>>) dst(%dma_wait3A_158 : memref<128xi32, #tpu.memory_space<vmem>>)
    %dma_wait3A_161 = arith.constant 2 : i32
    %dma_wait3A_162 = arith.constant 4 : i32
    %dma_wait3A_163 = arith.constant 0 : i32
    %dma_wait3A_164 = tpu.memref_slice %arg6[%dma_wait3A_162, %dma_wait3A_163] : memref<8x128xi32, #tpu.memory_space<vmem>> -> memref<1x128xi32, #tpu.memory_space<vmem>>
    %dma_wait3A_165 = tpu.memref_squeeze %dma_wait3A_164 : memref<1x128xi32, #tpu.memory_space<vmem>> -> memref<128xi32, #tpu.memory_space<vmem>>
    %dma_wait3A_166 = tpu.memref_slice %arg2[%dma_wait3A_161, %add3A_59] : memref<4x8192xi32, #tpu.memory_space<hbm>> -> memref<1x128xi32, #tpu.memory_space<hbm>>
    %dma_wait3A_167 = tpu.memref_squeeze %dma_wait3A_166 : memref<1x128xi32, #tpu.memory_space<hbm>> -> memref<128xi32, #tpu.memory_space<hbm>>
    %dma_wait3A_168 = arith.constant 0 : i32
    %dma_wait3A_169 = tpu.memref_slice %arg6[%dma_wait3A_162, %dma_wait3A_168] : memref<8x128xi32, #tpu.memory_space<vmem>> -> memref<1x128xi32, #tpu.memory_space<vmem>>
    %dma_wait3A_170 = tpu.memref_squeeze %dma_wait3A_169 : memref<1x128xi32, #tpu.memory_space<vmem>> -> memref<128xi32, #tpu.memory_space<vmem>>
    %dma_wait3A_171 = tpu.memref_slice %arg2[%dma_wait3A_161, %add3A_59] : memref<4x8192xi32, #tpu.memory_space<hbm>> -> memref<1x128xi32, #tpu.memory_space<hbm>>
    %dma_wait3A_172 = tpu.memref_squeeze %dma_wait3A_171 : memref<1x128xi32, #tpu.memory_space<hbm>> -> memref<128xi32, #tpu.memory_space<hbm>>
    tpu.wait_dma2 semaphore(%arg9 : memref<!tpu.dma_semaphore, #tpu.memory_space<semaphore_mem>>) src(%dma_wait3A_172 : memref<128xi32, #tpu.memory_space<hbm>>) dst(%dma_wait3A_170 : memref<128xi32, #tpu.memory_space<vmem>>)
    %dma_wait3A_173 = arith.constant 2 : i32
    %dma_wait3A_174 = arith.constant 5 : i32
    %dma_wait3A_175 = arith.constant 0 : i32
    %dma_wait3A_176 = tpu.memref_slice %arg6[%dma_wait3A_174, %dma_wait3A_175] : memref<8x128xi32, #tpu.memory_space<vmem>> -> memref<1x128xi32, #tpu.memory_space<vmem>>
    %dma_wait3A_177 = tpu.memref_squeeze %dma_wait3A_176 : memref<1x128xi32, #tpu.memory_space<vmem>> -> memref<128xi32, #tpu.memory_space<vmem>>
    %dma_wait3A_178 = tpu.memref_slice %arg2[%dma_wait3A_173, %add3A_73] : memref<4x8192xi32, #tpu.memory_space<hbm>> -> memref<1x128xi32, #tpu.memory_space<hbm>>
    %dma_wait3A_179 = tpu.memref_squeeze %dma_wait3A_178 : memref<1x128xi32, #tpu.memory_space<hbm>> -> memref<128xi32, #tpu.memory_space<hbm>>
    %dma_wait3A_180 = arith.constant 0 : i32
    %dma_wait3A_181 = tpu.memref_slice %arg6[%dma_wait3A_174, %dma_wait3A_180] : memref<8x128xi32, #tpu.memory_space<vmem>> -> memref<1x128xi32, #tpu.memory_space<vmem>>
    %dma_wait3A_182 = tpu.memref_squeeze %dma_wait3A_181 : memref<1x128xi32, #tpu.memory_space<vmem>> -> memref<128xi32, #tpu.memory_space<vmem>>
    %dma_wait3A_183 = tpu.memref_slice %arg2[%dma_wait3A_173, %add3A_73] : memref<4x8192xi32, #tpu.memory_space<hbm>> -> memref<1x128xi32, #tpu.memory_space<hbm>>
    %dma_wait3A_184 = tpu.memref_squeeze %dma_wait3A_183 : memref<1x128xi32, #tpu.memory_space<hbm>> -> memref<128xi32, #tpu.memory_space<hbm>>
    tpu.wait_dma2 semaphore(%arg9 : memref<!tpu.dma_semaphore, #tpu.memory_space<semaphore_mem>>) src(%dma_wait3A_184 : memref<128xi32, #tpu.memory_space<hbm>>) dst(%dma_wait3A_182 : memref<128xi32, #tpu.memory_space<vmem>>)
    %dma_wait3A_185 = arith.constant 3 : i32
    %dma_wait3A_186 = arith.constant 6 : i32
    %dma_wait3A_187 = arith.constant 0 : i32
    %dma_wait3A_188 = tpu.memref_slice %arg6[%dma_wait3A_186, %dma_wait3A_187] : memref<8x128xi32, #tpu.memory_space<vmem>> -> memref<1x128xi32, #tpu.memory_space<vmem>>
    %dma_wait3A_189 = tpu.memref_squeeze %dma_wait3A_188 : memref<1x128xi32, #tpu.memory_space<vmem>> -> memref<128xi32, #tpu.memory_space<vmem>>
    %dma_wait3A_190 = tpu.memref_slice %arg2[%dma_wait3A_185, %add3A_87] : memref<4x8192xi32, #tpu.memory_space<hbm>> -> memref<1x128xi32, #tpu.memory_space<hbm>>
    %dma_wait3A_191 = tpu.memref_squeeze %dma_wait3A_190 : memref<1x128xi32, #tpu.memory_space<hbm>> -> memref<128xi32, #tpu.memory_space<hbm>>
    %dma_wait3A_192 = arith.constant 0 : i32
    %dma_wait3A_193 = tpu.memref_slice %arg6[%dma_wait3A_186, %dma_wait3A_192] : memref<8x128xi32, #tpu.memory_space<vmem>> -> memref<1x128xi32, #tpu.memory_space<vmem>>
    %dma_wait3A_194 = tpu.memref_squeeze %dma_wait3A_193 : memref<1x128xi32, #tpu.memory_space<vmem>> -> memref<128xi32, #tpu.memory_space<vmem>>
    %dma_wait3A_195 = tpu.memref_slice %arg2[%dma_wait3A_185, %add3A_87] : memref<4x8192xi32, #tpu.memory_space<hbm>> -> memref<1x128xi32, #tpu.memory_space<hbm>>
    %dma_wait3A_196 = tpu.memref_squeeze %dma_wait3A_195 : memref<1x128xi32, #tpu.memory_space<hbm>> -> memref<128xi32, #tpu.memory_space<hbm>>
    tpu.wait_dma2 semaphore(%arg9 : memref<!tpu.dma_semaphore, #tpu.memory_space<semaphore_mem>>) src(%dma_wait3A_196 : memref<128xi32, #tpu.memory_space<hbm>>) dst(%dma_wait3A_194 : memref<128xi32, #tpu.memory_space<vmem>>)
    %dma_wait3A_197 = arith.constant 3 : i32
    %dma_wait3A_198 = arith.constant 7 : i32
    %dma_wait3A_199 = arith.constant 0 : i32
    %dma_wait3A_200 = tpu.memref_slice %arg6[%dma_wait3A_198, %dma_wait3A_199] : memref<8x128xi32, #tpu.memory_space<vmem>> -> memref<1x128xi32, #tpu.memory_space<vmem>>
    %dma_wait3A_201 = tpu.memref_squeeze %dma_wait3A_200 : memref<1x128xi32, #tpu.memory_space<vmem>> -> memref<128xi32, #tpu.memory_space<vmem>>
    %dma_wait3A_202 = tpu.memref_slice %arg2[%dma_wait3A_197, %add3A_101] : memref<4x8192xi32, #tpu.memory_space<hbm>> -> memref<1x128xi32, #tpu.memory_space<hbm>>
    %dma_wait3A_203 = tpu.memref_squeeze %dma_wait3A_202 : memref<1x128xi32, #tpu.memory_space<hbm>> -> memref<128xi32, #tpu.memory_space<hbm>>
    %dma_wait3A_204 = arith.constant 0 : i32
    %dma_wait3A_205 = tpu.memref_slice %arg6[%dma_wait3A_198, %dma_wait3A_204] : memref<8x128xi32, #tpu.memory_space<vmem>> -> memref<1x128xi32, #tpu.memory_space<vmem>>
    %dma_wait3A_206 = tpu.memref_squeeze %dma_wait3A_205 : memref<1x128xi32, #tpu.memory_space<vmem>> -> memref<128xi32, #tpu.memory_space<vmem>>
    %dma_wait3A_207 = tpu.memref_slice %arg2[%dma_wait3A_197, %add3A_101] : memref<4x8192xi32, #tpu.memory_space<hbm>> -> memref<1x128xi32, #tpu.memory_space<hbm>>
    %dma_wait3A_208 = tpu.memref_squeeze %dma_wait3A_207 : memref<1x128xi32, #tpu.memory_space<hbm>> -> memref<128xi32, #tpu.memory_space<hbm>>
    tpu.wait_dma2 semaphore(%arg9 : memref<!tpu.dma_semaphore, #tpu.memory_space<semaphore_mem>>) src(%dma_wait3A_208 : memref<128xi32, #tpu.memory_space<hbm>>) dst(%dma_wait3A_206 : memref<128xi32, #tpu.memory_space<vmem>>)
    %scan3A = arith.constant 0 : i32
    %scan3A_209 = arith.constant 0 : i32
    %scan3A_210 = arith.constant 0 : i32
    %scan3A_211 = arith.constant 128 : i32
    %scan3A_212 = arith.addi %scan3A_210, %scan3A_211 : i32
    %scan3A_213 = arith.constant 1 : i32
    scf.for %scan3A_728 = %scan3A_210 to %scan3A_212 step %scan3A_213  : i32 {
      %add3A_729 = arith.constant 0 : i32
      %add3A_730 = arith.addi %add3A_729, %scan3A_728 : i32
      %get3A = arith.index_cast %add3A_730 : i32 to index
      %get3A_731 = arith.constant 0 : index
      %get3A_732 = tpu.vector_load %arg7[%get3A, %get3A_731] {strides = array<i32>} : memref<256x128xf32, #tpu.memory_space<vmem>>, vector<1x16xf32>,
      %get3A_733 = vector.shape_cast %get3A_732 : vector<1x16xf32> to vector<16xf32>
      %swap3A = arith.constant 0 : i32
      %swap3A_734 = arith.constant 0 : i32
      %swap3A_735 = tpu.memref_slice %arg8[%scan3A_209, %swap3A, %swap3A_734] : memref<5x128x128xf32, #tpu.memory_space<vmem>> -> memref<1x128x128xf32, #tpu.memory_space<vmem>>
      %swap3A_736 = tpu.memref_squeeze %swap3A_735 : memref<1x128x128xf32, #tpu.memory_space<vmem>> -> memref<128x128xf32, #tpu.memory_space<vmem>>
      %swap3A_737 = arith.index_cast %scan3A_728 : i32 to index
      %swap3A_738 = arith.constant 0 : index
      %swap3A_739 = tpu.vector_load %swap3A_736[%swap3A_737, %swap3A_738] {strides = array<i32>} : memref<128x128xf32, #tpu.memory_space<vmem>>, vector<1x16xf32>,
      %swap3A_740 = vector.shape_cast %swap3A_739 : vector<1x16xf32> to vector<16xf32>
      %swap3A_741 = vector.shape_cast %get3A_733 : vector<16xf32> to vector<1x16xf32>
      tpu.vector_store %swap3A_736[%swap3A_737, %swap3A_738], %swap3A_741 {strides = array<i32>} : memref<128x128xf32, #tpu.memory_space<vmem>>, vector<1x16xf32>,
      %add3A_742 = arith.constant 0 : i32
      %add3A_743 = arith.addi %add3A_742, %scan3A_728 : i32
      %get3A_744 = arith.index_cast %add3A_743 : i32 to index
      %get3A_745 = arith.constant 16 : index
      %get3A_746 = tpu.vector_load %arg7[%get3A_744, %get3A_745] {strides = array<i32>} : memref<256x128xf32, #tpu.memory_space<vmem>>, vector<1x16xf32>,
      %get3A_747 = vector.shape_cast %get3A_746 : vector<1x16xf32> to vector<16xf32>
      %swap3A_748 = arith.constant 0 : i32
      %swap3A_749 = arith.constant 0 : i32
      %swap3A_750 = tpu.memref_slice %arg8[%scan3A_209, %swap3A_748, %swap3A_749] : memref<5x128x128xf32, #tpu.memory_space<vmem>> -> memref<1x128x128xf32, #tpu.memory_space<vmem>>
      %swap3A_751 = tpu.memref_squeeze %swap3A_750 : memref<1x128x128xf32, #tpu.memory_space<vmem>> -> memref<128x128xf32, #tpu.memory_space<vmem>>
      %swap3A_752 = arith.index_cast %scan3A_728 : i32 to index
      %swap3A_753 = arith.constant 16 : index
      %swap3A_754 = tpu.vector_load %swap3A_751[%swap3A_752, %swap3A_753] {strides = array<i32>} : memref<128x128xf32, #tpu.memory_space<vmem>>, vector<1x16xf32>,
      %swap3A_755 = vector.shape_cast %swap3A_754 : vector<1x16xf32> to vector<16xf32>
      %swap3A_756 = vector.shape_cast %get3A_747 : vector<16xf32> to vector<1x16xf32>
      tpu.vector_store %swap3A_751[%swap3A_752, %swap3A_753], %swap3A_756 {strides = array<i32>} : memref<128x128xf32, #tpu.memory_space<vmem>>, vector<1x16xf32>,
      %add3A_757 = arith.constant 0 : i32
      %add3A_758 = arith.addi %add3A_757, %scan3A_728 : i32
      %get3A_759 = arith.index_cast %add3A_758 : i32 to index
      %get3A_760 = arith.constant 32 : index
      %get3A_761 = tpu.vector_load %arg7[%get3A_759, %get3A_760] {strides = array<i32>} : memref<256x128xf32, #tpu.memory_space<vmem>>, vector<1x16xf32>,
      %get3A_762 = vector.shape_cast %get3A_761 : vector<1x16xf32> to vector<16xf32>
      %swap3A_763 = arith.constant 0 : i32
      %swap3A_764 = arith.constant 0 : i32
      %swap3A_765 = tpu.memref_slice %arg8[%scan3A_209, %swap3A_763, %swap3A_764] : memref<5x128x128xf32, #tpu.memory_space<vmem>> -> memref<1x128x128xf32, #tpu.memory_space<vmem>>
      %swap3A_766 = tpu.memref_squeeze %swap3A_765 : memref<1x128x128xf32, #tpu.memory_space<vmem>> -> memref<128x128xf32, #tpu.memory_space<vmem>>
      %swap3A_767 = arith.index_cast %scan3A_728 : i32 to index
      %swap3A_768 = arith.constant 32 : index
      %swap3A_769 = tpu.vector_load %swap3A_766[%swap3A_767, %swap3A_768] {strides = array<i32>} : memref<128x128xf32, #tpu.memory_space<vmem>>, vector<1x16xf32>,
      %swap3A_770 = vector.shape_cast %swap3A_769 : vector<1x16xf32> to vector<16xf32>
      %swap3A_771 = vector.shape_cast %get3A_762 : vector<16xf32> to vector<1x16xf32>
      tpu.vector_store %swap3A_766[%swap3A_767, %swap3A_768], %swap3A_771 {strides = array<i32>} : memref<128x128xf32, #tpu.memory_space<vmem>>, vector<1x16xf32>,
      %add3A_772 = arith.constant 0 : i32
      %add3A_773 = arith.addi %add3A_772, %scan3A_728 : i32
      %get3A_774 = arith.index_cast %add3A_773 : i32 to index
      %get3A_775 = arith.constant 48 : index
      %get3A_776 = tpu.vector_load %arg7[%get3A_774, %get3A_775] {strides = array<i32>} : memref<256x128xf32, #tpu.memory_space<vmem>>, vector<1x16xf32>,
      %get3A_777 = vector.shape_cast %get3A_776 : vector<1x16xf32> to vector<16xf32>
      %swap3A_778 = arith.constant 0 : i32
      %swap3A_779 = arith.constant 0 : i32
      %swap3A_780 = tpu.memref_slice %arg8[%scan3A_209, %swap3A_778, %swap3A_779] : memref<5x128x128xf32, #tpu.memory_space<vmem>> -> memref<1x128x128xf32, #tpu.memory_space<vmem>>
      %swap3A_781 = tpu.memref_squeeze %swap3A_780 : memref<1x128x128xf32, #tpu.memory_space<vmem>> -> memref<128x128xf32, #tpu.memory_space<vmem>>
      %swap3A_782 = arith.index_cast %scan3A_728 : i32 to index
      %swap3A_783 = arith.constant 48 : index
      %swap3A_784 = tpu.vector_load %swap3A_781[%swap3A_782, %swap3A_783] {strides = array<i32>} : memref<128x128xf32, #tpu.memory_space<vmem>>, vector<1x16xf32>,
      %swap3A_785 = vector.shape_cast %swap3A_784 : vector<1x16xf32> to vector<16xf32>
      %swap3A_786 = vector.shape_cast %get3A_777 : vector<16xf32> to vector<1x16xf32>
      tpu.vector_store %swap3A_781[%swap3A_782, %swap3A_783], %swap3A_786 {strides = array<i32>} : memref<128x128xf32, #tpu.memory_space<vmem>>, vector<1x16xf32>,
      %add3A_787 = arith.constant 0 : i32
      %add3A_788 = arith.addi %add3A_787, %scan3A_728 : i32
      %get3A_789 = arith.index_cast %add3A_788 : i32 to index
      %get3A_790 = arith.constant 64 : index
      %get3A_791 = tpu.vector_load %arg7[%get3A_789, %get3A_790] {strides = array<i32>} : memref<256x128xf32, #tpu.memory_space<vmem>>, vector<1x16xf32>,
      %get3A_792 = vector.shape_cast %get3A_791 : vector<1x16xf32> to vector<16xf32>
      %swap3A_793 = arith.constant 0 : i32
      %swap3A_794 = arith.constant 0 : i32
      %swap3A_795 = tpu.memref_slice %arg8[%scan3A_209, %swap3A_793, %swap3A_794] : memref<5x128x128xf32, #tpu.memory_space<vmem>> -> memref<1x128x128xf32, #tpu.memory_space<vmem>>
      %swap3A_796 = tpu.memref_squeeze %swap3A_795 : memref<1x128x128xf32, #tpu.memory_space<vmem>> -> memref<128x128xf32, #tpu.memory_space<vmem>>
      %swap3A_797 = arith.index_cast %scan3A_728 : i32 to index
      %swap3A_798 = arith.constant 64 : index
      %swap3A_799 = tpu.vector_load %swap3A_796[%swap3A_797, %swap3A_798] {strides = array<i32>} : memref<128x128xf32, #tpu.memory_space<vmem>>, vector<1x16xf32>,
      %swap3A_800 = vector.shape_cast %swap3A_799 : vector<1x16xf32> to vector<16xf32>
      %swap3A_801 = vector.shape_cast %get3A_792 : vector<16xf32> to vector<1x16xf32>
      tpu.vector_store %swap3A_796[%swap3A_797, %swap3A_798], %swap3A_801 {strides = array<i32>} : memref<128x128xf32, #tpu.memory_space<vmem>>, vector<1x16xf32>,
      %add3A_802 = arith.constant 0 : i32
      %add3A_803 = arith.addi %add3A_802, %scan3A_728 : i32
      %get3A_804 = arith.index_cast %add3A_803 : i32 to index
      %get3A_805 = arith.constant 80 : index
      %get3A_806 = tpu.vector_load %arg7[%get3A_804, %get3A_805] {strides = array<i32>} : memref<256x128xf32, #tpu.memory_space<vmem>>, vector<1x16xf32>,
      %get3A_807 = vector.shape_cast %get3A_806 : vector<1x16xf32> to vector<16xf32>
      %swap3A_808 = arith.constant 0 : i32
      %swap3A_809 = arith.constant 0 : i32
      %swap3A_810 = tpu.memref_slice %arg8[%scan3A_209, %swap3A_808, %swap3A_809] : memref<5x128x128xf32, #tpu.memory_space<vmem>> -> memref<1x128x128xf32, #tpu.memory_space<vmem>>
      %swap3A_811 = tpu.memref_squeeze %swap3A_810 : memref<1x128x128xf32, #tpu.memory_space<vmem>> -> memref<128x128xf32, #tpu.memory_space<vmem>>
      %swap3A_812 = arith.index_cast %scan3A_728 : i32 to index
      %swap3A_813 = arith.constant 80 : index
      %swap3A_814 = tpu.vector_load %swap3A_811[%swap3A_812, %swap3A_813] {strides = array<i32>} : memref<128x128xf32, #tpu.memory_space<vmem>>, vector<1x16xf32>,
      %swap3A_815 = vector.shape_cast %swap3A_814 : vector<1x16xf32> to vector<16xf32>
      %swap3A_816 = vector.shape_cast %get3A_807 : vector<16xf32> to vector<1x16xf32>
      tpu.vector_store %swap3A_811[%swap3A_812, %swap3A_813], %swap3A_816 {strides = array<i32>} : memref<128x128xf32, #tpu.memory_space<vmem>>, vector<1x16xf32>,
      %add3A_817 = arith.constant 0 : i32
      %add3A_818 = arith.addi %add3A_817, %scan3A_728 : i32
      %get3A_819 = arith.index_cast %add3A_818 : i32 to index
      %get3A_820 = arith.constant 96 : index
      %get3A_821 = tpu.vector_load %arg7[%get3A_819, %get3A_820] {strides = array<i32>} : memref<256x128xf32, #tpu.memory_space<vmem>>, vector<1x16xf32>,
      %get3A_822 = vector.shape_cast %get3A_821 : vector<1x16xf32> to vector<16xf32>
      %swap3A_823 = arith.constant 0 : i32
      %swap3A_824 = arith.constant 0 : i32
      %swap3A_825 = tpu.memref_slice %arg8[%scan3A_209, %swap3A_823, %swap3A_824] : memref<5x128x128xf32, #tpu.memory_space<vmem>> -> memref<1x128x128xf32, #tpu.memory_space<vmem>>
      %swap3A_826 = tpu.memref_squeeze %swap3A_825 : memref<1x128x128xf32, #tpu.memory_space<vmem>> -> memref<128x128xf32, #tpu.memory_space<vmem>>
      %swap3A_827 = arith.index_cast %scan3A_728 : i32 to index
      %swap3A_828 = arith.constant 96 : index
      %swap3A_829 = tpu.vector_load %swap3A_826[%swap3A_827, %swap3A_828] {strides = array<i32>} : memref<128x128xf32, #tpu.memory_space<vmem>>, vector<1x16xf32>,
      %swap3A_830 = vector.shape_cast %swap3A_829 : vector<1x16xf32> to vector<16xf32>
      %swap3A_831 = vector.shape_cast %get3A_822 : vector<16xf32> to vector<1x16xf32>
      tpu.vector_store %swap3A_826[%swap3A_827, %swap3A_828], %swap3A_831 {strides = array<i32>} : memref<128x128xf32, #tpu.memory_space<vmem>>, vector<1x16xf32>,
      %add3A_832 = arith.constant 0 : i32
      %add3A_833 = arith.addi %add3A_832, %scan3A_728 : i32
      %get3A_834 = arith.index_cast %add3A_833 : i32 to index
      %get3A_835 = arith.constant 112 : index
      %get3A_836 = tpu.vector_load %arg7[%get3A_834, %get3A_835] {strides = array<i32>} : memref<256x128xf32, #tpu.memory_space<vmem>>, vector<1x16xf32>,
      %get3A_837 = vector.shape_cast %get3A_836 : vector<1x16xf32> to vector<16xf32>
      %swap3A_838 = arith.constant 0 : i32
      %swap3A_839 = arith.constant 0 : i32
      %swap3A_840 = tpu.memref_slice %arg8[%scan3A_209, %swap3A_838, %swap3A_839] : memref<5x128x128xf32, #tpu.memory_space<vmem>> -> memref<1x128x128xf32, #tpu.memory_space<vmem>>
      %swap3A_841 = tpu.memref_squeeze %swap3A_840 : memref<1x128x128xf32, #tpu.memory_space<vmem>> -> memref<128x128xf32, #tpu.memory_space<vmem>>
      %swap3A_842 = arith.index_cast %scan3A_728 : i32 to index
      %swap3A_843 = arith.constant 112 : index
      %swap3A_844 = tpu.vector_load %swap3A_841[%swap3A_842, %swap3A_843] {strides = array<i32>} : memref<128x128xf32, #tpu.memory_space<vmem>>, vector<1x16xf32>,
      %swap3A_845 = vector.shape_cast %swap3A_844 : vector<1x16xf32> to vector<16xf32>
      %swap3A_846 = vector.shape_cast %get3A_837 : vector<16xf32> to vector<1x16xf32>
      tpu.vector_store %swap3A_841[%swap3A_842, %swap3A_843], %swap3A_846 {strides = array<i32>} : memref<128x128xf32, #tpu.memory_space<vmem>>, vector<1x16xf32>,
    }
    %scan3A_214 = arith.constant 128 : i32
    %dma_start3A_215 = arith.constant 0 : i32
    %dma_start3A_216 = arith.constant 0 : i32
    %dma_start3A_217 = arith.constant 0 : i32
    %dma_start3A_218 = arith.constant 0 : i32
    %dma_start3A_219 = tpu.memref_slice %arg8[%dma_start3A_216, %dma_start3A_217, %dma_start3A_218] : memref<5x128x128xf32, #tpu.memory_space<vmem>> -> memref<1x128x128xf32, #tpu.memory_space<vmem>>
    %dma_start3A_220 = tpu.memref_squeeze %dma_start3A_219 : memref<1x128x128xf32, #tpu.memory_space<vmem>> -> memref<128x128xf32, #tpu.memory_space<vmem>>
    %dma_start3A_221 = arith.constant 0 : i32
    %dma_start3A_222 = tpu.memref_slice %arg6[%dma_start3A_215, %dma_start3A_221] : memref<8x128xi32, #tpu.memory_space<vmem>> -> memref<1x128xi32, #tpu.memory_space<vmem>>
    %dma_start3A_223 = tpu.memref_squeeze %dma_start3A_222 : memref<1x128xi32, #tpu.memory_space<vmem>> -> memref<128xi32, #tpu.memory_space<vmem>>
    %dma_start3A_224 = arith.constant 0 : i32
    %dma_start3A_225 = arith.constant 0 : i32
    %dma_start3A_226 = tpu.memref_slice %arg3[%dma_start3A_224, %dma_start3A_225] : memref<100000x128xf32, #tpu.memory_space<hbm>> -> memref<100000x128xf32, #tpu.memory_space<hbm>>
    tpu.enqueue_indirect_dma source(%dma_start3A_226 : memref<100000x128xf32, #tpu.memory_space<hbm>>) target(%dma_start3A_220 : memref<128x128xf32, #tpu.memory_space<vmem>>) offsets(%dma_start3A_223 : memref<128xi32, #tpu.memory_space<vmem>>) semaphore(%arg10 : memref<!tpu.dma_semaphore, #tpu.memory_space<semaphore_mem>>) {add = true}
    %scan3A_227 = arith.constant 0 : i32
    %scan3A_228 = arith.constant 1 : i32
    %scan3A_229 = arith.constant 0 : i32
    %scan3A_230 = arith.constant 128 : i32
    %scan3A_231 = arith.addi %scan3A_229, %scan3A_230 : i32
    %scan3A_232 = arith.constant 1 : i32
    scf.for %scan3A_728 = %scan3A_229 to %scan3A_231 step %scan3A_232  : i32 {
      %add3A_729 = arith.constant 128 : i32
      %add3A_730 = arith.addi %add3A_729, %scan3A_728 : i32
      %get3A = arith.index_cast %add3A_730 : i32 to index
      %get3A_731 = arith.constant 0 : index
      %get3A_732 = tpu.vector_load %arg7[%get3A, %get3A_731] {strides = array<i32>} : memref<256x128xf32, #tpu.memory_space<vmem>>, vector<1x16xf32>,
      %get3A_733 = vector.shape_cast %get3A_732 : vector<1x16xf32> to vector<16xf32>
      %swap3A = arith.constant 0 : i32
      %swap3A_734 = arith.constant 0 : i32
      %swap3A_735 = tpu.memref_slice %arg8[%scan3A_228, %swap3A, %swap3A_734] : memref<5x128x128xf32, #tpu.memory_space<vmem>> -> memref<1x128x128xf32, #tpu.memory_space<vmem>>
      %swap3A_736 = tpu.memref_squeeze %swap3A_735 : memref<1x128x128xf32, #tpu.memory_space<vmem>> -> memref<128x128xf32, #tpu.memory_space<vmem>>
      %swap3A_737 = arith.index_cast %scan3A_728 : i32 to index
      %swap3A_738 = arith.constant 0 : index
      %swap3A_739 = tpu.vector_load %swap3A_736[%swap3A_737, %swap3A_738] {strides = array<i32>} : memref<128x128xf32, #tpu.memory_space<vmem>>, vector<1x16xf32>,
      %swap3A_740 = vector.shape_cast %swap3A_739 : vector<1x16xf32> to vector<16xf32>
      %swap3A_741 = vector.shape_cast %get3A_733 : vector<16xf32> to vector<1x16xf32>
      tpu.vector_store %swap3A_736[%swap3A_737, %swap3A_738], %swap3A_741 {strides = array<i32>} : memref<128x128xf32, #tpu.memory_space<vmem>>, vector<1x16xf32>,
      %add3A_742 = arith.constant 128 : i32
      %add3A_743 = arith.addi %add3A_742, %scan3A_728 : i32
      %get3A_744 = arith.index_cast %add3A_743 : i32 to index
      %get3A_745 = arith.constant 16 : index
      %get3A_746 = tpu.vector_load %arg7[%get3A_744, %get3A_745] {strides = array<i32>} : memref<256x128xf32, #tpu.memory_space<vmem>>, vector<1x16xf32>,
      %get3A_747 = vector.shape_cast %get3A_746 : vector<1x16xf32> to vector<16xf32>
      %swap3A_748 = arith.constant 0 : i32
      %swap3A_749 = arith.constant 0 : i32
      %swap3A_750 = tpu.memref_slice %arg8[%scan3A_228, %swap3A_748, %swap3A_749] : memref<5x128x128xf32, #tpu.memory_space<vmem>> -> memref<1x128x128xf32, #tpu.memory_space<vmem>>
      %swap3A_751 = tpu.memref_squeeze %swap3A_750 : memref<1x128x128xf32, #tpu.memory_space<vmem>> -> memref<128x128xf32, #tpu.memory_space<vmem>>
      %swap3A_752 = arith.index_cast %scan3A_728 : i32 to index
      %swap3A_753 = arith.constant 16 : index
      %swap3A_754 = tpu.vector_load %swap3A_751[%swap3A_752, %swap3A_753] {strides = array<i32>} : memref<128x128xf32, #tpu.memory_space<vmem>>, vector<1x16xf32>,
      %swap3A_755 = vector.shape_cast %swap3A_754 : vector<1x16xf32> to vector<16xf32>
      %swap3A_756 = vector.shape_cast %get3A_747 : vector<16xf32> to vector<1x16xf32>
      tpu.vector_store %swap3A_751[%swap3A_752, %swap3A_753], %swap3A_756 {strides = array<i32>} : memref<128x128xf32, #tpu.memory_space<vmem>>, vector<1x16xf32>,
      %add3A_757 = arith.constant 128 : i32
      %add3A_758 = arith.addi %add3A_757, %scan3A_728 : i32
      %get3A_759 = arith.index_cast %add3A_758 : i32 to index
      %get3A_760 = arith.constant 32 : index
      %get3A_761 = tpu.vector_load %arg7[%get3A_759, %get3A_760] {strides = array<i32>} : memref<256x128xf32, #tpu.memory_space<vmem>>, vector<1x16xf32>,
      %get3A_762 = vector.shape_cast %get3A_761 : vector<1x16xf32> to vector<16xf32>
      %swap3A_763 = arith.constant 0 : i32
      %swap3A_764 = arith.constant 0 : i32
      %swap3A_765 = tpu.memref_slice %arg8[%scan3A_228, %swap3A_763, %swap3A_764] : memref<5x128x128xf32, #tpu.memory_space<vmem>> -> memref<1x128x128xf32, #tpu.memory_space<vmem>>
      %swap3A_766 = tpu.memref_squeeze %swap3A_765 : memref<1x128x128xf32, #tpu.memory_space<vmem>> -> memref<128x128xf32, #tpu.memory_space<vmem>>
      %swap3A_767 = arith.index_cast %scan3A_728 : i32 to index
      %swap3A_768 = arith.constant 32 : index
      %swap3A_769 = tpu.vector_load %swap3A_766[%swap3A_767, %swap3A_768] {strides = array<i32>} : memref<128x128xf32, #tpu.memory_space<vmem>>, vector<1x16xf32>,
      %swap3A_770 = vector.shape_cast %swap3A_769 : vector<1x16xf32> to vector<16xf32>
      %swap3A_771 = vector.shape_cast %get3A_762 : vector<16xf32> to vector<1x16xf32>
      tpu.vector_store %swap3A_766[%swap3A_767, %swap3A_768], %swap3A_771 {strides = array<i32>} : memref<128x128xf32, #tpu.memory_space<vmem>>, vector<1x16xf32>,
      %add3A_772 = arith.constant 128 : i32
      %add3A_773 = arith.addi %add3A_772, %scan3A_728 : i32
      %get3A_774 = arith.index_cast %add3A_773 : i32 to index
      %get3A_775 = arith.constant 48 : index
      %get3A_776 = tpu.vector_load %arg7[%get3A_774, %get3A_775] {strides = array<i32>} : memref<256x128xf32, #tpu.memory_space<vmem>>, vector<1x16xf32>,
      %get3A_777 = vector.shape_cast %get3A_776 : vector<1x16xf32> to vector<16xf32>
      %swap3A_778 = arith.constant 0 : i32
      %swap3A_779 = arith.constant 0 : i32
      %swap3A_780 = tpu.memref_slice %arg8[%scan3A_228, %swap3A_778, %swap3A_779] : memref<5x128x128xf32, #tpu.memory_space<vmem>> -> memref<1x128x128xf32, #tpu.memory_space<vmem>>
      %swap3A_781 = tpu.memref_squeeze %swap3A_780 : memref<1x128x128xf32, #tpu.memory_space<vmem>> -> memref<128x128xf32, #tpu.memory_space<vmem>>
      %swap3A_782 = arith.index_cast %scan3A_728 : i32 to index
      %swap3A_783 = arith.constant 48 : index
      %swap3A_784 = tpu.vector_load %swap3A_781[%swap3A_782, %swap3A_783] {strides = array<i32>} : memref<128x128xf32, #tpu.memory_space<vmem>>, vector<1x16xf32>,
      %swap3A_785 = vector.shape_cast %swap3A_784 : vector<1x16xf32> to vector<16xf32>
      %swap3A_786 = vector.shape_cast %get3A_777 : vector<16xf32> to vector<1x16xf32>
      tpu.vector_store %swap3A_781[%swap3A_782, %swap3A_783], %swap3A_786 {strides = array<i32>} : memref<128x128xf32, #tpu.memory_space<vmem>>, vector<1x16xf32>,
      %add3A_787 = arith.constant 128 : i32
      %add3A_788 = arith.addi %add3A_787, %scan3A_728 : i32
      %get3A_789 = arith.index_cast %add3A_788 : i32 to index
      %get3A_790 = arith.constant 64 : index
      %get3A_791 = tpu.vector_load %arg7[%get3A_789, %get3A_790] {strides = array<i32>} : memref<256x128xf32, #tpu.memory_space<vmem>>, vector<1x16xf32>,
      %get3A_792 = vector.shape_cast %get3A_791 : vector<1x16xf32> to vector<16xf32>
      %swap3A_793 = arith.constant 0 : i32
      %swap3A_794 = arith.constant 0 : i32
      %swap3A_795 = tpu.memref_slice %arg8[%scan3A_228, %swap3A_793, %swap3A_794] : memref<5x128x128xf32, #tpu.memory_space<vmem>> -> memref<1x128x128xf32, #tpu.memory_space<vmem>>
      %swap3A_796 = tpu.memref_squeeze %swap3A_795 : memref<1x128x128xf32, #tpu.memory_space<vmem>> -> memref<128x128xf32, #tpu.memory_space<vmem>>
      %swap3A_797 = arith.index_cast %scan3A_728 : i32 to index
      %swap3A_798 = arith.constant 64 : index
      %swap3A_799 = tpu.vector_load %swap3A_796[%swap3A_797, %swap3A_798] {strides = array<i32>} : memref<128x128xf32, #tpu.memory_space<vmem>>, vector<1x16xf32>,
      %swap3A_800 = vector.shape_cast %swap3A_799 : vector<1x16xf32> to vector<16xf32>
      %swap3A_801 = vector.shape_cast %get3A_792 : vector<16xf32> to vector<1x16xf32>
      tpu.vector_store %swap3A_796[%swap3A_797, %swap3A_798], %swap3A_801 {strides = array<i32>} : memref<128x128xf32, #tpu.memory_space<vmem>>, vector<1x16xf32>,
      %add3A_802 = arith.constant 128 : i32
      %add3A_803 = arith.addi %add3A_802, %scan3A_728 : i32
      %get3A_804 = arith.index_cast %add3A_803 : i32 to index
      %get3A_805 = arith.constant 80 : index
      %get3A_806 = tpu.vector_load %arg7[%get3A_804, %get3A_805] {strides = array<i32>} : memref<256x128xf32, #tpu.memory_space<vmem>>, vector<1x16xf32>,
      %get3A_807 = vector.shape_cast %get3A_806 : vector<1x16xf32> to vector<16xf32>
      %swap3A_808 = arith.constant 0 : i32
      %swap3A_809 = arith.constant 0 : i32
      %swap3A_810 = tpu.memref_slice %arg8[%scan3A_228, %swap3A_808, %swap3A_809] : memref<5x128x128xf32, #tpu.memory_space<vmem>> -> memref<1x128x128xf32, #tpu.memory_space<vmem>>
      %swap3A_811 = tpu.memref_squeeze %swap3A_810 : memref<1x128x128xf32, #tpu.memory_space<vmem>> -> memref<128x128xf32, #tpu.memory_space<vmem>>
      %swap3A_812 = arith.index_cast %scan3A_728 : i32 to index
      %swap3A_813 = arith.constant 80 : index
      %swap3A_814 = tpu.vector_load %swap3A_811[%swap3A_812, %swap3A_813] {strides = array<i32>} : memref<128x128xf32, #tpu.memory_space<vmem>>, vector<1x16xf32>,
      %swap3A_815 = vector.shape_cast %swap3A_814 : vector<1x16xf32> to vector<16xf32>
      %swap3A_816 = vector.shape_cast %get3A_807 : vector<16xf32> to vector<1x16xf32>
      tpu.vector_store %swap3A_811[%swap3A_812, %swap3A_813], %swap3A_816 {strides = array<i32>} : memref<128x128xf32, #tpu.memory_space<vmem>>, vector<1x16xf32>,
      %add3A_817 = arith.constant 128 : i32
      %add3A_818 = arith.addi %add3A_817, %scan3A_728 : i32
      %get3A_819 = arith.index_cast %add3A_818 : i32 to index
      %get3A_820 = arith.constant 96 : index
      %get3A_821 = tpu.vector_load %arg7[%get3A_819, %get3A_820] {strides = array<i32>} : memref<256x128xf32, #tpu.memory_space<vmem>>, vector<1x16xf32>,
      %get3A_822 = vector.shape_cast %get3A_821 : vector<1x16xf32> to vector<16xf32>
      %swap3A_823 = arith.constant 0 : i32
      %swap3A_824 = arith.constant 0 : i32
      %swap3A_825 = tpu.memref_slice %arg8[%scan3A_228, %swap3A_823, %swap3A_824] : memref<5x128x128xf32, #tpu.memory_space<vmem>> -> memref<1x128x128xf32, #tpu.memory_space<vmem>>
      %swap3A_826 = tpu.memref_squeeze %swap3A_825 : memref<1x128x128xf32, #tpu.memory_space<vmem>> -> memref<128x128xf32, #tpu.memory_space<vmem>>
      %swap3A_827 = arith.index_cast %scan3A_728 : i32 to index
      %swap3A_828 = arith.constant 96 : index
      %swap3A_829 = tpu.vector_load %swap3A_826[%swap3A_827, %swap3A_828] {strides = array<i32>} : memref<128x128xf32, #tpu.memory_space<vmem>>, vector<1x16xf32>,
      %swap3A_830 = vector.shape_cast %swap3A_829 : vector<1x16xf32> to vector<16xf32>
      %swap3A_831 = vector.shape_cast %get3A_822 : vector<16xf32> to vector<1x16xf32>
      tpu.vector_store %swap3A_826[%swap3A_827, %swap3A_828], %swap3A_831 {strides = array<i32>} : memref<128x128xf32, #tpu.memory_space<vmem>>, vector<1x16xf32>,
      %add3A_832 = arith.constant 128 : i32
      %add3A_833 = arith.addi %add3A_832, %scan3A_728 : i32
      %get3A_834 = arith.index_cast %add3A_833 : i32 to index
      %get3A_835 = arith.constant 112 : index
      %get3A_836 = tpu.vector_load %arg7[%get3A_834, %get3A_835] {strides = array<i32>} : memref<256x128xf32, #tpu.memory_space<vmem>>, vector<1x16xf32>,
      %get3A_837 = vector.shape_cast %get3A_836 : vector<1x16xf32> to vector<16xf32>
      %swap3A_838 = arith.constant 0 : i32
      %swap3A_839 = arith.constant 0 : i32
      %swap3A_840 = tpu.memref_slice %arg8[%scan3A_228, %swap3A_838, %swap3A_839] : memref<5x128x128xf32, #tpu.memory_space<vmem>> -> memref<1x128x128xf32, #tpu.memory_space<vmem>>
      %swap3A_841 = tpu.memref_squeeze %swap3A_840 : memref<1x128x128xf32, #tpu.memory_space<vmem>> -> memref<128x128xf32, #tpu.memory_space<vmem>>
      %swap3A_842 = arith.index_cast %scan3A_728 : i32 to index
      %swap3A_843 = arith.constant 112 : index
      %swap3A_844 = tpu.vector_load %swap3A_841[%swap3A_842, %swap3A_843] {strides = array<i32>} : memref<128x128xf32, #tpu.memory_space<vmem>>, vector<1x16xf32>,
      %swap3A_845 = vector.shape_cast %swap3A_844 : vector<1x16xf32> to vector<16xf32>
      %swap3A_846 = vector.shape_cast %get3A_837 : vector<16xf32> to vector<1x16xf32>
      tpu.vector_store %swap3A_841[%swap3A_842, %swap3A_843], %swap3A_846 {strides = array<i32>} : memref<128x128xf32, #tpu.memory_space<vmem>>, vector<1x16xf32>,
    }
    %scan3A_233 = arith.constant 128 : i32
    %dma_start3A_234 = arith.constant 1 : i32
    %dma_start3A_235 = arith.constant 1 : i32
    %dma_start3A_236 = arith.constant 0 : i32
    %dma_start3A_237 = arith.constant 0 : i32
    %dma_start3A_238 = tpu.memref_slice %arg8[%dma_start3A_235, %dma_start3A_236, %dma_start3A_237] : memref<5x128x128xf32, #tpu.memory_space<vmem>> -> memref<1x128x128xf32, #tpu.memory_space<vmem>>
    %dma_start3A_239 = tpu.memref_squeeze %dma_start3A_238 : memref<1x128x128xf32, #tpu.memory_space<vmem>> -> memref<128x128xf32, #tpu.memory_space<vmem>>
    %dma_start3A_240 = arith.constant 0 : i32
    %dma_start3A_241 = tpu.memref_slice %arg6[%dma_start3A_234, %dma_start3A_240] : memref<8x128xi32, #tpu.memory_space<vmem>> -> memref<1x128xi32, #tpu.memory_space<vmem>>
    %dma_start3A_242 = tpu.memref_squeeze %dma_start3A_241 : memref<1x128xi32, #tpu.memory_space<vmem>> -> memref<128xi32, #tpu.memory_space<vmem>>
    %dma_start3A_243 = arith.constant 0 : i32
    %dma_start3A_244 = arith.constant 0 : i32
    %dma_start3A_245 = tpu.memref_slice %arg3[%dma_start3A_243, %dma_start3A_244] : memref<100000x128xf32, #tpu.memory_space<hbm>> -> memref<100000x128xf32, #tpu.memory_space<hbm>>
    tpu.enqueue_indirect_dma source(%dma_start3A_245 : memref<100000x128xf32, #tpu.memory_space<hbm>>) target(%dma_start3A_239 : memref<128x128xf32, #tpu.memory_space<vmem>>) offsets(%dma_start3A_242 : memref<128xi32, #tpu.memory_space<vmem>>) semaphore(%arg10 : memref<!tpu.dma_semaphore, #tpu.memory_space<semaphore_mem>>) {add = true}
    %scan3A_246 = arith.constant 0 : i32
    %scan3A_247 = arith.constant 2 : i32
    %scan3A_248 = arith.constant 0 : i32
    %scan3A_249 = arith.constant 128 : i32
    %scan3A_250 = arith.addi %scan3A_248, %scan3A_249 : i32
    %scan3A_251 = arith.constant 1 : i32
    scf.for %scan3A_728 = %scan3A_248 to %scan3A_250 step %scan3A_251  : i32 {
      %add3A_729 = arith.constant 0 : i32
      %add3A_730 = arith.addi %add3A_729, %scan3A_728 : i32
      %get3A = arith.index_cast %add3A_730 : i32 to index
      %get3A_731 = arith.constant 0 : index
      %get3A_732 = tpu.vector_load %arg7[%get3A, %get3A_731] {strides = array<i32>} : memref<256x128xf32, #tpu.memory_space<vmem>>, vector<1x16xf32>,
      %get3A_733 = vector.shape_cast %get3A_732 : vector<1x16xf32> to vector<16xf32>
      %swap3A = arith.constant 0 : i32
      %swap3A_734 = arith.constant 0 : i32
      %swap3A_735 = tpu.memref_slice %arg8[%scan3A_247, %swap3A, %swap3A_734] : memref<5x128x128xf32, #tpu.memory_space<vmem>> -> memref<1x128x128xf32, #tpu.memory_space<vmem>>
      %swap3A_736 = tpu.memref_squeeze %swap3A_735 : memref<1x128x128xf32, #tpu.memory_space<vmem>> -> memref<128x128xf32, #tpu.memory_space<vmem>>
      %swap3A_737 = arith.index_cast %scan3A_728 : i32 to index
      %swap3A_738 = arith.constant 0 : index
      %swap3A_739 = tpu.vector_load %swap3A_736[%swap3A_737, %swap3A_738] {strides = array<i32>} : memref<128x128xf32, #tpu.memory_space<vmem>>, vector<1x16xf32>,
      %swap3A_740 = vector.shape_cast %swap3A_739 : vector<1x16xf32> to vector<16xf32>
      %swap3A_741 = vector.shape_cast %get3A_733 : vector<16xf32> to vector<1x16xf32>
      tpu.vector_store %swap3A_736[%swap3A_737, %swap3A_738], %swap3A_741 {strides = array<i32>} : memref<128x128xf32, #tpu.memory_space<vmem>>, vector<1x16xf32>,
      %add3A_742 = arith.constant 0 : i32
      %add3A_743 = arith.addi %add3A_742, %scan3A_728 : i32
      %get3A_744 = arith.index_cast %add3A_743 : i32 to index
      %get3A_745 = arith.constant 16 : index
      %get3A_746 = tpu.vector_load %arg7[%get3A_744, %get3A_745] {strides = array<i32>} : memref<256x128xf32, #tpu.memory_space<vmem>>, vector<1x16xf32>,
      %get3A_747 = vector.shape_cast %get3A_746 : vector<1x16xf32> to vector<16xf32>
      %swap3A_748 = arith.constant 0 : i32
      %swap3A_749 = arith.constant 0 : i32
      %swap3A_750 = tpu.memref_slice %arg8[%scan3A_247, %swap3A_748, %swap3A_749] : memref<5x128x128xf32, #tpu.memory_space<vmem>> -> memref<1x128x128xf32, #tpu.memory_space<vmem>>
      %swap3A_751 = tpu.memref_squeeze %swap3A_750 : memref<1x128x128xf32, #tpu.memory_space<vmem>> -> memref<128x128xf32, #tpu.memory_space<vmem>>
      %swap3A_752 = arith.index_cast %scan3A_728 : i32 to index
      %swap3A_753 = arith.constant 16 : index
      %swap3A_754 = tpu.vector_load %swap3A_751[%swap3A_752, %swap3A_753] {strides = array<i32>} : memref<128x128xf32, #tpu.memory_space<vmem>>, vector<1x16xf32>,
      %swap3A_755 = vector.shape_cast %swap3A_754 : vector<1x16xf32> to vector<16xf32>
      %swap3A_756 = vector.shape_cast %get3A_747 : vector<16xf32> to vector<1x16xf32>
      tpu.vector_store %swap3A_751[%swap3A_752, %swap3A_753], %swap3A_756 {strides = array<i32>} : memref<128x128xf32, #tpu.memory_space<vmem>>, vector<1x16xf32>,
      %add3A_757 = arith.constant 0 : i32
      %add3A_758 = arith.addi %add3A_757, %scan3A_728 : i32
      %get3A_759 = arith.index_cast %add3A_758 : i32 to index
      %get3A_760 = arith.constant 32 : index
      %get3A_761 = tpu.vector_load %arg7[%get3A_759, %get3A_760] {strides = array<i32>} : memref<256x128xf32, #tpu.memory_space<vmem>>, vector<1x16xf32>,
      %get3A_762 = vector.shape_cast %get3A_761 : vector<1x16xf32> to vector<16xf32>
      %swap3A_763 = arith.constant 0 : i32
      %swap3A_764 = arith.constant 0 : i32
      %swap3A_765 = tpu.memref_slice %arg8[%scan3A_247, %swap3A_763, %swap3A_764] : memref<5x128x128xf32, #tpu.memory_space<vmem>> -> memref<1x128x128xf32, #tpu.memory_space<vmem>>
      %swap3A_766 = tpu.memref_squeeze %swap3A_765 : memref<1x128x128xf32, #tpu.memory_space<vmem>> -> memref<128x128xf32, #tpu.memory_space<vmem>>
      %swap3A_767 = arith.index_cast %scan3A_728 : i32 to index
      %swap3A_768 = arith.constant 32 : index
      %swap3A_769 = tpu.vector_load %swap3A_766[%swap3A_767, %swap3A_768] {strides = array<i32>} : memref<128x128xf32, #tpu.memory_space<vmem>>, vector<1x16xf32>,
      %swap3A_770 = vector.shape_cast %swap3A_769 : vector<1x16xf32> to vector<16xf32>
      %swap3A_771 = vector.shape_cast %get3A_762 : vector<16xf32> to vector<1x16xf32>
      tpu.vector_store %swap3A_766[%swap3A_767, %swap3A_768], %swap3A_771 {strides = array<i32>} : memref<128x128xf32, #tpu.memory_space<vmem>>, vector<1x16xf32>,
      %add3A_772 = arith.constant 0 : i32
      %add3A_773 = arith.addi %add3A_772, %scan3A_728 : i32
      %get3A_774 = arith.index_cast %add3A_773 : i32 to index
      %get3A_775 = arith.constant 48 : index
      %get3A_776 = tpu.vector_load %arg7[%get3A_774, %get3A_775] {strides = array<i32>} : memref<256x128xf32, #tpu.memory_space<vmem>>, vector<1x16xf32>,
      %get3A_777 = vector.shape_cast %get3A_776 : vector<1x16xf32> to vector<16xf32>
      %swap3A_778 = arith.constant 0 : i32
      %swap3A_779 = arith.constant 0 : i32
      %swap3A_780 = tpu.memref_slice %arg8[%scan3A_247, %swap3A_778, %swap3A_779] : memref<5x128x128xf32, #tpu.memory_space<vmem>> -> memref<1x128x128xf32, #tpu.memory_space<vmem>>
      %swap3A_781 = tpu.memref_squeeze %swap3A_780 : memref<1x128x128xf32, #tpu.memory_space<vmem>> -> memref<128x128xf32, #tpu.memory_space<vmem>>
      %swap3A_782 = arith.index_cast %scan3A_728 : i32 to index
      %swap3A_783 = arith.constant 48 : index
      %swap3A_784 = tpu.vector_load %swap3A_781[%swap3A_782, %swap3A_783] {strides = array<i32>} : memref<128x128xf32, #tpu.memory_space<vmem>>, vector<1x16xf32>,
      %swap3A_785 = vector.shape_cast %swap3A_784 : vector<1x16xf32> to vector<16xf32>
      %swap3A_786 = vector.shape_cast %get3A_777 : vector<16xf32> to vector<1x16xf32>
      tpu.vector_store %swap3A_781[%swap3A_782, %swap3A_783], %swap3A_786 {strides = array<i32>} : memref<128x128xf32, #tpu.memory_space<vmem>>, vector<1x16xf32>,
      %add3A_787 = arith.constant 0 : i32
      %add3A_788 = arith.addi %add3A_787, %scan3A_728 : i32
      %get3A_789 = arith.index_cast %add3A_788 : i32 to index
      %get3A_790 = arith.constant 64 : index
      %get3A_791 = tpu.vector_load %arg7[%get3A_789, %get3A_790] {strides = array<i32>} : memref<256x128xf32, #tpu.memory_space<vmem>>, vector<1x16xf32>,
      %get3A_792 = vector.shape_cast %get3A_791 : vector<1x16xf32> to vector<16xf32>
      %swap3A_793 = arith.constant 0 : i32
      %swap3A_794 = arith.constant 0 : i32
      %swap3A_795 = tpu.memref_slice %arg8[%scan3A_247, %swap3A_793, %swap3A_794] : memref<5x128x128xf32, #tpu.memory_space<vmem>> -> memref<1x128x128xf32, #tpu.memory_space<vmem>>
      %swap3A_796 = tpu.memref_squeeze %swap3A_795 : memref<1x128x128xf32, #tpu.memory_space<vmem>> -> memref<128x128xf32, #tpu.memory_space<vmem>>
      %swap3A_797 = arith.index_cast %scan3A_728 : i32 to index
      %swap3A_798 = arith.constant 64 : index
      %swap3A_799 = tpu.vector_load %swap3A_796[%swap3A_797, %swap3A_798] {strides = array<i32>} : memref<128x128xf32, #tpu.memory_space<vmem>>, vector<1x16xf32>,
      %swap3A_800 = vector.shape_cast %swap3A_799 : vector<1x16xf32> to vector<16xf32>
      %swap3A_801 = vector.shape_cast %get3A_792 : vector<16xf32> to vector<1x16xf32>
      tpu.vector_store %swap3A_796[%swap3A_797, %swap3A_798], %swap3A_801 {strides = array<i32>} : memref<128x128xf32, #tpu.memory_space<vmem>>, vector<1x16xf32>,
      %add3A_802 = arith.constant 0 : i32
      %add3A_803 = arith.addi %add3A_802, %scan3A_728 : i32
      %get3A_804 = arith.index_cast %add3A_803 : i32 to index
      %get3A_805 = arith.constant 80 : index
      %get3A_806 = tpu.vector_load %arg7[%get3A_804, %get3A_805] {strides = array<i32>} : memref<256x128xf32, #tpu.memory_space<vmem>>, vector<1x16xf32>,
      %get3A_807 = vector.shape_cast %get3A_806 : vector<1x16xf32> to vector<16xf32>
      %swap3A_808 = arith.constant 0 : i32
      %swap3A_809 = arith.constant 0 : i32
      %swap3A_810 = tpu.memref_slice %arg8[%scan3A_247, %swap3A_808, %swap3A_809] : memref<5x128x128xf32, #tpu.memory_space<vmem>> -> memref<1x128x128xf32, #tpu.memory_space<vmem>>
      %swap3A_811 = tpu.memref_squeeze %swap3A_810 : memref<1x128x128xf32, #tpu.memory_space<vmem>> -> memref<128x128xf32, #tpu.memory_space<vmem>>
      %swap3A_812 = arith.index_cast %scan3A_728 : i32 to index
      %swap3A_813 = arith.constant 80 : index
      %swap3A_814 = tpu.vector_load %swap3A_811[%swap3A_812, %swap3A_813] {strides = array<i32>} : memref<128x128xf32, #tpu.memory_space<vmem>>, vector<1x16xf32>,
      %swap3A_815 = vector.shape_cast %swap3A_814 : vector<1x16xf32> to vector<16xf32>
      %swap3A_816 = vector.shape_cast %get3A_807 : vector<16xf32> to vector<1x16xf32>
      tpu.vector_store %swap3A_811[%swap3A_812, %swap3A_813], %swap3A_816 {strides = array<i32>} : memref<128x128xf32, #tpu.memory_space<vmem>>, vector<1x16xf32>,
      %add3A_817 = arith.constant 0 : i32
      %add3A_818 = arith.addi %add3A_817, %scan3A_728 : i32
      %get3A_819 = arith.index_cast %add3A_818 : i32 to index
      %get3A_820 = arith.constant 96 : index
      %get3A_821 = tpu.vector_load %arg7[%get3A_819, %get3A_820] {strides = array<i32>} : memref<256x128xf32, #tpu.memory_space<vmem>>, vector<1x16xf32>,
      %get3A_822 = vector.shape_cast %get3A_821 : vector<1x16xf32> to vector<16xf32>
      %swap3A_823 = arith.constant 0 : i32
      %swap3A_824 = arith.constant 0 : i32
      %swap3A_825 = tpu.memref_slice %arg8[%scan3A_247, %swap3A_823, %swap3A_824] : memref<5x128x128xf32, #tpu.memory_space<vmem>> -> memref<1x128x128xf32, #tpu.memory_space<vmem>>
      %swap3A_826 = tpu.memref_squeeze %swap3A_825 : memref<1x128x128xf32, #tpu.memory_space<vmem>> -> memref<128x128xf32, #tpu.memory_space<vmem>>
      %swap3A_827 = arith.index_cast %scan3A_728 : i32 to index
      %swap3A_828 = arith.constant 96 : index
      %swap3A_829 = tpu.vector_load %swap3A_826[%swap3A_827, %swap3A_828] {strides = array<i32>} : memref<128x128xf32, #tpu.memory_space<vmem>>, vector<1x16xf32>,
      %swap3A_830 = vector.shape_cast %swap3A_829 : vector<1x16xf32> to vector<16xf32>
      %swap3A_831 = vector.shape_cast %get3A_822 : vector<16xf32> to vector<1x16xf32>
      tpu.vector_store %swap3A_826[%swap3A_827, %swap3A_828], %swap3A_831 {strides = array<i32>} : memref<128x128xf32, #tpu.memory_space<vmem>>, vector<1x16xf32>,
      %add3A_832 = arith.constant 0 : i32
      %add3A_833 = arith.addi %add3A_832, %scan3A_728 : i32
      %get3A_834 = arith.index_cast %add3A_833 : i32 to index
      %get3A_835 = arith.constant 112 : index
      %get3A_836 = tpu.vector_load %arg7[%get3A_834, %get3A_835] {strides = array<i32>} : memref<256x128xf32, #tpu.memory_space<vmem>>, vector<1x16xf32>,
      %get3A_837 = vector.shape_cast %get3A_836 : vector<1x16xf32> to vector<16xf32>
      %swap3A_838 = arith.constant 0 : i32
      %swap3A_839 = arith.constant 0 : i32
      %swap3A_840 = tpu.memref_slice %arg8[%scan3A_247, %swap3A_838, %swap3A_839] : memref<5x128x128xf32, #tpu.memory_space<vmem>> -> memref<1x128x128xf32, #tpu.memory_space<vmem>>
      %swap3A_841 = tpu.memref_squeeze %swap3A_840 : memref<1x128x128xf32, #tpu.memory_space<vmem>> -> memref<128x128xf32, #tpu.memory_space<vmem>>
      %swap3A_842 = arith.index_cast %scan3A_728 : i32 to index
      %swap3A_843 = arith.constant 112 : index
      %swap3A_844 = tpu.vector_load %swap3A_841[%swap3A_842, %swap3A_843] {strides = array<i32>} : memref<128x128xf32, #tpu.memory_space<vmem>>, vector<1x16xf32>,
      %swap3A_845 = vector.shape_cast %swap3A_844 : vector<1x16xf32> to vector<16xf32>
      %swap3A_846 = vector.shape_cast %get3A_837 : vector<16xf32> to vector<1x16xf32>
      tpu.vector_store %swap3A_841[%swap3A_842, %swap3A_843], %swap3A_846 {strides = array<i32>} : memref<128x128xf32, #tpu.memory_space<vmem>>, vector<1x16xf32>,
    }
    %scan3A_252 = arith.constant 128 : i32
    %dma_start3A_253 = arith.constant 2 : i32
    %dma_start3A_254 = arith.constant 2 : i32
    %dma_start3A_255 = arith.constant 0 : i32
    %dma_start3A_256 = arith.constant 0 : i32
    %dma_start3A_257 = tpu.memref_slice %arg8[%dma_start3A_254, %dma_start3A_255, %dma_start3A_256] : memref<5x128x128xf32, #tpu.memory_space<vmem>> -> memref<1x128x128xf32, #tpu.memory_space<vmem>>
    %dma_start3A_258 = tpu.memref_squeeze %dma_start3A_257 : memref<1x128x128xf32, #tpu.memory_space<vmem>> -> memref<128x128xf32, #tpu.memory_space<vmem>>
    %dma_start3A_259 = arith.constant 0 : i32
    %dma_start3A_260 = tpu.memref_slice %arg6[%dma_start3A_253, %dma_start3A_259] : memref<8x128xi32, #tpu.memory_space<vmem>> -> memref<1x128xi32, #tpu.memory_space<vmem>>
    %dma_start3A_261 = tpu.memref_squeeze %dma_start3A_260 : memref<1x128xi32, #tpu.memory_space<vmem>> -> memref<128xi32, #tpu.memory_space<vmem>>
    %dma_start3A_262 = arith.constant 0 : i32
    %dma_start3A_263 = arith.constant 0 : i32
    %dma_start3A_264 = tpu.memref_slice %arg3[%dma_start3A_262, %dma_start3A_263] : memref<100000x128xf32, #tpu.memory_space<hbm>> -> memref<100000x128xf32, #tpu.memory_space<hbm>>
    tpu.enqueue_indirect_dma source(%dma_start3A_264 : memref<100000x128xf32, #tpu.memory_space<hbm>>) target(%dma_start3A_258 : memref<128x128xf32, #tpu.memory_space<vmem>>) offsets(%dma_start3A_261 : memref<128xi32, #tpu.memory_space<vmem>>) semaphore(%arg10 : memref<!tpu.dma_semaphore, #tpu.memory_space<semaphore_mem>>) {add = true}
    %scan3A_265 = arith.constant 0 : i32
    %scan3A_266 = arith.constant 3 : i32
    %scan3A_267 = arith.constant 0 : i32
    %scan3A_268 = arith.constant 128 : i32
    %scan3A_269 = arith.addi %scan3A_267, %scan3A_268 : i32
    %scan3A_270 = arith.constant 1 : i32
    scf.for %scan3A_728 = %scan3A_267 to %scan3A_269 step %scan3A_270  : i32 {
      %add3A_729 = arith.constant 128 : i32
      %add3A_730 = arith.addi %add3A_729, %scan3A_728 : i32
      %get3A = arith.index_cast %add3A_730 : i32 to index
      %get3A_731 = arith.constant 0 : index
      %get3A_732 = tpu.vector_load %arg7[%get3A, %get3A_731] {strides = array<i32>} : memref<256x128xf32, #tpu.memory_space<vmem>>, vector<1x16xf32>,
      %get3A_733 = vector.shape_cast %get3A_732 : vector<1x16xf32> to vector<16xf32>
      %swap3A = arith.constant 0 : i32
      %swap3A_734 = arith.constant 0 : i32
      %swap3A_735 = tpu.memref_slice %arg8[%scan3A_266, %swap3A, %swap3A_734] : memref<5x128x128xf32, #tpu.memory_space<vmem>> -> memref<1x128x128xf32, #tpu.memory_space<vmem>>
      %swap3A_736 = tpu.memref_squeeze %swap3A_735 : memref<1x128x128xf32, #tpu.memory_space<vmem>> -> memref<128x128xf32, #tpu.memory_space<vmem>>
      %swap3A_737 = arith.index_cast %scan3A_728 : i32 to index
      %swap3A_738 = arith.constant 0 : index
      %swap3A_739 = tpu.vector_load %swap3A_736[%swap3A_737, %swap3A_738] {strides = array<i32>} : memref<128x128xf32, #tpu.memory_space<vmem>>, vector<1x16xf32>,
      %swap3A_740 = vector.shape_cast %swap3A_739 : vector<1x16xf32> to vector<16xf32>
      %swap3A_741 = vector.shape_cast %get3A_733 : vector<16xf32> to vector<1x16xf32>
      tpu.vector_store %swap3A_736[%swap3A_737, %swap3A_738], %swap3A_741 {strides = array<i32>} : memref<128x128xf32, #tpu.memory_space<vmem>>, vector<1x16xf32>,
      %add3A_742 = arith.constant 128 : i32
      %add3A_743 = arith.addi %add3A_742, %scan3A_728 : i32
      %get3A_744 = arith.index_cast %add3A_743 : i32 to index
      %get3A_745 = arith.constant 16 : index
      %get3A_746 = tpu.vector_load %arg7[%get3A_744, %get3A_745] {strides = array<i32>} : memref<256x128xf32, #tpu.memory_space<vmem>>, vector<1x16xf32>,
      %get3A_747 = vector.shape_cast %get3A_746 : vector<1x16xf32> to vector<16xf32>
      %swap3A_748 = arith.constant 0 : i32
      %swap3A_749 = arith.constant 0 : i32
      %swap3A_750 = tpu.memref_slice %arg8[%scan3A_266, %swap3A_748, %swap3A_749] : memref<5x128x128xf32, #tpu.memory_space<vmem>> -> memref<1x128x128xf32, #tpu.memory_space<vmem>>
      %swap3A_751 = tpu.memref_squeeze %swap3A_750 : memref<1x128x128xf32, #tpu.memory_space<vmem>> -> memref<128x128xf32, #tpu.memory_space<vmem>>
      %swap3A_752 = arith.index_cast %scan3A_728 : i32 to index
      %swap3A_753 = arith.constant 16 : index
      %swap3A_754 = tpu.vector_load %swap3A_751[%swap3A_752, %swap3A_753] {strides = array<i32>} : memref<128x128xf32, #tpu.memory_space<vmem>>, vector<1x16xf32>,
      %swap3A_755 = vector.shape_cast %swap3A_754 : vector<1x16xf32> to vector<16xf32>
      %swap3A_756 = vector.shape_cast %get3A_747 : vector<16xf32> to vector<1x16xf32>
      tpu.vector_store %swap3A_751[%swap3A_752, %swap3A_753], %swap3A_756 {strides = array<i32>} : memref<128x128xf32, #tpu.memory_space<vmem>>, vector<1x16xf32>,
      %add3A_757 = arith.constant 128 : i32
      %add3A_758 = arith.addi %add3A_757, %scan3A_728 : i32
      %get3A_759 = arith.index_cast %add3A_758 : i32 to index
      %get3A_760 = arith.constant 32 : index
      %get3A_761 = tpu.vector_load %arg7[%get3A_759, %get3A_760] {strides = array<i32>} : memref<256x128xf32, #tpu.memory_space<vmem>>, vector<1x16xf32>,
      %get3A_762 = vector.shape_cast %get3A_761 : vector<1x16xf32> to vector<16xf32>
      %swap3A_763 = arith.constant 0 : i32
      %swap3A_764 = arith.constant 0 : i32
      %swap3A_765 = tpu.memref_slice %arg8[%scan3A_266, %swap3A_763, %swap3A_764] : memref<5x128x128xf32, #tpu.memory_space<vmem>> -> memref<1x128x128xf32, #tpu.memory_space<vmem>>
      %swap3A_766 = tpu.memref_squeeze %swap3A_765 : memref<1x128x128xf32, #tpu.memory_space<vmem>> -> memref<128x128xf32, #tpu.memory_space<vmem>>
      %swap3A_767 = arith.index_cast %scan3A_728 : i32 to index
      %swap3A_768 = arith.constant 32 : index
      %swap3A_769 = tpu.vector_load %swap3A_766[%swap3A_767, %swap3A_768] {strides = array<i32>} : memref<128x128xf32, #tpu.memory_space<vmem>>, vector<1x16xf32>,
      %swap3A_770 = vector.shape_cast %swap3A_769 : vector<1x16xf32> to vector<16xf32>
      %swap3A_771 = vector.shape_cast %get3A_762 : vector<16xf32> to vector<1x16xf32>
      tpu.vector_store %swap3A_766[%swap3A_767, %swap3A_768], %swap3A_771 {strides = array<i32>} : memref<128x128xf32, #tpu.memory_space<vmem>>, vector<1x16xf32>,
      %add3A_772 = arith.constant 128 : i32
      %add3A_773 = arith.addi %add3A_772, %scan3A_728 : i32
      %get3A_774 = arith.index_cast %add3A_773 : i32 to index
      %get3A_775 = arith.constant 48 : index
      %get3A_776 = tpu.vector_load %arg7[%get3A_774, %get3A_775] {strides = array<i32>} : memref<256x128xf32, #tpu.memory_space<vmem>>, vector<1x16xf32>,
      %get3A_777 = vector.shape_cast %get3A_776 : vector<1x16xf32> to vector<16xf32>
      %swap3A_778 = arith.constant 0 : i32
      %swap3A_779 = arith.constant 0 : i32
      %swap3A_780 = tpu.memref_slice %arg8[%scan3A_266, %swap3A_778, %swap3A_779] : memref<5x128x128xf32, #tpu.memory_space<vmem>> -> memref<1x128x128xf32, #tpu.memory_space<vmem>>
      %swap3A_781 = tpu.memref_squeeze %swap3A_780 : memref<1x128x128xf32, #tpu.memory_space<vmem>> -> memref<128x128xf32, #tpu.memory_space<vmem>>
      %swap3A_782 = arith.index_cast %scan3A_728 : i32 to index
      %swap3A_783 = arith.constant 48 : index
      %swap3A_784 = tpu.vector_load %swap3A_781[%swap3A_782, %swap3A_783] {strides = array<i32>} : memref<128x128xf32, #tpu.memory_space<vmem>>, vector<1x16xf32>,
      %swap3A_785 = vector.shape_cast %swap3A_784 : vector<1x16xf32> to vector<16xf32>
      %swap3A_786 = vector.shape_cast %get3A_777 : vector<16xf32> to vector<1x16xf32>
      tpu.vector_store %swap3A_781[%swap3A_782, %swap3A_783], %swap3A_786 {strides = array<i32>} : memref<128x128xf32, #tpu.memory_space<vmem>>, vector<1x16xf32>,
      %add3A_787 = arith.constant 128 : i32
      %add3A_788 = arith.addi %add3A_787, %scan3A_728 : i32
      %get3A_789 = arith.index_cast %add3A_788 : i32 to index
      %get3A_790 = arith.constant 64 : index
      %get3A_791 = tpu.vector_load %arg7[%get3A_789, %get3A_790] {strides = array<i32>} : memref<256x128xf32, #tpu.memory_space<vmem>>, vector<1x16xf32>,
      %get3A_792 = vector.shape_cast %get3A_791 : vector<1x16xf32> to vector<16xf32>
      %swap3A_793 = arith.constant 0 : i32
      %swap3A_794 = arith.constant 0 : i32
      %swap3A_795 = tpu.memref_slice %arg8[%scan3A_266, %swap3A_793, %swap3A_794] : memref<5x128x128xf32, #tpu.memory_space<vmem>> -> memref<1x128x128xf32, #tpu.memory_space<vmem>>
      %swap3A_796 = tpu.memref_squeeze %swap3A_795 : memref<1x128x128xf32, #tpu.memory_space<vmem>> -> memref<128x128xf32, #tpu.memory_space<vmem>>
      %swap3A_797 = arith.index_cast %scan3A_728 : i32 to index
      %swap3A_798 = arith.constant 64 : index
      %swap3A_799 = tpu.vector_load %swap3A_796[%swap3A_797, %swap3A_798] {strides = array<i32>} : memref<128x128xf32, #tpu.memory_space<vmem>>, vector<1x16xf32>,
      %swap3A_800 = vector.shape_cast %swap3A_799 : vector<1x16xf32> to vector<16xf32>
      %swap3A_801 = vector.shape_cast %get3A_792 : vector<16xf32> to vector<1x16xf32>
      tpu.vector_store %swap3A_796[%swap3A_797, %swap3A_798], %swap3A_801 {strides = array<i32>} : memref<128x128xf32, #tpu.memory_space<vmem>>, vector<1x16xf32>,
      %add3A_802 = arith.constant 128 : i32
      %add3A_803 = arith.addi %add3A_802, %scan3A_728 : i32
      %get3A_804 = arith.index_cast %add3A_803 : i32 to index
      %get3A_805 = arith.constant 80 : index
      %get3A_806 = tpu.vector_load %arg7[%get3A_804, %get3A_805] {strides = array<i32>} : memref<256x128xf32, #tpu.memory_space<vmem>>, vector<1x16xf32>,
      %get3A_807 = vector.shape_cast %get3A_806 : vector<1x16xf32> to vector<16xf32>
      %swap3A_808 = arith.constant 0 : i32
      %swap3A_809 = arith.constant 0 : i32
      %swap3A_810 = tpu.memref_slice %arg8[%scan3A_266, %swap3A_808, %swap3A_809] : memref<5x128x128xf32, #tpu.memory_space<vmem>> -> memref<1x128x128xf32, #tpu.memory_space<vmem>>
      %swap3A_811 = tpu.memref_squeeze %swap3A_810 : memref<1x128x128xf32, #tpu.memory_space<vmem>> -> memref<128x128xf32, #tpu.memory_space<vmem>>
      %swap3A_812 = arith.index_cast %scan3A_728 : i32 to index
      %swap3A_813 = arith.constant 80 : index
      %swap3A_814 = tpu.vector_load %swap3A_811[%swap3A_812, %swap3A_813] {strides = array<i32>} : memref<128x128xf32, #tpu.memory_space<vmem>>, vector<1x16xf32>,
      %swap3A_815 = vector.shape_cast %swap3A_814 : vector<1x16xf32> to vector<16xf32>
      %swap3A_816 = vector.shape_cast %get3A_807 : vector<16xf32> to vector<1x16xf32>
      tpu.vector_store %swap3A_811[%swap3A_812, %swap3A_813], %swap3A_816 {strides = array<i32>} : memref<128x128xf32, #tpu.memory_space<vmem>>, vector<1x16xf32>,
      %add3A_817 = arith.constant 128 : i32
      %add3A_818 = arith.addi %add3A_817, %scan3A_728 : i32
      %get3A_819 = arith.index_cast %add3A_818 : i32 to index
      %get3A_820 = arith.constant 96 : index
      %get3A_821 = tpu.vector_load %arg7[%get3A_819, %get3A_820] {strides = array<i32>} : memref<256x128xf32, #tpu.memory_space<vmem>>, vector<1x16xf32>,
      %get3A_822 = vector.shape_cast %get3A_821 : vector<1x16xf32> to vector<16xf32>
      %swap3A_823 = arith.constant 0 : i32
      %swap3A_824 = arith.constant 0 : i32
      %swap3A_825 = tpu.memref_slice %arg8[%scan3A_266, %swap3A_823, %swap3A_824] : memref<5x128x128xf32, #tpu.memory_space<vmem>> -> memref<1x128x128xf32, #tpu.memory_space<vmem>>
      %swap3A_826 = tpu.memref_squeeze %swap3A_825 : memref<1x128x128xf32, #tpu.memory_space<vmem>> -> memref<128x128xf32, #tpu.memory_space<vmem>>
      %swap3A_827 = arith.index_cast %scan3A_728 : i32 to index
      %swap3A_828 = arith.constant 96 : index
      %swap3A_829 = tpu.vector_load %swap3A_826[%swap3A_827, %swap3A_828] {strides = array<i32>} : memref<128x128xf32, #tpu.memory_space<vmem>>, vector<1x16xf32>,
      %swap3A_830 = vector.shape_cast %swap3A_829 : vector<1x16xf32> to vector<16xf32>
      %swap3A_831 = vector.shape_cast %get3A_822 : vector<16xf32> to vector<1x16xf32>
      tpu.vector_store %swap3A_826[%swap3A_827, %swap3A_828], %swap3A_831 {strides = array<i32>} : memref<128x128xf32, #tpu.memory_space<vmem>>, vector<1x16xf32>,
      %add3A_832 = arith.constant 128 : i32
      %add3A_833 = arith.addi %add3A_832, %scan3A_728 : i32
      %get3A_834 = arith.index_cast %add3A_833 : i32 to index
      %get3A_835 = arith.constant 112 : index
      %get3A_836 = tpu.vector_load %arg7[%get3A_834, %get3A_835] {strides = array<i32>} : memref<256x128xf32, #tpu.memory_space<vmem>>, vector<1x16xf32>,
      %get3A_837 = vector.shape_cast %get3A_836 : vector<1x16xf32> to vector<16xf32>
      %swap3A_838 = arith.constant 0 : i32
      %swap3A_839 = arith.constant 0 : i32
      %swap3A_840 = tpu.memref_slice %arg8[%scan3A_266, %swap3A_838, %swap3A_839] : memref<5x128x128xf32, #tpu.memory_space<vmem>> -> memref<1x128x128xf32, #tpu.memory_space<vmem>>
      %swap3A_841 = tpu.memref_squeeze %swap3A_840 : memref<1x128x128xf32, #tpu.memory_space<vmem>> -> memref<128x128xf32, #tpu.memory_space<vmem>>
      %swap3A_842 = arith.index_cast %scan3A_728 : i32 to index
      %swap3A_843 = arith.constant 112 : index
      %swap3A_844 = tpu.vector_load %swap3A_841[%swap3A_842, %swap3A_843] {strides = array<i32>} : memref<128x128xf32, #tpu.memory_space<vmem>>, vector<1x16xf32>,
      %swap3A_845 = vector.shape_cast %swap3A_844 : vector<1x16xf32> to vector<16xf32>
      %swap3A_846 = vector.shape_cast %get3A_837 : vector<16xf32> to vector<1x16xf32>
      tpu.vector_store %swap3A_841[%swap3A_842, %swap3A_843], %swap3A_846 {strides = array<i32>} : memref<128x128xf32, #tpu.memory_space<vmem>>, vector<1x16xf32>,
    }
    %scan3A_271 = arith.constant 128 : i32
    %dma_start3A_272 = arith.constant 3 : i32
    %dma_start3A_273 = arith.constant 3 : i32
    %dma_start3A_274 = arith.constant 0 : i32
    %dma_start3A_275 = arith.constant 0 : i32
    %dma_start3A_276 = tpu.memref_slice %arg8[%dma_start3A_273, %dma_start3A_274, %dma_start3A_275] : memref<5x128x128xf32, #tpu.memory_space<vmem>> -> memref<1x128x128xf32, #tpu.memory_space<vmem>>
    %dma_start3A_277 = tpu.memref_squeeze %dma_start3A_276 : memref<1x128x128xf32, #tpu.memory_space<vmem>> -> memref<128x128xf32, #tpu.memory_space<vmem>>
    %dma_start3A_278 = arith.constant 0 : i32
    %dma_start3A_279 = tpu.memref_slice %arg6[%dma_start3A_272, %dma_start3A_278] : memref<8x128xi32, #tpu.memory_space<vmem>> -> memref<1x128xi32, #tpu.memory_space<vmem>>
    %dma_start3A_280 = tpu.memref_squeeze %dma_start3A_279 : memref<1x128xi32, #tpu.memory_space<vmem>> -> memref<128xi32, #tpu.memory_space<vmem>>
    %dma_start3A_281 = arith.constant 0 : i32
    %dma_start3A_282 = arith.constant 0 : i32
    %dma_start3A_283 = tpu.memref_slice %arg3[%dma_start3A_281, %dma_start3A_282] : memref<100000x128xf32, #tpu.memory_space<hbm>> -> memref<100000x128xf32, #tpu.memory_space<hbm>>
    tpu.enqueue_indirect_dma source(%dma_start3A_283 : memref<100000x128xf32, #tpu.memory_space<hbm>>) target(%dma_start3A_277 : memref<128x128xf32, #tpu.memory_space<vmem>>) offsets(%dma_start3A_280 : memref<128xi32, #tpu.memory_space<vmem>>) semaphore(%arg10 : memref<!tpu.dma_semaphore, #tpu.memory_space<semaphore_mem>>) {add = true}
    %scan3A_284 = arith.constant 0 : i32
    %scan3A_285 = arith.constant 4 : i32
    %scan3A_286 = arith.constant 0 : i32
    %scan3A_287 = arith.constant 128 : i32
    %scan3A_288 = arith.addi %scan3A_286, %scan3A_287 : i32
    %scan3A_289 = arith.constant 1 : i32
    scf.for %scan3A_728 = %scan3A_286 to %scan3A_288 step %scan3A_289  : i32 {
      %add3A_729 = arith.constant 0 : i32
      %add3A_730 = arith.addi %add3A_729, %scan3A_728 : i32
      %get3A = arith.index_cast %add3A_730 : i32 to index
      %get3A_731 = arith.constant 0 : index
      %get3A_732 = tpu.vector_load %arg7[%get3A, %get3A_731] {strides = array<i32>} : memref<256x128xf32, #tpu.memory_space<vmem>>, vector<1x16xf32>,
      %get3A_733 = vector.shape_cast %get3A_732 : vector<1x16xf32> to vector<16xf32>
      %swap3A = arith.constant 0 : i32
      %swap3A_734 = arith.constant 0 : i32
      %swap3A_735 = tpu.memref_slice %arg8[%scan3A_285, %swap3A, %swap3A_734] : memref<5x128x128xf32, #tpu.memory_space<vmem>> -> memref<1x128x128xf32, #tpu.memory_space<vmem>>
      %swap3A_736 = tpu.memref_squeeze %swap3A_735 : memref<1x128x128xf32, #tpu.memory_space<vmem>> -> memref<128x128xf32, #tpu.memory_space<vmem>>
      %swap3A_737 = arith.index_cast %scan3A_728 : i32 to index
      %swap3A_738 = arith.constant 0 : index
      %swap3A_739 = tpu.vector_load %swap3A_736[%swap3A_737, %swap3A_738] {strides = array<i32>} : memref<128x128xf32, #tpu.memory_space<vmem>>, vector<1x16xf32>,
      %swap3A_740 = vector.shape_cast %swap3A_739 : vector<1x16xf32> to vector<16xf32>
      %swap3A_741 = vector.shape_cast %get3A_733 : vector<16xf32> to vector<1x16xf32>
      tpu.vector_store %swap3A_736[%swap3A_737, %swap3A_738], %swap3A_741 {strides = array<i32>} : memref<128x128xf32, #tpu.memory_space<vmem>>, vector<1x16xf32>,
      %add3A_742 = arith.constant 0 : i32
      %add3A_743 = arith.addi %add3A_742, %scan3A_728 : i32
      %get3A_744 = arith.index_cast %add3A_743 : i32 to index
      %get3A_745 = arith.constant 16 : index
      %get3A_746 = tpu.vector_load %arg7[%get3A_744, %get3A_745] {strides = array<i32>} : memref<256x128xf32, #tpu.memory_space<vmem>>, vector<1x16xf32>,
      %get3A_747 = vector.shape_cast %get3A_746 : vector<1x16xf32> to vector<16xf32>
      %swap3A_748 = arith.constant 0 : i32
      %swap3A_749 = arith.constant 0 : i32
      %swap3A_750 = tpu.memref_slice %arg8[%scan3A_285, %swap3A_748, %swap3A_749] : memref<5x128x128xf32, #tpu.memory_space<vmem>> -> memref<1x128x128xf32, #tpu.memory_space<vmem>>
      %swap3A_751 = tpu.memref_squeeze %swap3A_750 : memref<1x128x128xf32, #tpu.memory_space<vmem>> -> memref<128x128xf32, #tpu.memory_space<vmem>>
      %swap3A_752 = arith.index_cast %scan3A_728 : i32 to index
      %swap3A_753 = arith.constant 16 : index
      %swap3A_754 = tpu.vector_load %swap3A_751[%swap3A_752, %swap3A_753] {strides = array<i32>} : memref<128x128xf32, #tpu.memory_space<vmem>>, vector<1x16xf32>,
      %swap3A_755 = vector.shape_cast %swap3A_754 : vector<1x16xf32> to vector<16xf32>
      %swap3A_756 = vector.shape_cast %get3A_747 : vector<16xf32> to vector<1x16xf32>
      tpu.vector_store %swap3A_751[%swap3A_752, %swap3A_753], %swap3A_756 {strides = array<i32>} : memref<128x128xf32, #tpu.memory_space<vmem>>, vector<1x16xf32>,
      %add3A_757 = arith.constant 0 : i32
      %add3A_758 = arith.addi %add3A_757, %scan3A_728 : i32
      %get3A_759 = arith.index_cast %add3A_758 : i32 to index
      %get3A_760 = arith.constant 32 : index
      %get3A_761 = tpu.vector_load %arg7[%get3A_759, %get3A_760] {strides = array<i32>} : memref<256x128xf32, #tpu.memory_space<vmem>>, vector<1x16xf32>,
      %get3A_762 = vector.shape_cast %get3A_761 : vector<1x16xf32> to vector<16xf32>
      %swap3A_763 = arith.constant 0 : i32
      %swap3A_764 = arith.constant 0 : i32
      %swap3A_765 = tpu.memref_slice %arg8[%scan3A_285, %swap3A_763, %swap3A_764] : memref<5x128x128xf32, #tpu.memory_space<vmem>> -> memref<1x128x128xf32, #tpu.memory_space<vmem>>
      %swap3A_766 = tpu.memref_squeeze %swap3A_765 : memref<1x128x128xf32, #tpu.memory_space<vmem>> -> memref<128x128xf32, #tpu.memory_space<vmem>>
      %swap3A_767 = arith.index_cast %scan3A_728 : i32 to index
      %swap3A_768 = arith.constant 32 : index
      %swap3A_769 = tpu.vector_load %swap3A_766[%swap3A_767, %swap3A_768] {strides = array<i32>} : memref<128x128xf32, #tpu.memory_space<vmem>>, vector<1x16xf32>,
      %swap3A_770 = vector.shape_cast %swap3A_769 : vector<1x16xf32> to vector<16xf32>
      %swap3A_771 = vector.shape_cast %get3A_762 : vector<16xf32> to vector<1x16xf32>
      tpu.vector_store %swap3A_766[%swap3A_767, %swap3A_768], %swap3A_771 {strides = array<i32>} : memref<128x128xf32, #tpu.memory_space<vmem>>, vector<1x16xf32>,
      %add3A_772 = arith.constant 0 : i32
      %add3A_773 = arith.addi %add3A_772, %scan3A_728 : i32
      %get3A_774 = arith.index_cast %add3A_773 : i32 to index
      %get3A_775 = arith.constant 48 : index
      %get3A_776 = tpu.vector_load %arg7[%get3A_774, %get3A_775] {strides = array<i32>} : memref<256x128xf32, #tpu.memory_space<vmem>>, vector<1x16xf32>,
      %get3A_777 = vector.shape_cast %get3A_776 : vector<1x16xf32> to vector<16xf32>
      %swap3A_778 = arith.constant 0 : i32
      %swap3A_779 = arith.constant 0 : i32
      %swap3A_780 = tpu.memref_slice %arg8[%scan3A_285, %swap3A_778, %swap3A_779] : memref<5x128x128xf32, #tpu.memory_space<vmem>> -> memref<1x128x128xf32, #tpu.memory_space<vmem>>
      %swap3A_781 = tpu.memref_squeeze %swap3A_780 : memref<1x128x128xf32, #tpu.memory_space<vmem>> -> memref<128x128xf32, #tpu.memory_space<vmem>>
      %swap3A_782 = arith.index_cast %scan3A_728 : i32 to index
      %swap3A_783 = arith.constant 48 : index
      %swap3A_784 = tpu.vector_load %swap3A_781[%swap3A_782, %swap3A_783] {strides = array<i32>} : memref<128x128xf32, #tpu.memory_space<vmem>>, vector<1x16xf32>,
      %swap3A_785 = vector.shape_cast %swap3A_784 : vector<1x16xf32> to vector<16xf32>
      %swap3A_786 = vector.shape_cast %get3A_777 : vector<16xf32> to vector<1x16xf32>
      tpu.vector_store %swap3A_781[%swap3A_782, %swap3A_783], %swap3A_786 {strides = array<i32>} : memref<128x128xf32, #tpu.memory_space<vmem>>, vector<1x16xf32>,
      %add3A_787 = arith.constant 0 : i32
      %add3A_788 = arith.addi %add3A_787, %scan3A_728 : i32
      %get3A_789 = arith.index_cast %add3A_788 : i32 to index
      %get3A_790 = arith.constant 64 : index
      %get3A_791 = tpu.vector_load %arg7[%get3A_789, %get3A_790] {strides = array<i32>} : memref<256x128xf32, #tpu.memory_space<vmem>>, vector<1x16xf32>,
      %get3A_792 = vector.shape_cast %get3A_791 : vector<1x16xf32> to vector<16xf32>
      %swap3A_793 = arith.constant 0 : i32
      %swap3A_794 = arith.constant 0 : i32
      %swap3A_795 = tpu.memref_slice %arg8[%scan3A_285, %swap3A_793, %swap3A_794] : memref<5x128x128xf32, #tpu.memory_space<vmem>> -> memref<1x128x128xf32, #tpu.memory_space<vmem>>
      %swap3A_796 = tpu.memref_squeeze %swap3A_795 : memref<1x128x128xf32, #tpu.memory_space<vmem>> -> memref<128x128xf32, #tpu.memory_space<vmem>>
      %swap3A_797 = arith.index_cast %scan3A_728 : i32 to index
      %swap3A_798 = arith.constant 64 : index
      %swap3A_799 = tpu.vector_load %swap3A_796[%swap3A_797, %swap3A_798] {strides = array<i32>} : memref<128x128xf32, #tpu.memory_space<vmem>>, vector<1x16xf32>,
      %swap3A_800 = vector.shape_cast %swap3A_799 : vector<1x16xf32> to vector<16xf32>
      %swap3A_801 = vector.shape_cast %get3A_792 : vector<16xf32> to vector<1x16xf32>
      tpu.vector_store %swap3A_796[%swap3A_797, %swap3A_798], %swap3A_801 {strides = array<i32>} : memref<128x128xf32, #tpu.memory_space<vmem>>, vector<1x16xf32>,
      %add3A_802 = arith.constant 0 : i32
      %add3A_803 = arith.addi %add3A_802, %scan3A_728 : i32
      %get3A_804 = arith.index_cast %add3A_803 : i32 to index
      %get3A_805 = arith.constant 80 : index
      %get3A_806 = tpu.vector_load %arg7[%get3A_804, %get3A_805] {strides = array<i32>} : memref<256x128xf32, #tpu.memory_space<vmem>>, vector<1x16xf32>,
      %get3A_807 = vector.shape_cast %get3A_806 : vector<1x16xf32> to vector<16xf32>
      %swap3A_808 = arith.constant 0 : i32
      %swap3A_809 = arith.constant 0 : i32
      %swap3A_810 = tpu.memref_slice %arg8[%scan3A_285, %swap3A_808, %swap3A_809] : memref<5x128x128xf32, #tpu.memory_space<vmem>> -> memref<1x128x128xf32, #tpu.memory_space<vmem>>
      %swap3A_811 = tpu.memref_squeeze %swap3A_810 : memref<1x128x128xf32, #tpu.memory_space<vmem>> -> memref<128x128xf32, #tpu.memory_space<vmem>>
      %swap3A_812 = arith.index_cast %scan3A_728 : i32 to index
      %swap3A_813 = arith.constant 80 : index
      %swap3A_814 = tpu.vector_load %swap3A_811[%swap3A_812, %swap3A_813] {strides = array<i32>} : memref<128x128xf32, #tpu.memory_space<vmem>>, vector<1x16xf32>,
      %swap3A_815 = vector.shape_cast %swap3A_814 : vector<1x16xf32> to vector<16xf32>
      %swap3A_816 = vector.shape_cast %get3A_807 : vector<16xf32> to vector<1x16xf32>
      tpu.vector_store %swap3A_811[%swap3A_812, %swap3A_813], %swap3A_816 {strides = array<i32>} : memref<128x128xf32, #tpu.memory_space<vmem>>, vector<1x16xf32>,
      %add3A_817 = arith.constant 0 : i32
      %add3A_818 = arith.addi %add3A_817, %scan3A_728 : i32
      %get3A_819 = arith.index_cast %add3A_818 : i32 to index
      %get3A_820 = arith.constant 96 : index
      %get3A_821 = tpu.vector_load %arg7[%get3A_819, %get3A_820] {strides = array<i32>} : memref<256x128xf32, #tpu.memory_space<vmem>>, vector<1x16xf32>,
      %get3A_822 = vector.shape_cast %get3A_821 : vector<1x16xf32> to vector<16xf32>
      %swap3A_823 = arith.constant 0 : i32
      %swap3A_824 = arith.constant 0 : i32
      %swap3A_825 = tpu.memref_slice %arg8[%scan3A_285, %swap3A_823, %swap3A_824] : memref<5x128x128xf32, #tpu.memory_space<vmem>> -> memref<1x128x128xf32, #tpu.memory_space<vmem>>
      %swap3A_826 = tpu.memref_squeeze %swap3A_825 : memref<1x128x128xf32, #tpu.memory_space<vmem>> -> memref<128x128xf32, #tpu.memory_space<vmem>>
      %swap3A_827 = arith.index_cast %scan3A_728 : i32 to index
      %swap3A_828 = arith.constant 96 : index
      %swap3A_829 = tpu.vector_load %swap3A_826[%swap3A_827, %swap3A_828] {strides = array<i32>} : memref<128x128xf32, #tpu.memory_space<vmem>>, vector<1x16xf32>,
      %swap3A_830 = vector.shape_cast %swap3A_829 : vector<1x16xf32> to vector<16xf32>
      %swap3A_831 = vector.shape_cast %get3A_822 : vector<16xf32> to vector<1x16xf32>
      tpu.vector_store %swap3A_826[%swap3A_827, %swap3A_828], %swap3A_831 {strides = array<i32>} : memref<128x128xf32, #tpu.memory_space<vmem>>, vector<1x16xf32>,
      %add3A_832 = arith.constant 0 : i32
      %add3A_833 = arith.addi %add3A_832, %scan3A_728 : i32
      %get3A_834 = arith.index_cast %add3A_833 : i32 to index
      %get3A_835 = arith.constant 112 : index
      %get3A_836 = tpu.vector_load %arg7[%get3A_834, %get3A_835] {strides = array<i32>} : memref<256x128xf32, #tpu.memory_space<vmem>>, vector<1x16xf32>,
      %get3A_837 = vector.shape_cast %get3A_836 : vector<1x16xf32> to vector<16xf32>
      %swap3A_838 = arith.constant 0 : i32
      %swap3A_839 = arith.constant 0 : i32
      %swap3A_840 = tpu.memref_slice %arg8[%scan3A_285, %swap3A_838, %swap3A_839] : memref<5x128x128xf32, #tpu.memory_space<vmem>> -> memref<1x128x128xf32, #tpu.memory_space<vmem>>
      %swap3A_841 = tpu.memref_squeeze %swap3A_840 : memref<1x128x128xf32, #tpu.memory_space<vmem>> -> memref<128x128xf32, #tpu.memory_space<vmem>>
      %swap3A_842 = arith.index_cast %scan3A_728 : i32 to index
      %swap3A_843 = arith.constant 112 : index
      %swap3A_844 = tpu.vector_load %swap3A_841[%swap3A_842, %swap3A_843] {strides = array<i32>} : memref<128x128xf32, #tpu.memory_space<vmem>>, vector<1x16xf32>,
      %swap3A_845 = vector.shape_cast %swap3A_844 : vector<1x16xf32> to vector<16xf32>
      %swap3A_846 = vector.shape_cast %get3A_837 : vector<16xf32> to vector<1x16xf32>
      tpu.vector_store %swap3A_841[%swap3A_842, %swap3A_843], %swap3A_846 {strides = array<i32>} : memref<128x128xf32, #tpu.memory_space<vmem>>, vector<1x16xf32>,
    }
    %scan3A_290 = arith.constant 128 : i32
    %dma_start3A_291 = arith.constant 4 : i32
    %dma_start3A_292 = arith.constant 4 : i32
    %dma_start3A_293 = arith.constant 0 : i32
    %dma_start3A_294 = arith.constant 0 : i32
    %dma_start3A_295 = tpu.memref_slice %arg8[%dma_start3A_292, %dma_start3A_293, %dma_start3A_294] : memref<5x128x128xf32, #tpu.memory_space<vmem>> -> memref<1x128x128xf32, #tpu.memory_space<vmem>>
    %dma_start3A_296 = tpu.memref_squeeze %dma_start3A_295 : memref<1x128x128xf32, #tpu.memory_space<vmem>> -> memref<128x128xf32, #tpu.memory_space<vmem>>
    %dma_start3A_297 = arith.constant 0 : i32
    %dma_start3A_298 = tpu.memref_slice %arg6[%dma_start3A_291, %dma_start3A_297] : memref<8x128xi32, #tpu.memory_space<vmem>> -> memref<1x128xi32, #tpu.memory_space<vmem>>
    %dma_start3A_299 = tpu.memref_squeeze %dma_start3A_298 : memref<1x128xi32, #tpu.memory_space<vmem>> -> memref<128xi32, #tpu.memory_space<vmem>>
    %dma_start3A_300 = arith.constant 0 : i32
    %dma_start3A_301 = arith.constant 0 : i32
    %dma_start3A_302 = tpu.memref_slice %arg3[%dma_start3A_300, %dma_start3A_301] : memref<100000x128xf32, #tpu.memory_space<hbm>> -> memref<100000x128xf32, #tpu.memory_space<hbm>>
    tpu.enqueue_indirect_dma source(%dma_start3A_302 : memref<100000x128xf32, #tpu.memory_space<hbm>>) target(%dma_start3A_296 : memref<128x128xf32, #tpu.memory_space<vmem>>) offsets(%dma_start3A_299 : memref<128xi32, #tpu.memory_space<vmem>>) semaphore(%arg10 : memref<!tpu.dma_semaphore, #tpu.memory_space<semaphore_mem>>) {add = true}
    %dma_wait3A_303 = arith.constant 0 : i32
    %dma_wait3A_304 = arith.constant 0 : i32
    %dma_wait3A_305 = arith.constant 0 : i32
    %dma_wait3A_306 = arith.constant 0 : i32
    %dma_wait3A_307 = tpu.memref_slice %arg8[%dma_wait3A_304, %dma_wait3A_305, %dma_wait3A_306] : memref<5x128x128xf32, #tpu.memory_space<vmem>> -> memref<1x128x128xf32, #tpu.memory_space<vmem>>
    %dma_wait3A_308 = tpu.memref_squeeze %dma_wait3A_307 : memref<1x128x128xf32, #tpu.memory_space<vmem>> -> memref<128x128xf32, #tpu.memory_space<vmem>>
    %dma_wait3A_309 = arith.constant 0 : i32
    %dma_wait3A_310 = tpu.memref_slice %arg6[%dma_wait3A_303, %dma_wait3A_309] : memref<8x128xi32, #tpu.memory_space<vmem>> -> memref<1x128xi32, #tpu.memory_space<vmem>>
    %dma_wait3A_311 = tpu.memref_squeeze %dma_wait3A_310 : memref<1x128xi32, #tpu.memory_space<vmem>> -> memref<128xi32, #tpu.memory_space<vmem>>
    %dma_wait3A_312 = arith.constant 0 : i32
    %dma_wait3A_313 = arith.constant 0 : i32
    %dma_wait3A_314 = tpu.memref_slice %arg3[%dma_wait3A_312, %dma_wait3A_313] : memref<100000x128xf32, #tpu.memory_space<hbm>> -> memref<100000x128xf32, #tpu.memory_space<hbm>>
    tpu.wait_indirect_dma semaphore(%arg10 : memref<!tpu.dma_semaphore, #tpu.memory_space<semaphore_mem>>) src(%dma_wait3A_314 : memref<100000x128xf32, #tpu.memory_space<hbm>>) dst(%dma_wait3A_308 : memref<128x128xf32, #tpu.memory_space<vmem>>)
    %add3A_315 = arith.constant 0 : i32
    %add3A_316 = arith.addi %mul3A_2, %add3A_315 : i32
    %dma_start3A_317 = arith.constant 0 : i32
    %dma_start3A_318 = arith.constant 0 : i32
    %dma_start3A_319 = arith.constant 0 : i32
    %dma_start3A_320 = arith.constant 0 : i32
    %dma_start3A_321 = tpu.memref_slice %arg8[%dma_start3A_317, %dma_start3A_319, %dma_start3A_320] : memref<5x128x128xf32, #tpu.memory_space<vmem>> -> memref<1x128x128xf32, #tpu.memory_space<vmem>>
    %dma_start3A_322 = tpu.memref_squeeze %dma_start3A_321 : memref<1x128x128xf32, #tpu.memory_space<vmem>> -> memref<128x128xf32, #tpu.memory_space<vmem>>
    %dma_start3A_323 = arith.constant 0 : i32
    %dma_start3A_324 = tpu.memref_slice %arg5[%dma_start3A_318, %add3A_316, %dma_start3A_323] : memref<4x8192x128xf32, #tpu.memory_space<hbm>> -> memref<1x128x128xf32, #tpu.memory_space<hbm>>
    %dma_start3A_325 = tpu.memref_squeeze %dma_start3A_324 : memref<1x128x128xf32, #tpu.memory_space<hbm>> -> memref<128x128xf32, #tpu.memory_space<hbm>>
    %dma_start3A_326 = arith.constant 0 : i32
    %dma_start3A_327 = tpu.memref_slice %arg5[%dma_start3A_318, %add3A_316, %dma_start3A_326] : memref<4x8192x128xf32, #tpu.memory_space<hbm>> -> memref<1x128x128xf32, #tpu.memory_space<hbm>>
    %dma_start3A_328 = tpu.memref_squeeze %dma_start3A_327 : memref<1x128x128xf32, #tpu.memory_space<hbm>> -> memref<128x128xf32, #tpu.memory_space<hbm>>
    %dma_start3A_329 = arith.constant 0 : i32
    %dma_start3A_330 = arith.constant 0 : i32
    %dma_start3A_331 = tpu.memref_slice %arg8[%dma_start3A_317, %dma_start3A_329, %dma_start3A_330] : memref<5x128x128xf32, #tpu.memory_space<vmem>> -> memref<1x128x128xf32, #tpu.memory_space<vmem>>
    %dma_start3A_332 = tpu.memref_squeeze %dma_start3A_331 : memref<1x128x128xf32, #tpu.memory_space<vmem>> -> memref<128x128xf32, #tpu.memory_space<vmem>>
    tpu.enqueue_dma source(%dma_start3A_332 : memref<128x128xf32, #tpu.memory_space<vmem>>) target(%dma_start3A_328 : memref<128x128xf32, #tpu.memory_space<hbm>>) target_semaphore(%arg11 : memref<!tpu.dma_semaphore, #tpu.memory_space<semaphore_mem>>)
    %dma_wait3A_333 = arith.constant 0 : i32
    %dma_wait3A_334 = arith.constant 0 : i32
    %dma_wait3A_335 = arith.constant 0 : i32
    %dma_wait3A_336 = arith.constant 0 : i32
    %dma_wait3A_337 = tpu.memref_slice %arg8[%dma_wait3A_333, %dma_wait3A_335, %dma_wait3A_336] : memref<5x128x128xf32, #tpu.memory_space<vmem>> -> memref<1x128x128xf32, #tpu.memory_space<vmem>>
    %dma_wait3A_338 = tpu.memref_squeeze %dma_wait3A_337 : memref<1x128x128xf32, #tpu.memory_space<vmem>> -> memref<128x128xf32, #tpu.memory_space<vmem>>
    %dma_wait3A_339 = arith.constant 0 : i32
    %dma_wait3A_340 = tpu.memref_slice %arg5[%dma_wait3A_334, %add3A_316, %dma_wait3A_339] : memref<4x8192x128xf32, #tpu.memory_space<hbm>> -> memref<1x128x128xf32, #tpu.memory_space<hbm>>
    %dma_wait3A_341 = tpu.memref_squeeze %dma_wait3A_340 : memref<1x128x128xf32, #tpu.memory_space<hbm>> -> memref<128x128xf32, #tpu.memory_space<hbm>>
    %dma_wait3A_342 = arith.constant 0 : i32
    %dma_wait3A_343 = tpu.memref_slice %arg5[%dma_wait3A_334, %add3A_316, %dma_wait3A_342] : memref<4x8192x128xf32, #tpu.memory_space<hbm>> -> memref<1x128x128xf32, #tpu.memory_space<hbm>>
    %dma_wait3A_344 = tpu.memref_squeeze %dma_wait3A_343 : memref<1x128x128xf32, #tpu.memory_space<hbm>> -> memref<128x128xf32, #tpu.memory_space<hbm>>
    %dma_wait3A_345 = arith.constant 0 : i32
    %dma_wait3A_346 = arith.constant 0 : i32
    %dma_wait3A_347 = tpu.memref_slice %arg8[%dma_wait3A_333, %dma_wait3A_345, %dma_wait3A_346] : memref<5x128x128xf32, #tpu.memory_space<vmem>> -> memref<1x128x128xf32, #tpu.memory_space<vmem>>
    %dma_wait3A_348 = tpu.memref_squeeze %dma_wait3A_347 : memref<1x128x128xf32, #tpu.memory_space<vmem>> -> memref<128x128xf32, #tpu.memory_space<vmem>>
    tpu.wait_dma2 semaphore(%arg11 : memref<!tpu.dma_semaphore, #tpu.memory_space<semaphore_mem>>) src(%dma_wait3A_348 : memref<128x128xf32, #tpu.memory_space<vmem>>) dst(%dma_wait3A_344 : memref<128x128xf32, #tpu.memory_space<hbm>>)
    %scan3A_349 = arith.constant 0 : i32
    %scan3A_350 = arith.constant 0 : i32
    %scan3A_351 = arith.constant 0 : i32
    %scan3A_352 = arith.constant 128 : i32
    %scan3A_353 = arith.addi %scan3A_351, %scan3A_352 : i32
    %scan3A_354 = arith.constant 1 : i32
    scf.for %scan3A_728 = %scan3A_351 to %scan3A_353 step %scan3A_354  : i32 {
      %add3A_729 = arith.constant 128 : i32
      %add3A_730 = arith.addi %add3A_729, %scan3A_728 : i32
      %get3A = arith.index_cast %add3A_730 : i32 to index
      %get3A_731 = arith.constant 0 : index
      %get3A_732 = tpu.vector_load %arg7[%get3A, %get3A_731] {strides = array<i32>} : memref<256x128xf32, #tpu.memory_space<vmem>>, vector<1x16xf32>,
      %get3A_733 = vector.shape_cast %get3A_732 : vector<1x16xf32> to vector<16xf32>
      %swap3A = arith.constant 0 : i32
      %swap3A_734 = arith.constant 0 : i32
      %swap3A_735 = tpu.memref_slice %arg8[%scan3A_350, %swap3A, %swap3A_734] : memref<5x128x128xf32, #tpu.memory_space<vmem>> -> memref<1x128x128xf32, #tpu.memory_space<vmem>>
      %swap3A_736 = tpu.memref_squeeze %swap3A_735 : memref<1x128x128xf32, #tpu.memory_space<vmem>> -> memref<128x128xf32, #tpu.memory_space<vmem>>
      %swap3A_737 = arith.index_cast %scan3A_728 : i32 to index
      %swap3A_738 = arith.constant 0 : index
      %swap3A_739 = tpu.vector_load %swap3A_736[%swap3A_737, %swap3A_738] {strides = array<i32>} : memref<128x128xf32, #tpu.memory_space<vmem>>, vector<1x16xf32>,
      %swap3A_740 = vector.shape_cast %swap3A_739 : vector<1x16xf32> to vector<16xf32>
      %swap3A_741 = vector.shape_cast %get3A_733 : vector<16xf32> to vector<1x16xf32>
      tpu.vector_store %swap3A_736[%swap3A_737, %swap3A_738], %swap3A_741 {strides = array<i32>} : memref<128x128xf32, #tpu.memory_space<vmem>>, vector<1x16xf32>,
      %add3A_742 = arith.constant 128 : i32
      %add3A_743 = arith.addi %add3A_742, %scan3A_728 : i32
      %get3A_744 = arith.index_cast %add3A_743 : i32 to index
      %get3A_745 = arith.constant 16 : index
      %get3A_746 = tpu.vector_load %arg7[%get3A_744, %get3A_745] {strides = array<i32>} : memref<256x128xf32, #tpu.memory_space<vmem>>, vector<1x16xf32>,
      %get3A_747 = vector.shape_cast %get3A_746 : vector<1x16xf32> to vector<16xf32>
      %swap3A_748 = arith.constant 0 : i32
      %swap3A_749 = arith.constant 0 : i32
      %swap3A_750 = tpu.memref_slice %arg8[%scan3A_350, %swap3A_748, %swap3A_749] : memref<5x128x128xf32, #tpu.memory_space<vmem>> -> memref<1x128x128xf32, #tpu.memory_space<vmem>>
      %swap3A_751 = tpu.memref_squeeze %swap3A_750 : memref<1x128x128xf32, #tpu.memory_space<vmem>> -> memref<128x128xf32, #tpu.memory_space<vmem>>
      %swap3A_752 = arith.index_cast %scan3A_728 : i32 to index
      %swap3A_753 = arith.constant 16 : index
      %swap3A_754 = tpu.vector_load %swap3A_751[%swap3A_752, %swap3A_753] {strides = array<i32>} : memref<128x128xf32, #tpu.memory_space<vmem>>, vector<1x16xf32>,
      %swap3A_755 = vector.shape_cast %swap3A_754 : vector<1x16xf32> to vector<16xf32>
      %swap3A_756 = vector.shape_cast %get3A_747 : vector<16xf32> to vector<1x16xf32>
      tpu.vector_store %swap3A_751[%swap3A_752, %swap3A_753], %swap3A_756 {strides = array<i32>} : memref<128x128xf32, #tpu.memory_space<vmem>>, vector<1x16xf32>,
      %add3A_757 = arith.constant 128 : i32
      %add3A_758 = arith.addi %add3A_757, %scan3A_728 : i32
      %get3A_759 = arith.index_cast %add3A_758 : i32 to index
      %get3A_760 = arith.constant 32 : index
      %get3A_761 = tpu.vector_load %arg7[%get3A_759, %get3A_760] {strides = array<i32>} : memref<256x128xf32, #tpu.memory_space<vmem>>, vector<1x16xf32>,
      %get3A_762 = vector.shape_cast %get3A_761 : vector<1x16xf32> to vector<16xf32>
      %swap3A_763 = arith.constant 0 : i32
      %swap3A_764 = arith.constant 0 : i32
      %swap3A_765 = tpu.memref_slice %arg8[%scan3A_350, %swap3A_763, %swap3A_764] : memref<5x128x128xf32, #tpu.memory_space<vmem>> -> memref<1x128x128xf32, #tpu.memory_space<vmem>>
      %swap3A_766 = tpu.memref_squeeze %swap3A_765 : memref<1x128x128xf32, #tpu.memory_space<vmem>> -> memref<128x128xf32, #tpu.memory_space<vmem>>
      %swap3A_767 = arith.index_cast %scan3A_728 : i32 to index
      %swap3A_768 = arith.constant 32 : index
      %swap3A_769 = tpu.vector_load %swap3A_766[%swap3A_767, %swap3A_768] {strides = array<i32>} : memref<128x128xf32, #tpu.memory_space<vmem>>, vector<1x16xf32>,
      %swap3A_770 = vector.shape_cast %swap3A_769 : vector<1x16xf32> to vector<16xf32>
      %swap3A_771 = vector.shape_cast %get3A_762 : vector<16xf32> to vector<1x16xf32>
      tpu.vector_store %swap3A_766[%swap3A_767, %swap3A_768], %swap3A_771 {strides = array<i32>} : memref<128x128xf32, #tpu.memory_space<vmem>>, vector<1x16xf32>,
      %add3A_772 = arith.constant 128 : i32
      %add3A_773 = arith.addi %add3A_772, %scan3A_728 : i32
      %get3A_774 = arith.index_cast %add3A_773 : i32 to index
      %get3A_775 = arith.constant 48 : index
      %get3A_776 = tpu.vector_load %arg7[%get3A_774, %get3A_775] {strides = array<i32>} : memref<256x128xf32, #tpu.memory_space<vmem>>, vector<1x16xf32>,
      %get3A_777 = vector.shape_cast %get3A_776 : vector<1x16xf32> to vector<16xf32>
      %swap3A_778 = arith.constant 0 : i32
      %swap3A_779 = arith.constant 0 : i32
      %swap3A_780 = tpu.memref_slice %arg8[%scan3A_350, %swap3A_778, %swap3A_779] : memref<5x128x128xf32, #tpu.memory_space<vmem>> -> memref<1x128x128xf32, #tpu.memory_space<vmem>>
      %swap3A_781 = tpu.memref_squeeze %swap3A_780 : memref<1x128x128xf32, #tpu.memory_space<vmem>> -> memref<128x128xf32, #tpu.memory_space<vmem>>
      %swap3A_782 = arith.index_cast %scan3A_728 : i32 to index
      %swap3A_783 = arith.constant 48 : index
      %swap3A_784 = tpu.vector_load %swap3A_781[%swap3A_782, %swap3A_783] {strides = array<i32>} : memref<128x128xf32, #tpu.memory_space<vmem>>, vector<1x16xf32>,
      %swap3A_785 = vector.shape_cast %swap3A_784 : vector<1x16xf32> to vector<16xf32>
      %swap3A_786 = vector.shape_cast %get3A_777 : vector<16xf32> to vector<1x16xf32>
      tpu.vector_store %swap3A_781[%swap3A_782, %swap3A_783], %swap3A_786 {strides = array<i32>} : memref<128x128xf32, #tpu.memory_space<vmem>>, vector<1x16xf32>,
      %add3A_787 = arith.constant 128 : i32
      %add3A_788 = arith.addi %add3A_787, %scan3A_728 : i32
      %get3A_789 = arith.index_cast %add3A_788 : i32 to index
      %get3A_790 = arith.constant 64 : index
      %get3A_791 = tpu.vector_load %arg7[%get3A_789, %get3A_790] {strides = array<i32>} : memref<256x128xf32, #tpu.memory_space<vmem>>, vector<1x16xf32>,
      %get3A_792 = vector.shape_cast %get3A_791 : vector<1x16xf32> to vector<16xf32>
      %swap3A_793 = arith.constant 0 : i32
      %swap3A_794 = arith.constant 0 : i32
      %swap3A_795 = tpu.memref_slice %arg8[%scan3A_350, %swap3A_793, %swap3A_794] : memref<5x128x128xf32, #tpu.memory_space<vmem>> -> memref<1x128x128xf32, #tpu.memory_space<vmem>>
      %swap3A_796 = tpu.memref_squeeze %swap3A_795 : memref<1x128x128xf32, #tpu.memory_space<vmem>> -> memref<128x128xf32, #tpu.memory_space<vmem>>
      %swap3A_797 = arith.index_cast %scan3A_728 : i32 to index
      %swap3A_798 = arith.constant 64 : index
      %swap3A_799 = tpu.vector_load %swap3A_796[%swap3A_797, %swap3A_798] {strides = array<i32>} : memref<128x128xf32, #tpu.memory_space<vmem>>, vector<1x16xf32>,
      %swap3A_800 = vector.shape_cast %swap3A_799 : vector<1x16xf32> to vector<16xf32>
      %swap3A_801 = vector.shape_cast %get3A_792 : vector<16xf32> to vector<1x16xf32>
      tpu.vector_store %swap3A_796[%swap3A_797, %swap3A_798], %swap3A_801 {strides = array<i32>} : memref<128x128xf32, #tpu.memory_space<vmem>>, vector<1x16xf32>,
      %add3A_802 = arith.constant 128 : i32
      %add3A_803 = arith.addi %add3A_802, %scan3A_728 : i32
      %get3A_804 = arith.index_cast %add3A_803 : i32 to index
      %get3A_805 = arith.constant 80 : index
      %get3A_806 = tpu.vector_load %arg7[%get3A_804, %get3A_805] {strides = array<i32>} : memref<256x128xf32, #tpu.memory_space<vmem>>, vector<1x16xf32>,
      %get3A_807 = vector.shape_cast %get3A_806 : vector<1x16xf32> to vector<16xf32>
      %swap3A_808 = arith.constant 0 : i32
      %swap3A_809 = arith.constant 0 : i32
      %swap3A_810 = tpu.memref_slice %arg8[%scan3A_350, %swap3A_808, %swap3A_809] : memref<5x128x128xf32, #tpu.memory_space<vmem>> -> memref<1x128x128xf32, #tpu.memory_space<vmem>>
      %swap3A_811 = tpu.memref_squeeze %swap3A_810 : memref<1x128x128xf32, #tpu.memory_space<vmem>> -> memref<128x128xf32, #tpu.memory_space<vmem>>
      %swap3A_812 = arith.index_cast %scan3A_728 : i32 to index
      %swap3A_813 = arith.constant 80 : index
      %swap3A_814 = tpu.vector_load %swap3A_811[%swap3A_812, %swap3A_813] {strides = array<i32>} : memref<128x128xf32, #tpu.memory_space<vmem>>, vector<1x16xf32>,
      %swap3A_815 = vector.shape_cast %swap3A_814 : vector<1x16xf32> to vector<16xf32>
      %swap3A_816 = vector.shape_cast %get3A_807 : vector<16xf32> to vector<1x16xf32>
      tpu.vector_store %swap3A_811[%swap3A_812, %swap3A_813], %swap3A_816 {strides = array<i32>} : memref<128x128xf32, #tpu.memory_space<vmem>>, vector<1x16xf32>,
      %add3A_817 = arith.constant 128 : i32
      %add3A_818 = arith.addi %add3A_817, %scan3A_728 : i32
      %get3A_819 = arith.index_cast %add3A_818 : i32 to index
      %get3A_820 = arith.constant 96 : index
      %get3A_821 = tpu.vector_load %arg7[%get3A_819, %get3A_820] {strides = array<i32>} : memref<256x128xf32, #tpu.memory_space<vmem>>, vector<1x16xf32>,
      %get3A_822 = vector.shape_cast %get3A_821 : vector<1x16xf32> to vector<16xf32>
      %swap3A_823 = arith.constant 0 : i32
      %swap3A_824 = arith.constant 0 : i32
      %swap3A_825 = tpu.memref_slice %arg8[%scan3A_350, %swap3A_823, %swap3A_824] : memref<5x128x128xf32, #tpu.memory_space<vmem>> -> memref<1x128x128xf32, #tpu.memory_space<vmem>>
      %swap3A_826 = tpu.memref_squeeze %swap3A_825 : memref<1x128x128xf32, #tpu.memory_space<vmem>> -> memref<128x128xf32, #tpu.memory_space<vmem>>
      %swap3A_827 = arith.index_cast %scan3A_728 : i32 to index
      %swap3A_828 = arith.constant 96 : index
      %swap3A_829 = tpu.vector_load %swap3A_826[%swap3A_827, %swap3A_828] {strides = array<i32>} : memref<128x128xf32, #tpu.memory_space<vmem>>, vector<1x16xf32>,
      %swap3A_830 = vector.shape_cast %swap3A_829 : vector<1x16xf32> to vector<16xf32>
      %swap3A_831 = vector.shape_cast %get3A_822 : vector<16xf32> to vector<1x16xf32>
      tpu.vector_store %swap3A_826[%swap3A_827, %swap3A_828], %swap3A_831 {strides = array<i32>} : memref<128x128xf32, #tpu.memory_space<vmem>>, vector<1x16xf32>,
      %add3A_832 = arith.constant 128 : i32
      %add3A_833 = arith.addi %add3A_832, %scan3A_728 : i32
      %get3A_834 = arith.index_cast %add3A_833 : i32 to index
      %get3A_835 = arith.constant 112 : index
      %get3A_836 = tpu.vector_load %arg7[%get3A_834, %get3A_835] {strides = array<i32>} : memref<256x128xf32, #tpu.memory_space<vmem>>, vector<1x16xf32>,
      %get3A_837 = vector.shape_cast %get3A_836 : vector<1x16xf32> to vector<16xf32>
      %swap3A_838 = arith.constant 0 : i32
      %swap3A_839 = arith.constant 0 : i32
      %swap3A_840 = tpu.memref_slice %arg8[%scan3A_350, %swap3A_838, %swap3A_839] : memref<5x128x128xf32, #tpu.memory_space<vmem>> -> memref<1x128x128xf32, #tpu.memory_space<vmem>>
      %swap3A_841 = tpu.memref_squeeze %swap3A_840 : memref<1x128x128xf32, #tpu.memory_space<vmem>> -> memref<128x128xf32, #tpu.memory_space<vmem>>
      %swap3A_842 = arith.index_cast %scan3A_728 : i32 to index
      %swap3A_843 = arith.constant 112 : index
      %swap3A_844 = tpu.vector_load %swap3A_841[%swap3A_842, %swap3A_843] {strides = array<i32>} : memref<128x128xf32, #tpu.memory_space<vmem>>, vector<1x16xf32>,
      %swap3A_845 = vector.shape_cast %swap3A_844 : vector<1x16xf32> to vector<16xf32>
      %swap3A_846 = vector.shape_cast %get3A_837 : vector<16xf32> to vector<1x16xf32>
      tpu.vector_store %swap3A_841[%swap3A_842, %swap3A_843], %swap3A_846 {strides = array<i32>} : memref<128x128xf32, #tpu.memory_space<vmem>>, vector<1x16xf32>,
    }
    %scan3A_355 = arith.constant 128 : i32
    %dma_start3A_356 = arith.constant 5 : i32
    %dma_start3A_357 = arith.constant 0 : i32
    %dma_start3A_358 = arith.constant 0 : i32
    %dma_start3A_359 = arith.constant 0 : i32
    %dma_start3A_360 = tpu.memref_slice %arg8[%dma_start3A_357, %dma_start3A_358, %dma_start3A_359] : memref<5x128x128xf32, #tpu.memory_space<vmem>> -> memref<1x128x128xf32, #tpu.memory_space<vmem>>
    %dma_start3A_361 = tpu.memref_squeeze %dma_start3A_360 : memref<1x128x128xf32, #tpu.memory_space<vmem>> -> memref<128x128xf32, #tpu.memory_space<vmem>>
    %dma_start3A_362 = arith.constant 0 : i32
    %dma_start3A_363 = tpu.memref_slice %arg6[%dma_start3A_356, %dma_start3A_362] : memref<8x128xi32, #tpu.memory_space<vmem>> -> memref<1x128xi32, #tpu.memory_space<vmem>>
    %dma_start3A_364 = tpu.memref_squeeze %dma_start3A_363 : memref<1x128xi32, #tpu.memory_space<vmem>> -> memref<128xi32, #tpu.memory_space<vmem>>
    %dma_start3A_365 = arith.constant 0 : i32
    %dma_start3A_366 = arith.constant 0 : i32
    %dma_start3A_367 = tpu.memref_slice %arg3[%dma_start3A_365, %dma_start3A_366] : memref<100000x128xf32, #tpu.memory_space<hbm>> -> memref<100000x128xf32, #tpu.memory_space<hbm>>
    tpu.enqueue_indirect_dma source(%dma_start3A_367 : memref<100000x128xf32, #tpu.memory_space<hbm>>) target(%dma_start3A_361 : memref<128x128xf32, #tpu.memory_space<vmem>>) offsets(%dma_start3A_364 : memref<128xi32, #tpu.memory_space<vmem>>) semaphore(%arg10 : memref<!tpu.dma_semaphore, #tpu.memory_space<semaphore_mem>>) {add = true}
    %dma_wait3A_368 = arith.constant 1 : i32
    %dma_wait3A_369 = arith.constant 1 : i32
    %dma_wait3A_370 = arith.constant 0 : i32
    %dma_wait3A_371 = arith.constant 0 : i32
    %dma_wait3A_372 = tpu.memref_slice %arg8[%dma_wait3A_369, %dma_wait3A_370, %dma_wait3A_371] : memref<5x128x128xf32, #tpu.memory_space<vmem>> -> memref<1x128x128xf32, #tpu.memory_space<vmem>>
    %dma_wait3A_373 = tpu.memref_squeeze %dma_wait3A_372 : memref<1x128x128xf32, #tpu.memory_space<vmem>> -> memref<128x128xf32, #tpu.memory_space<vmem>>
    %dma_wait3A_374 = arith.constant 0 : i32
    %dma_wait3A_375 = tpu.memref_slice %arg6[%dma_wait3A_368, %dma_wait3A_374] : memref<8x128xi32, #tpu.memory_space<vmem>> -> memref<1x128xi32, #tpu.memory_space<vmem>>
    %dma_wait3A_376 = tpu.memref_squeeze %dma_wait3A_375 : memref<1x128xi32, #tpu.memory_space<vmem>> -> memref<128xi32, #tpu.memory_space<vmem>>
    %dma_wait3A_377 = arith.constant 0 : i32
    %dma_wait3A_378 = arith.constant 0 : i32
    %dma_wait3A_379 = tpu.memref_slice %arg3[%dma_wait3A_377, %dma_wait3A_378] : memref<100000x128xf32, #tpu.memory_space<hbm>> -> memref<100000x128xf32, #tpu.memory_space<hbm>>
    tpu.wait_indirect_dma semaphore(%arg10 : memref<!tpu.dma_semaphore, #tpu.memory_space<semaphore_mem>>) src(%dma_wait3A_379 : memref<100000x128xf32, #tpu.memory_space<hbm>>) dst(%dma_wait3A_373 : memref<128x128xf32, #tpu.memory_space<vmem>>)
    %add3A_380 = arith.constant 128 : i32
    %add3A_381 = arith.addi %mul3A_2, %add3A_380 : i32
    %dma_start3A_382 = arith.constant 1 : i32
    %dma_start3A_383 = arith.constant 0 : i32
    %dma_start3A_384 = arith.constant 0 : i32
    %dma_start3A_385 = arith.constant 0 : i32
    %dma_start3A_386 = tpu.memref_slice %arg8[%dma_start3A_382, %dma_start3A_384, %dma_start3A_385] : memref<5x128x128xf32, #tpu.memory_space<vmem>> -> memref<1x128x128xf32, #tpu.memory_space<vmem>>
    %dma_start3A_387 = tpu.memref_squeeze %dma_start3A_386 : memref<1x128x128xf32, #tpu.memory_space<vmem>> -> memref<128x128xf32, #tpu.memory_space<vmem>>
    %dma_start3A_388 = arith.constant 0 : i32
    %dma_start3A_389 = tpu.memref_slice %arg5[%dma_start3A_383, %add3A_381, %dma_start3A_388] : memref<4x8192x128xf32, #tpu.memory_space<hbm>> -> memref<1x128x128xf32, #tpu.memory_space<hbm>>
    %dma_start3A_390 = tpu.memref_squeeze %dma_start3A_389 : memref<1x128x128xf32, #tpu.memory_space<hbm>> -> memref<128x128xf32, #tpu.memory_space<hbm>>
    %dma_start3A_391 = arith.constant 0 : i32
    %dma_start3A_392 = tpu.memref_slice %arg5[%dma_start3A_383, %add3A_381, %dma_start3A_391] : memref<4x8192x128xf32, #tpu.memory_space<hbm>> -> memref<1x128x128xf32, #tpu.memory_space<hbm>>
    %dma_start3A_393 = tpu.memref_squeeze %dma_start3A_392 : memref<1x128x128xf32, #tpu.memory_space<hbm>> -> memref<128x128xf32, #tpu.memory_space<hbm>>
    %dma_start3A_394 = arith.constant 0 : i32
    %dma_start3A_395 = arith.constant 0 : i32
    %dma_start3A_396 = tpu.memref_slice %arg8[%dma_start3A_382, %dma_start3A_394, %dma_start3A_395] : memref<5x128x128xf32, #tpu.memory_space<vmem>> -> memref<1x128x128xf32, #tpu.memory_space<vmem>>
    %dma_start3A_397 = tpu.memref_squeeze %dma_start3A_396 : memref<1x128x128xf32, #tpu.memory_space<vmem>> -> memref<128x128xf32, #tpu.memory_space<vmem>>
    tpu.enqueue_dma source(%dma_start3A_397 : memref<128x128xf32, #tpu.memory_space<vmem>>) target(%dma_start3A_393 : memref<128x128xf32, #tpu.memory_space<hbm>>) target_semaphore(%arg11 : memref<!tpu.dma_semaphore, #tpu.memory_space<semaphore_mem>>)
    %dma_wait3A_398 = arith.constant 1 : i32
    %dma_wait3A_399 = arith.constant 0 : i32
    %dma_wait3A_400 = arith.constant 0 : i32
    %dma_wait3A_401 = arith.constant 0 : i32
    %dma_wait3A_402 = tpu.memref_slice %arg8[%dma_wait3A_398, %dma_wait3A_400, %dma_wait3A_401] : memref<5x128x128xf32, #tpu.memory_space<vmem>> -> memref<1x128x128xf32, #tpu.memory_space<vmem>>
    %dma_wait3A_403 = tpu.memref_squeeze %dma_wait3A_402 : memref<1x128x128xf32, #tpu.memory_space<vmem>> -> memref<128x128xf32, #tpu.memory_space<vmem>>
    %dma_wait3A_404 = arith.constant 0 : i32
    %dma_wait3A_405 = tpu.memref_slice %arg5[%dma_wait3A_399, %add3A_381, %dma_wait3A_404] : memref<4x8192x128xf32, #tpu.memory_space<hbm>> -> memref<1x128x128xf32, #tpu.memory_space<hbm>>
    %dma_wait3A_406 = tpu.memref_squeeze %dma_wait3A_405 : memref<1x128x128xf32, #tpu.memory_space<hbm>> -> memref<128x128xf32, #tpu.memory_space<hbm>>
    %dma_wait3A_407 = arith.constant 0 : i32
    %dma_wait3A_408 = tpu.memref_slice %arg5[%dma_wait3A_399, %add3A_381, %dma_wait3A_407] : memref<4x8192x128xf32, #tpu.memory_space<hbm>> -> memref<1x128x128xf32, #tpu.memory_space<hbm>>
    %dma_wait3A_409 = tpu.memref_squeeze %dma_wait3A_408 : memref<1x128x128xf32, #tpu.memory_space<hbm>> -> memref<128x128xf32, #tpu.memory_space<hbm>>
    %dma_wait3A_410 = arith.constant 0 : i32
    %dma_wait3A_411 = arith.constant 0 : i32
    %dma_wait3A_412 = tpu.memref_slice %arg8[%dma_wait3A_398, %dma_wait3A_410, %dma_wait3A_411] : memref<5x128x128xf32, #tpu.memory_space<vmem>> -> memref<1x128x128xf32, #tpu.memory_space<vmem>>
    %dma_wait3A_413 = tpu.memref_squeeze %dma_wait3A_412 : memref<1x128x128xf32, #tpu.memory_space<vmem>> -> memref<128x128xf32, #tpu.memory_space<vmem>>
    tpu.wait_dma2 semaphore(%arg11 : memref<!tpu.dma_semaphore, #tpu.memory_space<semaphore_mem>>) src(%dma_wait3A_413 : memref<128x128xf32, #tpu.memory_space<vmem>>) dst(%dma_wait3A_409 : memref<128x128xf32, #tpu.memory_space<hbm>>)
    %scan3A_414 = arith.constant 0 : i32
    %scan3A_415 = arith.constant 1 : i32
    %scan3A_416 = arith.constant 0 : i32
    %scan3A_417 = arith.constant 128 : i32
    %scan3A_418 = arith.addi %scan3A_416, %scan3A_417 : i32
    %scan3A_419 = arith.constant 1 : i32
    scf.for %scan3A_728 = %scan3A_416 to %scan3A_418 step %scan3A_419  : i32 {
      %add3A_729 = arith.constant 0 : i32
      %add3A_730 = arith.addi %add3A_729, %scan3A_728 : i32
      %get3A = arith.index_cast %add3A_730 : i32 to index
      %get3A_731 = arith.constant 0 : index
      %get3A_732 = tpu.vector_load %arg7[%get3A, %get3A_731] {strides = array<i32>} : memref<256x128xf32, #tpu.memory_space<vmem>>, vector<1x16xf32>,
      %get3A_733 = vector.shape_cast %get3A_732 : vector<1x16xf32> to vector<16xf32>
      %swap3A = arith.constant 0 : i32
      %swap3A_734 = arith.constant 0 : i32
      %swap3A_735 = tpu.memref_slice %arg8[%scan3A_415, %swap3A, %swap3A_734] : memref<5x128x128xf32, #tpu.memory_space<vmem>> -> memref<1x128x128xf32, #tpu.memory_space<vmem>>
      %swap3A_736 = tpu.memref_squeeze %swap3A_735 : memref<1x128x128xf32, #tpu.memory_space<vmem>> -> memref<128x128xf32, #tpu.memory_space<vmem>>
      %swap3A_737 = arith.index_cast %scan3A_728 : i32 to index
      %swap3A_738 = arith.constant 0 : index
      %swap3A_739 = tpu.vector_load %swap3A_736[%swap3A_737, %swap3A_738] {strides = array<i32>} : memref<128x128xf32, #tpu.memory_space<vmem>>, vector<1x16xf32>,
      %swap3A_740 = vector.shape_cast %swap3A_739 : vector<1x16xf32> to vector<16xf32>
      %swap3A_741 = vector.shape_cast %get3A_733 : vector<16xf32> to vector<1x16xf32>
      tpu.vector_store %swap3A_736[%swap3A_737, %swap3A_738], %swap3A_741 {strides = array<i32>} : memref<128x128xf32, #tpu.memory_space<vmem>>, vector<1x16xf32>,
      %add3A_742 = arith.constant 0 : i32
      %add3A_743 = arith.addi %add3A_742, %scan3A_728 : i32
      %get3A_744 = arith.index_cast %add3A_743 : i32 to index
      %get3A_745 = arith.constant 16 : index
      %get3A_746 = tpu.vector_load %arg7[%get3A_744, %get3A_745] {strides = array<i32>} : memref<256x128xf32, #tpu.memory_space<vmem>>, vector<1x16xf32>,
      %get3A_747 = vector.shape_cast %get3A_746 : vector<1x16xf32> to vector<16xf32>
      %swap3A_748 = arith.constant 0 : i32
      %swap3A_749 = arith.constant 0 : i32
      %swap3A_750 = tpu.memref_slice %arg8[%scan3A_415, %swap3A_748, %swap3A_749] : memref<5x128x128xf32, #tpu.memory_space<vmem>> -> memref<1x128x128xf32, #tpu.memory_space<vmem>>
      %swap3A_751 = tpu.memref_squeeze %swap3A_750 : memref<1x128x128xf32, #tpu.memory_space<vmem>> -> memref<128x128xf32, #tpu.memory_space<vmem>>
      %swap3A_752 = arith.index_cast %scan3A_728 : i32 to index
      %swap3A_753 = arith.constant 16 : index
      %swap3A_754 = tpu.vector_load %swap3A_751[%swap3A_752, %swap3A_753] {strides = array<i32>} : memref<128x128xf32, #tpu.memory_space<vmem>>, vector<1x16xf32>,
      %swap3A_755 = vector.shape_cast %swap3A_754 : vector<1x16xf32> to vector<16xf32>
      %swap3A_756 = vector.shape_cast %get3A_747 : vector<16xf32> to vector<1x16xf32>
      tpu.vector_store %swap3A_751[%swap3A_752, %swap3A_753], %swap3A_756 {strides = array<i32>} : memref<128x128xf32, #tpu.memory_space<vmem>>, vector<1x16xf32>,
      %add3A_757 = arith.constant 0 : i32
      %add3A_758 = arith.addi %add3A_757, %scan3A_728 : i32
      %get3A_759 = arith.index_cast %add3A_758 : i32 to index
      %get3A_760 = arith.constant 32 : index
      %get3A_761 = tpu.vector_load %arg7[%get3A_759, %get3A_760] {strides = array<i32>} : memref<256x128xf32, #tpu.memory_space<vmem>>, vector<1x16xf32>,
      %get3A_762 = vector.shape_cast %get3A_761 : vector<1x16xf32> to vector<16xf32>
      %swap3A_763 = arith.constant 0 : i32
      %swap3A_764 = arith.constant 0 : i32
      %swap3A_765 = tpu.memref_slice %arg8[%scan3A_415, %swap3A_763, %swap3A_764] : memref<5x128x128xf32, #tpu.memory_space<vmem>> -> memref<1x128x128xf32, #tpu.memory_space<vmem>>
      %swap3A_766 = tpu.memref_squeeze %swap3A_765 : memref<1x128x128xf32, #tpu.memory_space<vmem>> -> memref<128x128xf32, #tpu.memory_space<vmem>>
      %swap3A_767 = arith.index_cast %scan3A_728 : i32 to index
      %swap3A_768 = arith.constant 32 : index
      %swap3A_769 = tpu.vector_load %swap3A_766[%swap3A_767, %swap3A_768] {strides = array<i32>} : memref<128x128xf32, #tpu.memory_space<vmem>>, vector<1x16xf32>,
      %swap3A_770 = vector.shape_cast %swap3A_769 : vector<1x16xf32> to vector<16xf32>
      %swap3A_771 = vector.shape_cast %get3A_762 : vector<16xf32> to vector<1x16xf32>
      tpu.vector_store %swap3A_766[%swap3A_767, %swap3A_768], %swap3A_771 {strides = array<i32>} : memref<128x128xf32, #tpu.memory_space<vmem>>, vector<1x16xf32>,
      %add3A_772 = arith.constant 0 : i32
      %add3A_773 = arith.addi %add3A_772, %scan3A_728 : i32
      %get3A_774 = arith.index_cast %add3A_773 : i32 to index
      %get3A_775 = arith.constant 48 : index
      %get3A_776 = tpu.vector_load %arg7[%get3A_774, %get3A_775] {strides = array<i32>} : memref<256x128xf32, #tpu.memory_space<vmem>>, vector<1x16xf32>,
      %get3A_777 = vector.shape_cast %get3A_776 : vector<1x16xf32> to vector<16xf32>
      %swap3A_778 = arith.constant 0 : i32
      %swap3A_779 = arith.constant 0 : i32
      %swap3A_780 = tpu.memref_slice %arg8[%scan3A_415, %swap3A_778, %swap3A_779] : memref<5x128x128xf32, #tpu.memory_space<vmem>> -> memref<1x128x128xf32, #tpu.memory_space<vmem>>
      %swap3A_781 = tpu.memref_squeeze %swap3A_780 : memref<1x128x128xf32, #tpu.memory_space<vmem>> -> memref<128x128xf32, #tpu.memory_space<vmem>>
      %swap3A_782 = arith.index_cast %scan3A_728 : i32 to index
      %swap3A_783 = arith.constant 48 : index
      %swap3A_784 = tpu.vector_load %swap3A_781[%swap3A_782, %swap3A_783] {strides = array<i32>} : memref<128x128xf32, #tpu.memory_space<vmem>>, vector<1x16xf32>,
      %swap3A_785 = vector.shape_cast %swap3A_784 : vector<1x16xf32> to vector<16xf32>
      %swap3A_786 = vector.shape_cast %get3A_777 : vector<16xf32> to vector<1x16xf32>
      tpu.vector_store %swap3A_781[%swap3A_782, %swap3A_783], %swap3A_786 {strides = array<i32>} : memref<128x128xf32, #tpu.memory_space<vmem>>, vector<1x16xf32>,
      %add3A_787 = arith.constant 0 : i32
      %add3A_788 = arith.addi %add3A_787, %scan3A_728 : i32
      %get3A_789 = arith.index_cast %add3A_788 : i32 to index
      %get3A_790 = arith.constant 64 : index
      %get3A_791 = tpu.vector_load %arg7[%get3A_789, %get3A_790] {strides = array<i32>} : memref<256x128xf32, #tpu.memory_space<vmem>>, vector<1x16xf32>,
      %get3A_792 = vector.shape_cast %get3A_791 : vector<1x16xf32> to vector<16xf32>
      %swap3A_793 = arith.constant 0 : i32
      %swap3A_794 = arith.constant 0 : i32
      %swap3A_795 = tpu.memref_slice %arg8[%scan3A_415, %swap3A_793, %swap3A_794] : memref<5x128x128xf32, #tpu.memory_space<vmem>> -> memref<1x128x128xf32, #tpu.memory_space<vmem>>
      %swap3A_796 = tpu.memref_squeeze %swap3A_795 : memref<1x128x128xf32, #tpu.memory_space<vmem>> -> memref<128x128xf32, #tpu.memory_space<vmem>>
      %swap3A_797 = arith.index_cast %scan3A_728 : i32 to index
      %swap3A_798 = arith.constant 64 : index
      %swap3A_799 = tpu.vector_load %swap3A_796[%swap3A_797, %swap3A_798] {strides = array<i32>} : memref<128x128xf32, #tpu.memory_space<vmem>>, vector<1x16xf32>,
      %swap3A_800 = vector.shape_cast %swap3A_799 : vector<1x16xf32> to vector<16xf32>
      %swap3A_801 = vector.shape_cast %get3A_792 : vector<16xf32> to vector<1x16xf32>
      tpu.vector_store %swap3A_796[%swap3A_797, %swap3A_798], %swap3A_801 {strides = array<i32>} : memref<128x128xf32, #tpu.memory_space<vmem>>, vector<1x16xf32>,
      %add3A_802 = arith.constant 0 : i32
      %add3A_803 = arith.addi %add3A_802, %scan3A_728 : i32
      %get3A_804 = arith.index_cast %add3A_803 : i32 to index
      %get3A_805 = arith.constant 80 : index
      %get3A_806 = tpu.vector_load %arg7[%get3A_804, %get3A_805] {strides = array<i32>} : memref<256x128xf32, #tpu.memory_space<vmem>>, vector<1x16xf32>,
      %get3A_807 = vector.shape_cast %get3A_806 : vector<1x16xf32> to vector<16xf32>
      %swap3A_808 = arith.constant 0 : i32
      %swap3A_809 = arith.constant 0 : i32
      %swap3A_810 = tpu.memref_slice %arg8[%scan3A_415, %swap3A_808, %swap3A_809] : memref<5x128x128xf32, #tpu.memory_space<vmem>> -> memref<1x128x128xf32, #tpu.memory_space<vmem>>
      %swap3A_811 = tpu.memref_squeeze %swap3A_810 : memref<1x128x128xf32, #tpu.memory_space<vmem>> -> memref<128x128xf32, #tpu.memory_space<vmem>>
      %swap3A_812 = arith.index_cast %scan3A_728 : i32 to index
      %swap3A_813 = arith.constant 80 : index
      %swap3A_814 = tpu.vector_load %swap3A_811[%swap3A_812, %swap3A_813] {strides = array<i32>} : memref<128x128xf32, #tpu.memory_space<vmem>>, vector<1x16xf32>,
      %swap3A_815 = vector.shape_cast %swap3A_814 : vector<1x16xf32> to vector<16xf32>
      %swap3A_816 = vector.shape_cast %get3A_807 : vector<16xf32> to vector<1x16xf32>
      tpu.vector_store %swap3A_811[%swap3A_812, %swap3A_813], %swap3A_816 {strides = array<i32>} : memref<128x128xf32, #tpu.memory_space<vmem>>, vector<1x16xf32>,
      %add3A_817 = arith.constant 0 : i32
      %add3A_818 = arith.addi %add3A_817, %scan3A_728 : i32
      %get3A_819 = arith.index_cast %add3A_818 : i32 to index
      %get3A_820 = arith.constant 96 : index
      %get3A_821 = tpu.vector_load %arg7[%get3A_819, %get3A_820] {strides = array<i32>} : memref<256x128xf32, #tpu.memory_space<vmem>>, vector<1x16xf32>,
      %get3A_822 = vector.shape_cast %get3A_821 : vector<1x16xf32> to vector<16xf32>
      %swap3A_823 = arith.constant 0 : i32
      %swap3A_824 = arith.constant 0 : i32
      %swap3A_825 = tpu.memref_slice %arg8[%scan3A_415, %swap3A_823, %swap3A_824] : memref<5x128x128xf32, #tpu.memory_space<vmem>> -> memref<1x128x128xf32, #tpu.memory_space<vmem>>
      %swap3A_826 = tpu.memref_squeeze %swap3A_825 : memref<1x128x128xf32, #tpu.memory_space<vmem>> -> memref<128x128xf32, #tpu.memory_space<vmem>>
      %swap3A_827 = arith.index_cast %scan3A_728 : i32 to index
      %swap3A_828 = arith.constant 96 : index
      %swap3A_829 = tpu.vector_load %swap3A_826[%swap3A_827, %swap3A_828] {strides = array<i32>} : memref<128x128xf32, #tpu.memory_space<vmem>>, vector<1x16xf32>,
      %swap3A_830 = vector.shape_cast %swap3A_829 : vector<1x16xf32> to vector<16xf32>
      %swap3A_831 = vector.shape_cast %get3A_822 : vector<16xf32> to vector<1x16xf32>
      tpu.vector_store %swap3A_826[%swap3A_827, %swap3A_828], %swap3A_831 {strides = array<i32>} : memref<128x128xf32, #tpu.memory_space<vmem>>, vector<1x16xf32>,
      %add3A_832 = arith.constant 0 : i32
      %add3A_833 = arith.addi %add3A_832, %scan3A_728 : i32
      %get3A_834 = arith.index_cast %add3A_833 : i32 to index
      %get3A_835 = arith.constant 112 : index
      %get3A_836 = tpu.vector_load %arg7[%get3A_834, %get3A_835] {strides = array<i32>} : memref<256x128xf32, #tpu.memory_space<vmem>>, vector<1x16xf32>,
      %get3A_837 = vector.shape_cast %get3A_836 : vector<1x16xf32> to vector<16xf32>
      %swap3A_838 = arith.constant 0 : i32
      %swap3A_839 = arith.constant 0 : i32
      %swap3A_840 = tpu.memref_slice %arg8[%scan3A_415, %swap3A_838, %swap3A_839] : memref<5x128x128xf32, #tpu.memory_space<vmem>> -> memref<1x128x128xf32, #tpu.memory_space<vmem>>
      %swap3A_841 = tpu.memref_squeeze %swap3A_840 : memref<1x128x128xf32, #tpu.memory_space<vmem>> -> memref<128x128xf32, #tpu.memory_space<vmem>>
      %swap3A_842 = arith.index_cast %scan3A_728 : i32 to index
      %swap3A_843 = arith.constant 112 : index
      %swap3A_844 = tpu.vector_load %swap3A_841[%swap3A_842, %swap3A_843] {strides = array<i32>} : memref<128x128xf32, #tpu.memory_space<vmem>>, vector<1x16xf32>,
      %swap3A_845 = vector.shape_cast %swap3A_844 : vector<1x16xf32> to vector<16xf32>
      %swap3A_846 = vector.shape_cast %get3A_837 : vector<16xf32> to vector<1x16xf32>
      tpu.vector_store %swap3A_841[%swap3A_842, %swap3A_843], %swap3A_846 {strides = array<i32>} : memref<128x128xf32, #tpu.memory_space<vmem>>, vector<1x16xf32>,
    }
    %scan3A_420 = arith.constant 128 : i32
    %dma_start3A_421 = arith.constant 6 : i32
    %dma_start3A_422 = arith.constant 1 : i32
    %dma_start3A_423 = arith.constant 0 : i32
    %dma_start3A_424 = arith.constant 0 : i32
    %dma_start3A_425 = tpu.memref_slice %arg8[%dma_start3A_422, %dma_start3A_423, %dma_start3A_424] : memref<5x128x128xf32, #tpu.memory_space<vmem>> -> memref<1x128x128xf32, #tpu.memory_space<vmem>>
    %dma_start3A_426 = tpu.memref_squeeze %dma_start3A_425 : memref<1x128x128xf32, #tpu.memory_space<vmem>> -> memref<128x128xf32, #tpu.memory_space<vmem>>
    %dma_start3A_427 = arith.constant 0 : i32
    %dma_start3A_428 = tpu.memref_slice %arg6[%dma_start3A_421, %dma_start3A_427] : memref<8x128xi32, #tpu.memory_space<vmem>> -> memref<1x128xi32, #tpu.memory_space<vmem>>
    %dma_start3A_429 = tpu.memref_squeeze %dma_start3A_428 : memref<1x128xi32, #tpu.memory_space<vmem>> -> memref<128xi32, #tpu.memory_space<vmem>>
    %dma_start3A_430 = arith.constant 0 : i32
    %dma_start3A_431 = arith.constant 0 : i32
    %dma_start3A_432 = tpu.memref_slice %arg3[%dma_start3A_430, %dma_start3A_431] : memref<100000x128xf32, #tpu.memory_space<hbm>> -> memref<100000x128xf32, #tpu.memory_space<hbm>>
    tpu.enqueue_indirect_dma source(%dma_start3A_432 : memref<100000x128xf32, #tpu.memory_space<hbm>>) target(%dma_start3A_426 : memref<128x128xf32, #tpu.memory_space<vmem>>) offsets(%dma_start3A_429 : memref<128xi32, #tpu.memory_space<vmem>>) semaphore(%arg10 : memref<!tpu.dma_semaphore, #tpu.memory_space<semaphore_mem>>) {add = true}
    %dma_wait3A_433 = arith.constant 2 : i32
    %dma_wait3A_434 = arith.constant 2 : i32
    %dma_wait3A_435 = arith.constant 0 : i32
    %dma_wait3A_436 = arith.constant 0 : i32
    %dma_wait3A_437 = tpu.memref_slice %arg8[%dma_wait3A_434, %dma_wait3A_435, %dma_wait3A_436] : memref<5x128x128xf32, #tpu.memory_space<vmem>> -> memref<1x128x128xf32, #tpu.memory_space<vmem>>
    %dma_wait3A_438 = tpu.memref_squeeze %dma_wait3A_437 : memref<1x128x128xf32, #tpu.memory_space<vmem>> -> memref<128x128xf32, #tpu.memory_space<vmem>>
    %dma_wait3A_439 = arith.constant 0 : i32
    %dma_wait3A_440 = tpu.memref_slice %arg6[%dma_wait3A_433, %dma_wait3A_439] : memref<8x128xi32, #tpu.memory_space<vmem>> -> memref<1x128xi32, #tpu.memory_space<vmem>>
    %dma_wait3A_441 = tpu.memref_squeeze %dma_wait3A_440 : memref<1x128xi32, #tpu.memory_space<vmem>> -> memref<128xi32, #tpu.memory_space<vmem>>
    %dma_wait3A_442 = arith.constant 0 : i32
    %dma_wait3A_443 = arith.constant 0 : i32
    %dma_wait3A_444 = tpu.memref_slice %arg3[%dma_wait3A_442, %dma_wait3A_443] : memref<100000x128xf32, #tpu.memory_space<hbm>> -> memref<100000x128xf32, #tpu.memory_space<hbm>>
    tpu.wait_indirect_dma semaphore(%arg10 : memref<!tpu.dma_semaphore, #tpu.memory_space<semaphore_mem>>) src(%dma_wait3A_444 : memref<100000x128xf32, #tpu.memory_space<hbm>>) dst(%dma_wait3A_438 : memref<128x128xf32, #tpu.memory_space<vmem>>)
    %add3A_445 = arith.constant 0 : i32
    %add3A_446 = arith.addi %mul3A_2, %add3A_445 : i32
    %dma_start3A_447 = arith.constant 2 : i32
    %dma_start3A_448 = arith.constant 1 : i32
    %dma_start3A_449 = arith.constant 0 : i32
    %dma_start3A_450 = arith.constant 0 : i32
    %dma_start3A_451 = tpu.memref_slice %arg8[%dma_start3A_447, %dma_start3A_449, %dma_start3A_450] : memref<5x128x128xf32, #tpu.memory_space<vmem>> -> memref<1x128x128xf32, #tpu.memory_space<vmem>>
    %dma_start3A_452 = tpu.memref_squeeze %dma_start3A_451 : memref<1x128x128xf32, #tpu.memory_space<vmem>> -> memref<128x128xf32, #tpu.memory_space<vmem>>
    %dma_start3A_453 = arith.constant 0 : i32
    %dma_start3A_454 = tpu.memref_slice %arg5[%dma_start3A_448, %add3A_446, %dma_start3A_453] : memref<4x8192x128xf32, #tpu.memory_space<hbm>> -> memref<1x128x128xf32, #tpu.memory_space<hbm>>
    %dma_start3A_455 = tpu.memref_squeeze %dma_start3A_454 : memref<1x128x128xf32, #tpu.memory_space<hbm>> -> memref<128x128xf32, #tpu.memory_space<hbm>>
    %dma_start3A_456 = arith.constant 0 : i32
    %dma_start3A_457 = tpu.memref_slice %arg5[%dma_start3A_448, %add3A_446, %dma_start3A_456] : memref<4x8192x128xf32, #tpu.memory_space<hbm>> -> memref<1x128x128xf32, #tpu.memory_space<hbm>>
    %dma_start3A_458 = tpu.memref_squeeze %dma_start3A_457 : memref<1x128x128xf32, #tpu.memory_space<hbm>> -> memref<128x128xf32, #tpu.memory_space<hbm>>
    %dma_start3A_459 = arith.constant 0 : i32
    %dma_start3A_460 = arith.constant 0 : i32
    %dma_start3A_461 = tpu.memref_slice %arg8[%dma_start3A_447, %dma_start3A_459, %dma_start3A_460] : memref<5x128x128xf32, #tpu.memory_space<vmem>> -> memref<1x128x128xf32, #tpu.memory_space<vmem>>
    %dma_start3A_462 = tpu.memref_squeeze %dma_start3A_461 : memref<1x128x128xf32, #tpu.memory_space<vmem>> -> memref<128x128xf32, #tpu.memory_space<vmem>>
    tpu.enqueue_dma source(%dma_start3A_462 : memref<128x128xf32, #tpu.memory_space<vmem>>) target(%dma_start3A_458 : memref<128x128xf32, #tpu.memory_space<hbm>>) target_semaphore(%arg11 : memref<!tpu.dma_semaphore, #tpu.memory_space<semaphore_mem>>)
    %dma_wait3A_463 = arith.constant 2 : i32
    %dma_wait3A_464 = arith.constant 1 : i32
    %dma_wait3A_465 = arith.constant 0 : i32
    %dma_wait3A_466 = arith.constant 0 : i32
    %dma_wait3A_467 = tpu.memref_slice %arg8[%dma_wait3A_463, %dma_wait3A_465, %dma_wait3A_466] : memref<5x128x128xf32, #tpu.memory_space<vmem>> -> memref<1x128x128xf32, #tpu.memory_space<vmem>>
    %dma_wait3A_468 = tpu.memref_squeeze %dma_wait3A_467 : memref<1x128x128xf32, #tpu.memory_space<vmem>> -> memref<128x128xf32, #tpu.memory_space<vmem>>
    %dma_wait3A_469 = arith.constant 0 : i32
    %dma_wait3A_470 = tpu.memref_slice %arg5[%dma_wait3A_464, %add3A_446, %dma_wait3A_469] : memref<4x8192x128xf32, #tpu.memory_space<hbm>> -> memref<1x128x128xf32, #tpu.memory_space<hbm>>
    %dma_wait3A_471 = tpu.memref_squeeze %dma_wait3A_470 : memref<1x128x128xf32, #tpu.memory_space<hbm>> -> memref<128x128xf32, #tpu.memory_space<hbm>>
    %dma_wait3A_472 = arith.constant 0 : i32
    %dma_wait3A_473 = tpu.memref_slice %arg5[%dma_wait3A_464, %add3A_446, %dma_wait3A_472] : memref<4x8192x128xf32, #tpu.memory_space<hbm>> -> memref<1x128x128xf32, #tpu.memory_space<hbm>>
    %dma_wait3A_474 = tpu.memref_squeeze %dma_wait3A_473 : memref<1x128x128xf32, #tpu.memory_space<hbm>> -> memref<128x128xf32, #tpu.memory_space<hbm>>
    %dma_wait3A_475 = arith.constant 0 : i32
    %dma_wait3A_476 = arith.constant 0 : i32
    %dma_wait3A_477 = tpu.memref_slice %arg8[%dma_wait3A_463, %dma_wait3A_475, %dma_wait3A_476] : memref<5x128x128xf32, #tpu.memory_space<vmem>> -> memref<1x128x128xf32, #tpu.memory_space<vmem>>
    %dma_wait3A_478 = tpu.memref_squeeze %dma_wait3A_477 : memref<1x128x128xf32, #tpu.memory_space<vmem>> -> memref<128x128xf32, #tpu.memory_space<vmem>>
    tpu.wait_dma2 semaphore(%arg11 : memref<!tpu.dma_semaphore, #tpu.memory_space<semaphore_mem>>) src(%dma_wait3A_478 : memref<128x128xf32, #tpu.memory_space<vmem>>) dst(%dma_wait3A_474 : memref<128x128xf32, #tpu.memory_space<hbm>>)
    %scan3A_479 = arith.constant 0 : i32
    %scan3A_480 = arith.constant 2 : i32
    %scan3A_481 = arith.constant 0 : i32
    %scan3A_482 = arith.constant 128 : i32
    %scan3A_483 = arith.addi %scan3A_481, %scan3A_482 : i32
    %scan3A_484 = arith.constant 1 : i32
    scf.for %scan3A_728 = %scan3A_481 to %scan3A_483 step %scan3A_484  : i32 {
      %add3A_729 = arith.constant 128 : i32
      %add3A_730 = arith.addi %add3A_729, %scan3A_728 : i32
      %get3A = arith.index_cast %add3A_730 : i32 to index
      %get3A_731 = arith.constant 0 : index
      %get3A_732 = tpu.vector_load %arg7[%get3A, %get3A_731] {strides = array<i32>} : memref<256x128xf32, #tpu.memory_space<vmem>>, vector<1x16xf32>,
      %get3A_733 = vector.shape_cast %get3A_732 : vector<1x16xf32> to vector<16xf32>
      %swap3A = arith.constant 0 : i32
      %swap3A_734 = arith.constant 0 : i32
      %swap3A_735 = tpu.memref_slice %arg8[%scan3A_480, %swap3A, %swap3A_734] : memref<5x128x128xf32, #tpu.memory_space<vmem>> -> memref<1x128x128xf32, #tpu.memory_space<vmem>>
      %swap3A_736 = tpu.memref_squeeze %swap3A_735 : memref<1x128x128xf32, #tpu.memory_space<vmem>> -> memref<128x128xf32, #tpu.memory_space<vmem>>
      %swap3A_737 = arith.index_cast %scan3A_728 : i32 to index
      %swap3A_738 = arith.constant 0 : index
      %swap3A_739 = tpu.vector_load %swap3A_736[%swap3A_737, %swap3A_738] {strides = array<i32>} : memref<128x128xf32, #tpu.memory_space<vmem>>, vector<1x16xf32>,
      %swap3A_740 = vector.shape_cast %swap3A_739 : vector<1x16xf32> to vector<16xf32>
      %swap3A_741 = vector.shape_cast %get3A_733 : vector<16xf32> to vector<1x16xf32>
      tpu.vector_store %swap3A_736[%swap3A_737, %swap3A_738], %swap3A_741 {strides = array<i32>} : memref<128x128xf32, #tpu.memory_space<vmem>>, vector<1x16xf32>,
      %add3A_742 = arith.constant 128 : i32
      %add3A_743 = arith.addi %add3A_742, %scan3A_728 : i32
      %get3A_744 = arith.index_cast %add3A_743 : i32 to index
      %get3A_745 = arith.constant 16 : index
      %get3A_746 = tpu.vector_load %arg7[%get3A_744, %get3A_745] {strides = array<i32>} : memref<256x128xf32, #tpu.memory_space<vmem>>, vector<1x16xf32>,
      %get3A_747 = vector.shape_cast %get3A_746 : vector<1x16xf32> to vector<16xf32>
      %swap3A_748 = arith.constant 0 : i32
      %swap3A_749 = arith.constant 0 : i32
      %swap3A_750 = tpu.memref_slice %arg8[%scan3A_480, %swap3A_748, %swap3A_749] : memref<5x128x128xf32, #tpu.memory_space<vmem>> -> memref<1x128x128xf32, #tpu.memory_space<vmem>>
      %swap3A_751 = tpu.memref_squeeze %swap3A_750 : memref<1x128x128xf32, #tpu.memory_space<vmem>> -> memref<128x128xf32, #tpu.memory_space<vmem>>
      %swap3A_752 = arith.index_cast %scan3A_728 : i32 to index
      %swap3A_753 = arith.constant 16 : index
      %swap3A_754 = tpu.vector_load %swap3A_751[%swap3A_752, %swap3A_753] {strides = array<i32>} : memref<128x128xf32, #tpu.memory_space<vmem>>, vector<1x16xf32>,
      %swap3A_755 = vector.shape_cast %swap3A_754 : vector<1x16xf32> to vector<16xf32>
      %swap3A_756 = vector.shape_cast %get3A_747 : vector<16xf32> to vector<1x16xf32>
      tpu.vector_store %swap3A_751[%swap3A_752, %swap3A_753], %swap3A_756 {strides = array<i32>} : memref<128x128xf32, #tpu.memory_space<vmem>>, vector<1x16xf32>,
      %add3A_757 = arith.constant 128 : i32
      %add3A_758 = arith.addi %add3A_757, %scan3A_728 : i32
      %get3A_759 = arith.index_cast %add3A_758 : i32 to index
      %get3A_760 = arith.constant 32 : index
      %get3A_761 = tpu.vector_load %arg7[%get3A_759, %get3A_760] {strides = array<i32>} : memref<256x128xf32, #tpu.memory_space<vmem>>, vector<1x16xf32>,
      %get3A_762 = vector.shape_cast %get3A_761 : vector<1x16xf32> to vector<16xf32>
      %swap3A_763 = arith.constant 0 : i32
      %swap3A_764 = arith.constant 0 : i32
      %swap3A_765 = tpu.memref_slice %arg8[%scan3A_480, %swap3A_763, %swap3A_764] : memref<5x128x128xf32, #tpu.memory_space<vmem>> -> memref<1x128x128xf32, #tpu.memory_space<vmem>>
      %swap3A_766 = tpu.memref_squeeze %swap3A_765 : memref<1x128x128xf32, #tpu.memory_space<vmem>> -> memref<128x128xf32, #tpu.memory_space<vmem>>
      %swap3A_767 = arith.index_cast %scan3A_728 : i32 to index
      %swap3A_768 = arith.constant 32 : index
      %swap3A_769 = tpu.vector_load %swap3A_766[%swap3A_767, %swap3A_768] {strides = array<i32>} : memref<128x128xf32, #tpu.memory_space<vmem>>, vector<1x16xf32>,
      %swap3A_770 = vector.shape_cast %swap3A_769 : vector<1x16xf32> to vector<16xf32>
      %swap3A_771 = vector.shape_cast %get3A_762 : vector<16xf32> to vector<1x16xf32>
      tpu.vector_store %swap3A_766[%swap3A_767, %swap3A_768], %swap3A_771 {strides = array<i32>} : memref<128x128xf32, #tpu.memory_space<vmem>>, vector<1x16xf32>,
      %add3A_772 = arith.constant 128 : i32
      %add3A_773 = arith.addi %add3A_772, %scan3A_728 : i32
      %get3A_774 = arith.index_cast %add3A_773 : i32 to index
      %get3A_775 = arith.constant 48 : index
      %get3A_776 = tpu.vector_load %arg7[%get3A_774, %get3A_775] {strides = array<i32>} : memref<256x128xf32, #tpu.memory_space<vmem>>, vector<1x16xf32>,
      %get3A_777 = vector.shape_cast %get3A_776 : vector<1x16xf32> to vector<16xf32>
      %swap3A_778 = arith.constant 0 : i32
      %swap3A_779 = arith.constant 0 : i32
      %swap3A_780 = tpu.memref_slice %arg8[%scan3A_480, %swap3A_778, %swap3A_779] : memref<5x128x128xf32, #tpu.memory_space<vmem>> -> memref<1x128x128xf32, #tpu.memory_space<vmem>>
      %swap3A_781 = tpu.memref_squeeze %swap3A_780 : memref<1x128x128xf32, #tpu.memory_space<vmem>> -> memref<128x128xf32, #tpu.memory_space<vmem>>
      %swap3A_782 = arith.index_cast %scan3A_728 : i32 to index
      %swap3A_783 = arith.constant 48 : index
      %swap3A_784 = tpu.vector_load %swap3A_781[%swap3A_782, %swap3A_783] {strides = array<i32>} : memref<128x128xf32, #tpu.memory_space<vmem>>, vector<1x16xf32>,
      %swap3A_785 = vector.shape_cast %swap3A_784 : vector<1x16xf32> to vector<16xf32>
      %swap3A_786 = vector.shape_cast %get3A_777 : vector<16xf32> to vector<1x16xf32>
      tpu.vector_store %swap3A_781[%swap3A_782, %swap3A_783], %swap3A_786 {strides = array<i32>} : memref<128x128xf32, #tpu.memory_space<vmem>>, vector<1x16xf32>,
      %add3A_787 = arith.constant 128 : i32
      %add3A_788 = arith.addi %add3A_787, %scan3A_728 : i32
      %get3A_789 = arith.index_cast %add3A_788 : i32 to index
      %get3A_790 = arith.constant 64 : index
      %get3A_791 = tpu.vector_load %arg7[%get3A_789, %get3A_790] {strides = array<i32>} : memref<256x128xf32, #tpu.memory_space<vmem>>, vector<1x16xf32>,
      %get3A_792 = vector.shape_cast %get3A_791 : vector<1x16xf32> to vector<16xf32>
      %swap3A_793 = arith.constant 0 : i32
      %swap3A_794 = arith.constant 0 : i32
      %swap3A_795 = tpu.memref_slice %arg8[%scan3A_480, %swap3A_793, %swap3A_794] : memref<5x128x128xf32, #tpu.memory_space<vmem>> -> memref<1x128x128xf32, #tpu.memory_space<vmem>>
      %swap3A_796 = tpu.memref_squeeze %swap3A_795 : memref<1x128x128xf32, #tpu.memory_space<vmem>> -> memref<128x128xf32, #tpu.memory_space<vmem>>
      %swap3A_797 = arith.index_cast %scan3A_728 : i32 to index
      %swap3A_798 = arith.constant 64 : index
      %swap3A_799 = tpu.vector_load %swap3A_796[%swap3A_797, %swap3A_798] {strides = array<i32>} : memref<128x128xf32, #tpu.memory_space<vmem>>, vector<1x16xf32>,
      %swap3A_800 = vector.shape_cast %swap3A_799 : vector<1x16xf32> to vector<16xf32>
      %swap3A_801 = vector.shape_cast %get3A_792 : vector<16xf32> to vector<1x16xf32>
      tpu.vector_store %swap3A_796[%swap3A_797, %swap3A_798], %swap3A_801 {strides = array<i32>} : memref<128x128xf32, #tpu.memory_space<vmem>>, vector<1x16xf32>,
      %add3A_802 = arith.constant 128 : i32
      %add3A_803 = arith.addi %add3A_802, %scan3A_728 : i32
      %get3A_804 = arith.index_cast %add3A_803 : i32 to index
      %get3A_805 = arith.constant 80 : index
      %get3A_806 = tpu.vector_load %arg7[%get3A_804, %get3A_805] {strides = array<i32>} : memref<256x128xf32, #tpu.memory_space<vmem>>, vector<1x16xf32>,
      %get3A_807 = vector.shape_cast %get3A_806 : vector<1x16xf32> to vector<16xf32>
      %swap3A_808 = arith.constant 0 : i32
      %swap3A_809 = arith.constant 0 : i32
      %swap3A_810 = tpu.memref_slice %arg8[%scan3A_480, %swap3A_808, %swap3A_809] : memref<5x128x128xf32, #tpu.memory_space<vmem>> -> memref<1x128x128xf32, #tpu.memory_space<vmem>>
      %swap3A_811 = tpu.memref_squeeze %swap3A_810 : memref<1x128x128xf32, #tpu.memory_space<vmem>> -> memref<128x128xf32, #tpu.memory_space<vmem>>
      %swap3A_812 = arith.index_cast %scan3A_728 : i32 to index
      %swap3A_813 = arith.constant 80 : index
      %swap3A_814 = tpu.vector_load %swap3A_811[%swap3A_812, %swap3A_813] {strides = array<i32>} : memref<128x128xf32, #tpu.memory_space<vmem>>, vector<1x16xf32>,
      %swap3A_815 = vector.shape_cast %swap3A_814 : vector<1x16xf32> to vector<16xf32>
      %swap3A_816 = vector.shape_cast %get3A_807 : vector<16xf32> to vector<1x16xf32>
      tpu.vector_store %swap3A_811[%swap3A_812, %swap3A_813], %swap3A_816 {strides = array<i32>} : memref<128x128xf32, #tpu.memory_space<vmem>>, vector<1x16xf32>,
      %add3A_817 = arith.constant 128 : i32
      %add3A_818 = arith.addi %add3A_817, %scan3A_728 : i32
      %get3A_819 = arith.index_cast %add3A_818 : i32 to index
      %get3A_820 = arith.constant 96 : index
      %get3A_821 = tpu.vector_load %arg7[%get3A_819, %get3A_820] {strides = array<i32>} : memref<256x128xf32, #tpu.memory_space<vmem>>, vector<1x16xf32>,
      %get3A_822 = vector.shape_cast %get3A_821 : vector<1x16xf32> to vector<16xf32>
      %swap3A_823 = arith.constant 0 : i32
      %swap3A_824 = arith.constant 0 : i32
      %swap3A_825 = tpu.memref_slice %arg8[%scan3A_480, %swap3A_823, %swap3A_824] : memref<5x128x128xf32, #tpu.memory_space<vmem>> -> memref<1x128x128xf32, #tpu.memory_space<vmem>>
      %swap3A_826 = tpu.memref_squeeze %swap3A_825 : memref<1x128x128xf32, #tpu.memory_space<vmem>> -> memref<128x128xf32, #tpu.memory_space<vmem>>
      %swap3A_827 = arith.index_cast %scan3A_728 : i32 to index
      %swap3A_828 = arith.constant 96 : index
      %swap3A_829 = tpu.vector_load %swap3A_826[%swap3A_827, %swap3A_828] {strides = array<i32>} : memref<128x128xf32, #tpu.memory_space<vmem>>, vector<1x16xf32>,
      %swap3A_830 = vector.shape_cast %swap3A_829 : vector<1x16xf32> to vector<16xf32>
      %swap3A_831 = vector.shape_cast %get3A_822 : vector<16xf32> to vector<1x16xf32>
      tpu.vector_store %swap3A_826[%swap3A_827, %swap3A_828], %swap3A_831 {strides = array<i32>} : memref<128x128xf32, #tpu.memory_space<vmem>>, vector<1x16xf32>,
      %add3A_832 = arith.constant 128 : i32
      %add3A_833 = arith.addi %add3A_832, %scan3A_728 : i32
      %get3A_834 = arith.index_cast %add3A_833 : i32 to index
      %get3A_835 = arith.constant 112 : index
      %get3A_836 = tpu.vector_load %arg7[%get3A_834, %get3A_835] {strides = array<i32>} : memref<256x128xf32, #tpu.memory_space<vmem>>, vector<1x16xf32>,
      %get3A_837 = vector.shape_cast %get3A_836 : vector<1x16xf32> to vector<16xf32>
      %swap3A_838 = arith.constant 0 : i32
      %swap3A_839 = arith.constant 0 : i32
      %swap3A_840 = tpu.memref_slice %arg8[%scan3A_480, %swap3A_838, %swap3A_839] : memref<5x128x128xf32, #tpu.memory_space<vmem>> -> memref<1x128x128xf32, #tpu.memory_space<vmem>>
      %swap3A_841 = tpu.memref_squeeze %swap3A_840 : memref<1x128x128xf32, #tpu.memory_space<vmem>> -> memref<128x128xf32, #tpu.memory_space<vmem>>
      %swap3A_842 = arith.index_cast %scan3A_728 : i32 to index
      %swap3A_843 = arith.constant 112 : index
      %swap3A_844 = tpu.vector_load %swap3A_841[%swap3A_842, %swap3A_843] {strides = array<i32>} : memref<128x128xf32, #tpu.memory_space<vmem>>, vector<1x16xf32>,
      %swap3A_845 = vector.shape_cast %swap3A_844 : vector<1x16xf32> to vector<16xf32>
      %swap3A_846 = vector.shape_cast %get3A_837 : vector<16xf32> to vector<1x16xf32>
      tpu.vector_store %swap3A_841[%swap3A_842, %swap3A_843], %swap3A_846 {strides = array<i32>} : memref<128x128xf32, #tpu.memory_space<vmem>>, vector<1x16xf32>,
    }
    %scan3A_485 = arith.constant 128 : i32
    %dma_start3A_486 = arith.constant 7 : i32
    %dma_start3A_487 = arith.constant 2 : i32
    %dma_start3A_488 = arith.constant 0 : i32
    %dma_start3A_489 = arith.constant 0 : i32
    %dma_start3A_490 = tpu.memref_slice %arg8[%dma_start3A_487, %dma_start3A_488, %dma_start3A_489] : memref<5x128x128xf32, #tpu.memory_space<vmem>> -> memref<1x128x128xf32, #tpu.memory_space<vmem>>
    %dma_start3A_491 = tpu.memref_squeeze %dma_start3A_490 : memref<1x128x128xf32, #tpu.memory_space<vmem>> -> memref<128x128xf32, #tpu.memory_space<vmem>>
    %dma_start3A_492 = arith.constant 0 : i32
    %dma_start3A_493 = tpu.memref_slice %arg6[%dma_start3A_486, %dma_start3A_492] : memref<8x128xi32, #tpu.memory_space<vmem>> -> memref<1x128xi32, #tpu.memory_space<vmem>>
    %dma_start3A_494 = tpu.memref_squeeze %dma_start3A_493 : memref<1x128xi32, #tpu.memory_space<vmem>> -> memref<128xi32, #tpu.memory_space<vmem>>
    %dma_start3A_495 = arith.constant 0 : i32
    %dma_start3A_496 = arith.constant 0 : i32
    %dma_start3A_497 = tpu.memref_slice %arg3[%dma_start3A_495, %dma_start3A_496] : memref<100000x128xf32, #tpu.memory_space<hbm>> -> memref<100000x128xf32, #tpu.memory_space<hbm>>
    tpu.enqueue_indirect_dma source(%dma_start3A_497 : memref<100000x128xf32, #tpu.memory_space<hbm>>) target(%dma_start3A_491 : memref<128x128xf32, #tpu.memory_space<vmem>>) offsets(%dma_start3A_494 : memref<128xi32, #tpu.memory_space<vmem>>) semaphore(%arg10 : memref<!tpu.dma_semaphore, #tpu.memory_space<semaphore_mem>>) {add = true}
    %dma_wait3A_498 = arith.constant 3 : i32
    %dma_wait3A_499 = arith.constant 3 : i32
    %dma_wait3A_500 = arith.constant 0 : i32
    %dma_wait3A_501 = arith.constant 0 : i32
    %dma_wait3A_502 = tpu.memref_slice %arg8[%dma_wait3A_499, %dma_wait3A_500, %dma_wait3A_501] : memref<5x128x128xf32, #tpu.memory_space<vmem>> -> memref<1x128x128xf32, #tpu.memory_space<vmem>>
    %dma_wait3A_503 = tpu.memref_squeeze %dma_wait3A_502 : memref<1x128x128xf32, #tpu.memory_space<vmem>> -> memref<128x128xf32, #tpu.memory_space<vmem>>
    %dma_wait3A_504 = arith.constant 0 : i32
    %dma_wait3A_505 = tpu.memref_slice %arg6[%dma_wait3A_498, %dma_wait3A_504] : memref<8x128xi32, #tpu.memory_space<vmem>> -> memref<1x128xi32, #tpu.memory_space<vmem>>
    %dma_wait3A_506 = tpu.memref_squeeze %dma_wait3A_505 : memref<1x128xi32, #tpu.memory_space<vmem>> -> memref<128xi32, #tpu.memory_space<vmem>>
    %dma_wait3A_507 = arith.constant 0 : i32
    %dma_wait3A_508 = arith.constant 0 : i32
    %dma_wait3A_509 = tpu.memref_slice %arg3[%dma_wait3A_507, %dma_wait3A_508] : memref<100000x128xf32, #tpu.memory_space<hbm>> -> memref<100000x128xf32, #tpu.memory_space<hbm>>
    tpu.wait_indirect_dma semaphore(%arg10 : memref<!tpu.dma_semaphore, #tpu.memory_space<semaphore_mem>>) src(%dma_wait3A_509 : memref<100000x128xf32, #tpu.memory_space<hbm>>) dst(%dma_wait3A_503 : memref<128x128xf32, #tpu.memory_space<vmem>>)
    %add3A_510 = arith.constant 128 : i32
    %add3A_511 = arith.addi %mul3A_2, %add3A_510 : i32
    %dma_start3A_512 = arith.constant 3 : i32
    %dma_start3A_513 = arith.constant 1 : i32
    %dma_start3A_514 = arith.constant 0 : i32
    %dma_start3A_515 = arith.constant 0 : i32
    %dma_start3A_516 = tpu.memref_slice %arg8[%dma_start3A_512, %dma_start3A_514, %dma_start3A_515] : memref<5x128x128xf32, #tpu.memory_space<vmem>> -> memref<1x128x128xf32, #tpu.memory_space<vmem>>
    %dma_start3A_517 = tpu.memref_squeeze %dma_start3A_516 : memref<1x128x128xf32, #tpu.memory_space<vmem>> -> memref<128x128xf32, #tpu.memory_space<vmem>>
    %dma_start3A_518 = arith.constant 0 : i32
    %dma_start3A_519 = tpu.memref_slice %arg5[%dma_start3A_513, %add3A_511, %dma_start3A_518] : memref<4x8192x128xf32, #tpu.memory_space<hbm>> -> memref<1x128x128xf32, #tpu.memory_space<hbm>>
    %dma_start3A_520 = tpu.memref_squeeze %dma_start3A_519 : memref<1x128x128xf32, #tpu.memory_space<hbm>> -> memref<128x128xf32, #tpu.memory_space<hbm>>
    %dma_start3A_521 = arith.constant 0 : i32
    %dma_start3A_522 = tpu.memref_slice %arg5[%dma_start3A_513, %add3A_511, %dma_start3A_521] : memref<4x8192x128xf32, #tpu.memory_space<hbm>> -> memref<1x128x128xf32, #tpu.memory_space<hbm>>
    %dma_start3A_523 = tpu.memref_squeeze %dma_start3A_522 : memref<1x128x128xf32, #tpu.memory_space<hbm>> -> memref<128x128xf32, #tpu.memory_space<hbm>>
    %dma_start3A_524 = arith.constant 0 : i32
    %dma_start3A_525 = arith.constant 0 : i32
    %dma_start3A_526 = tpu.memref_slice %arg8[%dma_start3A_512, %dma_start3A_524, %dma_start3A_525] : memref<5x128x128xf32, #tpu.memory_space<vmem>> -> memref<1x128x128xf32, #tpu.memory_space<vmem>>
    %dma_start3A_527 = tpu.memref_squeeze %dma_start3A_526 : memref<1x128x128xf32, #tpu.memory_space<vmem>> -> memref<128x128xf32, #tpu.memory_space<vmem>>
    tpu.enqueue_dma source(%dma_start3A_527 : memref<128x128xf32, #tpu.memory_space<vmem>>) target(%dma_start3A_523 : memref<128x128xf32, #tpu.memory_space<hbm>>) target_semaphore(%arg11 : memref<!tpu.dma_semaphore, #tpu.memory_space<semaphore_mem>>)
    %dma_wait3A_528 = arith.constant 4 : i32
    %dma_wait3A_529 = arith.constant 4 : i32
    %dma_wait3A_530 = arith.constant 0 : i32
    %dma_wait3A_531 = arith.constant 0 : i32
    %dma_wait3A_532 = tpu.memref_slice %arg8[%dma_wait3A_529, %dma_wait3A_530, %dma_wait3A_531] : memref<5x128x128xf32, #tpu.memory_space<vmem>> -> memref<1x128x128xf32, #tpu.memory_space<vmem>>
    %dma_wait3A_533 = tpu.memref_squeeze %dma_wait3A_532 : memref<1x128x128xf32, #tpu.memory_space<vmem>> -> memref<128x128xf32, #tpu.memory_space<vmem>>
    %dma_wait3A_534 = arith.constant 0 : i32
    %dma_wait3A_535 = tpu.memref_slice %arg6[%dma_wait3A_528, %dma_wait3A_534] : memref<8x128xi32, #tpu.memory_space<vmem>> -> memref<1x128xi32, #tpu.memory_space<vmem>>
    %dma_wait3A_536 = tpu.memref_squeeze %dma_wait3A_535 : memref<1x128xi32, #tpu.memory_space<vmem>> -> memref<128xi32, #tpu.memory_space<vmem>>
    %dma_wait3A_537 = arith.constant 0 : i32
    %dma_wait3A_538 = arith.constant 0 : i32
    %dma_wait3A_539 = tpu.memref_slice %arg3[%dma_wait3A_537, %dma_wait3A_538] : memref<100000x128xf32, #tpu.memory_space<hbm>> -> memref<100000x128xf32, #tpu.memory_space<hbm>>
    tpu.wait_indirect_dma semaphore(%arg10 : memref<!tpu.dma_semaphore, #tpu.memory_space<semaphore_mem>>) src(%dma_wait3A_539 : memref<100000x128xf32, #tpu.memory_space<hbm>>) dst(%dma_wait3A_533 : memref<128x128xf32, #tpu.memory_space<vmem>>)
    %add3A_540 = arith.constant 0 : i32
    %add3A_541 = arith.addi %mul3A_2, %add3A_540 : i32
    %dma_start3A_542 = arith.constant 4 : i32
    %dma_start3A_543 = arith.constant 2 : i32
    %dma_start3A_544 = arith.constant 0 : i32
    %dma_start3A_545 = arith.constant 0 : i32
    %dma_start3A_546 = tpu.memref_slice %arg8[%dma_start3A_542, %dma_start3A_544, %dma_start3A_545] : memref<5x128x128xf32, #tpu.memory_space<vmem>> -> memref<1x128x128xf32, #tpu.memory_space<vmem>>
    %dma_start3A_547 = tpu.memref_squeeze %dma_start3A_546 : memref<1x128x128xf32, #tpu.memory_space<vmem>> -> memref<128x128xf32, #tpu.memory_space<vmem>>
    %dma_start3A_548 = arith.constant 0 : i32
    %dma_start3A_549 = tpu.memref_slice %arg5[%dma_start3A_543, %add3A_541, %dma_start3A_548] : memref<4x8192x128xf32, #tpu.memory_space<hbm>> -> memref<1x128x128xf32, #tpu.memory_space<hbm>>
    %dma_start3A_550 = tpu.memref_squeeze %dma_start3A_549 : memref<1x128x128xf32, #tpu.memory_space<hbm>> -> memref<128x128xf32, #tpu.memory_space<hbm>>
    %dma_start3A_551 = arith.constant 0 : i32
    %dma_start3A_552 = tpu.memref_slice %arg5[%dma_start3A_543, %add3A_541, %dma_start3A_551] : memref<4x8192x128xf32, #tpu.memory_space<hbm>> -> memref<1x128x128xf32, #tpu.memory_space<hbm>>
    %dma_start3A_553 = tpu.memref_squeeze %dma_start3A_552 : memref<1x128x128xf32, #tpu.memory_space<hbm>> -> memref<128x128xf32, #tpu.memory_space<hbm>>
    %dma_start3A_554 = arith.constant 0 : i32
    %dma_start3A_555 = arith.constant 0 : i32
    %dma_start3A_556 = tpu.memref_slice %arg8[%dma_start3A_542, %dma_start3A_554, %dma_start3A_555] : memref<5x128x128xf32, #tpu.memory_space<vmem>> -> memref<1x128x128xf32, #tpu.memory_space<vmem>>
    %dma_start3A_557 = tpu.memref_squeeze %dma_start3A_556 : memref<1x128x128xf32, #tpu.memory_space<vmem>> -> memref<128x128xf32, #tpu.memory_space<vmem>>
    tpu.enqueue_dma source(%dma_start3A_557 : memref<128x128xf32, #tpu.memory_space<vmem>>) target(%dma_start3A_553 : memref<128x128xf32, #tpu.memory_space<hbm>>) target_semaphore(%arg11 : memref<!tpu.dma_semaphore, #tpu.memory_space<semaphore_mem>>)
    %dma_wait3A_558 = arith.constant 5 : i32
    %dma_wait3A_559 = arith.constant 0 : i32
    %dma_wait3A_560 = arith.constant 0 : i32
    %dma_wait3A_561 = arith.constant 0 : i32
    %dma_wait3A_562 = tpu.memref_slice %arg8[%dma_wait3A_559, %dma_wait3A_560, %dma_wait3A_561] : memref<5x128x128xf32, #tpu.memory_space<vmem>> -> memref<1x128x128xf32, #tpu.memory_space<vmem>>
    %dma_wait3A_563 = tpu.memref_squeeze %dma_wait3A_562 : memref<1x128x128xf32, #tpu.memory_space<vmem>> -> memref<128x128xf32, #tpu.memory_space<vmem>>
    %dma_wait3A_564 = arith.constant 0 : i32
    %dma_wait3A_565 = tpu.memref_slice %arg6[%dma_wait3A_558, %dma_wait3A_564] : memref<8x128xi32, #tpu.memory_space<vmem>> -> memref<1x128xi32, #tpu.memory_space<vmem>>
    %dma_wait3A_566 = tpu.memref_squeeze %dma_wait3A_565 : memref<1x128xi32, #tpu.memory_space<vmem>> -> memref<128xi32, #tpu.memory_space<vmem>>
    %dma_wait3A_567 = arith.constant 0 : i32
    %dma_wait3A_568 = arith.constant 0 : i32
    %dma_wait3A_569 = tpu.memref_slice %arg3[%dma_wait3A_567, %dma_wait3A_568] : memref<100000x128xf32, #tpu.memory_space<hbm>> -> memref<100000x128xf32, #tpu.memory_space<hbm>>
    tpu.wait_indirect_dma semaphore(%arg10 : memref<!tpu.dma_semaphore, #tpu.memory_space<semaphore_mem>>) src(%dma_wait3A_569 : memref<100000x128xf32, #tpu.memory_space<hbm>>) dst(%dma_wait3A_563 : memref<128x128xf32, #tpu.memory_space<vmem>>)
    %add3A_570 = arith.constant 128 : i32
    %add3A_571 = arith.addi %mul3A_2, %add3A_570 : i32
    %dma_start3A_572 = arith.constant 0 : i32
    %dma_start3A_573 = arith.constant 2 : i32
    %dma_start3A_574 = arith.constant 0 : i32
    %dma_start3A_575 = arith.constant 0 : i32
    %dma_start3A_576 = tpu.memref_slice %arg8[%dma_start3A_572, %dma_start3A_574, %dma_start3A_575] : memref<5x128x128xf32, #tpu.memory_space<vmem>> -> memref<1x128x128xf32, #tpu.memory_space<vmem>>
    %dma_start3A_577 = tpu.memref_squeeze %dma_start3A_576 : memref<1x128x128xf32, #tpu.memory_space<vmem>> -> memref<128x128xf32, #tpu.memory_space<vmem>>
    %dma_start3A_578 = arith.constant 0 : i32
    %dma_start3A_579 = tpu.memref_slice %arg5[%dma_start3A_573, %add3A_571, %dma_start3A_578] : memref<4x8192x128xf32, #tpu.memory_space<hbm>> -> memref<1x128x128xf32, #tpu.memory_space<hbm>>
    %dma_start3A_580 = tpu.memref_squeeze %dma_start3A_579 : memref<1x128x128xf32, #tpu.memory_space<hbm>> -> memref<128x128xf32, #tpu.memory_space<hbm>>
    %dma_start3A_581 = arith.constant 0 : i32
    %dma_start3A_582 = tpu.memref_slice %arg5[%dma_start3A_573, %add3A_571, %dma_start3A_581] : memref<4x8192x128xf32, #tpu.memory_space<hbm>> -> memref<1x128x128xf32, #tpu.memory_space<hbm>>
    %dma_start3A_583 = tpu.memref_squeeze %dma_start3A_582 : memref<1x128x128xf32, #tpu.memory_space<hbm>> -> memref<128x128xf32, #tpu.memory_space<hbm>>
    %dma_start3A_584 = arith.constant 0 : i32
    %dma_start3A_585 = arith.constant 0 : i32
    %dma_start3A_586 = tpu.memref_slice %arg8[%dma_start3A_572, %dma_start3A_584, %dma_start3A_585] : memref<5x128x128xf32, #tpu.memory_space<vmem>> -> memref<1x128x128xf32, #tpu.memory_space<vmem>>
    %dma_start3A_587 = tpu.memref_squeeze %dma_start3A_586 : memref<1x128x128xf32, #tpu.memory_space<vmem>> -> memref<128x128xf32, #tpu.memory_space<vmem>>
    tpu.enqueue_dma source(%dma_start3A_587 : memref<128x128xf32, #tpu.memory_space<vmem>>) target(%dma_start3A_583 : memref<128x128xf32, #tpu.memory_space<hbm>>) target_semaphore(%arg11 : memref<!tpu.dma_semaphore, #tpu.memory_space<semaphore_mem>>)
    %dma_wait3A_588 = arith.constant 6 : i32
    %dma_wait3A_589 = arith.constant 1 : i32
    %dma_wait3A_590 = arith.constant 0 : i32
    %dma_wait3A_591 = arith.constant 0 : i32
    %dma_wait3A_592 = tpu.memref_slice %arg8[%dma_wait3A_589, %dma_wait3A_590, %dma_wait3A_591] : memref<5x128x128xf32, #tpu.memory_space<vmem>> -> memref<1x128x128xf32, #tpu.memory_space<vmem>>
    %dma_wait3A_593 = tpu.memref_squeeze %dma_wait3A_592 : memref<1x128x128xf32, #tpu.memory_space<vmem>> -> memref<128x128xf32, #tpu.memory_space<vmem>>
    %dma_wait3A_594 = arith.constant 0 : i32
    %dma_wait3A_595 = tpu.memref_slice %arg6[%dma_wait3A_588, %dma_wait3A_594] : memref<8x128xi32, #tpu.memory_space<vmem>> -> memref<1x128xi32, #tpu.memory_space<vmem>>
    %dma_wait3A_596 = tpu.memref_squeeze %dma_wait3A_595 : memref<1x128xi32, #tpu.memory_space<vmem>> -> memref<128xi32, #tpu.memory_space<vmem>>
    %dma_wait3A_597 = arith.constant 0 : i32
    %dma_wait3A_598 = arith.constant 0 : i32
    %dma_wait3A_599 = tpu.memref_slice %arg3[%dma_wait3A_597, %dma_wait3A_598] : memref<100000x128xf32, #tpu.memory_space<hbm>> -> memref<100000x128xf32, #tpu.memory_space<hbm>>
    tpu.wait_indirect_dma semaphore(%arg10 : memref<!tpu.dma_semaphore, #tpu.memory_space<semaphore_mem>>) src(%dma_wait3A_599 : memref<100000x128xf32, #tpu.memory_space<hbm>>) dst(%dma_wait3A_593 : memref<128x128xf32, #tpu.memory_space<vmem>>)
    %add3A_600 = arith.constant 0 : i32
    %add3A_601 = arith.addi %mul3A_2, %add3A_600 : i32
    %dma_start3A_602 = arith.constant 1 : i32
    %dma_start3A_603 = arith.constant 3 : i32
    %dma_start3A_604 = arith.constant 0 : i32
    %dma_start3A_605 = arith.constant 0 : i32
    %dma_start3A_606 = tpu.memref_slice %arg8[%dma_start3A_602, %dma_start3A_604, %dma_start3A_605] : memref<5x128x128xf32, #tpu.memory_space<vmem>> -> memref<1x128x128xf32, #tpu.memory_space<vmem>>
    %dma_start3A_607 = tpu.memref_squeeze %dma_start3A_606 : memref<1x128x128xf32, #tpu.memory_space<vmem>> -> memref<128x128xf32, #tpu.memory_space<vmem>>
    %dma_start3A_608 = arith.constant 0 : i32
    %dma_start3A_609 = tpu.memref_slice %arg5[%dma_start3A_603, %add3A_601, %dma_start3A_608] : memref<4x8192x128xf32, #tpu.memory_space<hbm>> -> memref<1x128x128xf32, #tpu.memory_space<hbm>>
    %dma_start3A_610 = tpu.memref_squeeze %dma_start3A_609 : memref<1x128x128xf32, #tpu.memory_space<hbm>> -> memref<128x128xf32, #tpu.memory_space<hbm>>
    %dma_start3A_611 = arith.constant 0 : i32
    %dma_start3A_612 = tpu.memref_slice %arg5[%dma_start3A_603, %add3A_601, %dma_start3A_611] : memref<4x8192x128xf32, #tpu.memory_space<hbm>> -> memref<1x128x128xf32, #tpu.memory_space<hbm>>
    %dma_start3A_613 = tpu.memref_squeeze %dma_start3A_612 : memref<1x128x128xf32, #tpu.memory_space<hbm>> -> memref<128x128xf32, #tpu.memory_space<hbm>>
    %dma_start3A_614 = arith.constant 0 : i32
    %dma_start3A_615 = arith.constant 0 : i32
    %dma_start3A_616 = tpu.memref_slice %arg8[%dma_start3A_602, %dma_start3A_614, %dma_start3A_615] : memref<5x128x128xf32, #tpu.memory_space<vmem>> -> memref<1x128x128xf32, #tpu.memory_space<vmem>>
    %dma_start3A_617 = tpu.memref_squeeze %dma_start3A_616 : memref<1x128x128xf32, #tpu.memory_space<vmem>> -> memref<128x128xf32, #tpu.memory_space<vmem>>
    tpu.enqueue_dma source(%dma_start3A_617 : memref<128x128xf32, #tpu.memory_space<vmem>>) target(%dma_start3A_613 : memref<128x128xf32, #tpu.memory_space<hbm>>) target_semaphore(%arg11 : memref<!tpu.dma_semaphore, #tpu.memory_space<semaphore_mem>>)
    %dma_wait3A_618 = arith.constant 7 : i32
    %dma_wait3A_619 = arith.constant 2 : i32
    %dma_wait3A_620 = arith.constant 0 : i32
    %dma_wait3A_621 = arith.constant 0 : i32
    %dma_wait3A_622 = tpu.memref_slice %arg8[%dma_wait3A_619, %dma_wait3A_620, %dma_wait3A_621] : memref<5x128x128xf32, #tpu.memory_space<vmem>> -> memref<1x128x128xf32, #tpu.memory_space<vmem>>
    %dma_wait3A_623 = tpu.memref_squeeze %dma_wait3A_622 : memref<1x128x128xf32, #tpu.memory_space<vmem>> -> memref<128x128xf32, #tpu.memory_space<vmem>>
    %dma_wait3A_624 = arith.constant 0 : i32
    %dma_wait3A_625 = tpu.memref_slice %arg6[%dma_wait3A_618, %dma_wait3A_624] : memref<8x128xi32, #tpu.memory_space<vmem>> -> memref<1x128xi32, #tpu.memory_space<vmem>>
    %dma_wait3A_626 = tpu.memref_squeeze %dma_wait3A_625 : memref<1x128xi32, #tpu.memory_space<vmem>> -> memref<128xi32, #tpu.memory_space<vmem>>
    %dma_wait3A_627 = arith.constant 0 : i32
    %dma_wait3A_628 = arith.constant 0 : i32
    %dma_wait3A_629 = tpu.memref_slice %arg3[%dma_wait3A_627, %dma_wait3A_628] : memref<100000x128xf32, #tpu.memory_space<hbm>> -> memref<100000x128xf32, #tpu.memory_space<hbm>>
    tpu.wait_indirect_dma semaphore(%arg10 : memref<!tpu.dma_semaphore, #tpu.memory_space<semaphore_mem>>) src(%dma_wait3A_629 : memref<100000x128xf32, #tpu.memory_space<hbm>>) dst(%dma_wait3A_623 : memref<128x128xf32, #tpu.memory_space<vmem>>)
    %add3A_630 = arith.constant 128 : i32
    %add3A_631 = arith.addi %mul3A_2, %add3A_630 : i32
    %dma_start3A_632 = arith.constant 2 : i32
    %dma_start3A_633 = arith.constant 3 : i32
    %dma_start3A_634 = arith.constant 0 : i32
    %dma_start3A_635 = arith.constant 0 : i32
    %dma_start3A_636 = tpu.memref_slice %arg8[%dma_start3A_632, %dma_start3A_634, %dma_start3A_635] : memref<5x128x128xf32, #tpu.memory_space<vmem>> -> memref<1x128x128xf32, #tpu.memory_space<vmem>>
    %dma_start3A_637 = tpu.memref_squeeze %dma_start3A_636 : memref<1x128x128xf32, #tpu.memory_space<vmem>> -> memref<128x128xf32, #tpu.memory_space<vmem>>
    %dma_start3A_638 = arith.constant 0 : i32
    %dma_start3A_639 = tpu.memref_slice %arg5[%dma_start3A_633, %add3A_631, %dma_start3A_638] : memref<4x8192x128xf32, #tpu.memory_space<hbm>> -> memref<1x128x128xf32, #tpu.memory_space<hbm>>
    %dma_start3A_640 = tpu.memref_squeeze %dma_start3A_639 : memref<1x128x128xf32, #tpu.memory_space<hbm>> -> memref<128x128xf32, #tpu.memory_space<hbm>>
    %dma_start3A_641 = arith.constant 0 : i32
    %dma_start3A_642 = tpu.memref_slice %arg5[%dma_start3A_633, %add3A_631, %dma_start3A_641] : memref<4x8192x128xf32, #tpu.memory_space<hbm>> -> memref<1x128x128xf32, #tpu.memory_space<hbm>>
    %dma_start3A_643 = tpu.memref_squeeze %dma_start3A_642 : memref<1x128x128xf32, #tpu.memory_space<hbm>> -> memref<128x128xf32, #tpu.memory_space<hbm>>
    %dma_start3A_644 = arith.constant 0 : i32
    %dma_start3A_645 = arith.constant 0 : i32
    %dma_start3A_646 = tpu.memref_slice %arg8[%dma_start3A_632, %dma_start3A_644, %dma_start3A_645] : memref<5x128x128xf32, #tpu.memory_space<vmem>> -> memref<1x128x128xf32, #tpu.memory_space<vmem>>
    %dma_start3A_647 = tpu.memref_squeeze %dma_start3A_646 : memref<1x128x128xf32, #tpu.memory_space<vmem>> -> memref<128x128xf32, #tpu.memory_space<vmem>>
    tpu.enqueue_dma source(%dma_start3A_647 : memref<128x128xf32, #tpu.memory_space<vmem>>) target(%dma_start3A_643 : memref<128x128xf32, #tpu.memory_space<hbm>>) target_semaphore(%arg11 : memref<!tpu.dma_semaphore, #tpu.memory_space<semaphore_mem>>)
    %dma_wait3A_648 = arith.constant 3 : i32
    %dma_wait3A_649 = arith.constant 1 : i32
    %dma_wait3A_650 = arith.constant 0 : i32
    %dma_wait3A_651 = arith.constant 0 : i32
    %dma_wait3A_652 = tpu.memref_slice %arg8[%dma_wait3A_648, %dma_wait3A_650, %dma_wait3A_651] : memref<5x128x128xf32, #tpu.memory_space<vmem>> -> memref<1x128x128xf32, #tpu.memory_space<vmem>>
    %dma_wait3A_653 = tpu.memref_squeeze %dma_wait3A_652 : memref<1x128x128xf32, #tpu.memory_space<vmem>> -> memref<128x128xf32, #tpu.memory_space<vmem>>
    %dma_wait3A_654 = arith.constant 0 : i32
    %dma_wait3A_655 = tpu.memref_slice %arg5[%dma_wait3A_649, %add3A_511, %dma_wait3A_654] : memref<4x8192x128xf32, #tpu.memory_space<hbm>> -> memref<1x128x128xf32, #tpu.memory_space<hbm>>
    %dma_wait3A_656 = tpu.memref_squeeze %dma_wait3A_655 : memref<1x128x128xf32, #tpu.memory_space<hbm>> -> memref<128x128xf32, #tpu.memory_space<hbm>>
    %dma_wait3A_657 = arith.constant 0 : i32
    %dma_wait3A_658 = tpu.memref_slice %arg5[%dma_wait3A_649, %add3A_511, %dma_wait3A_657] : memref<4x8192x128xf32, #tpu.memory_space<hbm>> -> memref<1x128x128xf32, #tpu.memory_space<hbm>>
    %dma_wait3A_659 = tpu.memref_squeeze %dma_wait3A_658 : memref<1x128x128xf32, #tpu.memory_space<hbm>> -> memref<128x128xf32, #tpu.memory_space<hbm>>
    %dma_wait3A_660 = arith.constant 0 : i32
    %dma_wait3A_661 = arith.constant 0 : i32
    %dma_wait3A_662 = tpu.memref_slice %arg8[%dma_wait3A_648, %dma_wait3A_660, %dma_wait3A_661] : memref<5x128x128xf32, #tpu.memory_space<vmem>> -> memref<1x128x128xf32, #tpu.memory_space<vmem>>
    %dma_wait3A_663 = tpu.memref_squeeze %dma_wait3A_662 : memref<1x128x128xf32, #tpu.memory_space<vmem>> -> memref<128x128xf32, #tpu.memory_space<vmem>>
    tpu.wait_dma2 semaphore(%arg11 : memref<!tpu.dma_semaphore, #tpu.memory_space<semaphore_mem>>) src(%dma_wait3A_663 : memref<128x128xf32, #tpu.memory_space<vmem>>) dst(%dma_wait3A_659 : memref<128x128xf32, #tpu.memory_space<hbm>>)
    %dma_wait3A_664 = arith.constant 4 : i32
    %dma_wait3A_665 = arith.constant 2 : i32
    %dma_wait3A_666 = arith.constant 0 : i32
    %dma_wait3A_667 = arith.constant 0 : i32
    %dma_wait3A_668 = tpu.memref_slice %arg8[%dma_wait3A_664, %dma_wait3A_666, %dma_wait3A_667] : memref<5x128x128xf32, #tpu.memory_space<vmem>> -> memref<1x128x128xf32, #tpu.memory_space<vmem>>
    %dma_wait3A_669 = tpu.memref_squeeze %dma_wait3A_668 : memref<1x128x128xf32, #tpu.memory_space<vmem>> -> memref<128x128xf32, #tpu.memory_space<vmem>>
    %dma_wait3A_670 = arith.constant 0 : i32
    %dma_wait3A_671 = tpu.memref_slice %arg5[%dma_wait3A_665, %add3A_541, %dma_wait3A_670] : memref<4x8192x128xf32, #tpu.memory_space<hbm>> -> memref<1x128x128xf32, #tpu.memory_space<hbm>>
    %dma_wait3A_672 = tpu.memref_squeeze %dma_wait3A_671 : memref<1x128x128xf32, #tpu.memory_space<hbm>> -> memref<128x128xf32, #tpu.memory_space<hbm>>
    %dma_wait3A_673 = arith.constant 0 : i32
    %dma_wait3A_674 = tpu.memref_slice %arg5[%dma_wait3A_665, %add3A_541, %dma_wait3A_673] : memref<4x8192x128xf32, #tpu.memory_space<hbm>> -> memref<1x128x128xf32, #tpu.memory_space<hbm>>
    %dma_wait3A_675 = tpu.memref_squeeze %dma_wait3A_674 : memref<1x128x128xf32, #tpu.memory_space<hbm>> -> memref<128x128xf32, #tpu.memory_space<hbm>>
    %dma_wait3A_676 = arith.constant 0 : i32
    %dma_wait3A_677 = arith.constant 0 : i32
    %dma_wait3A_678 = tpu.memref_slice %arg8[%dma_wait3A_664, %dma_wait3A_676, %dma_wait3A_677] : memref<5x128x128xf32, #tpu.memory_space<vmem>> -> memref<1x128x128xf32, #tpu.memory_space<vmem>>
    %dma_wait3A_679 = tpu.memref_squeeze %dma_wait3A_678 : memref<1x128x128xf32, #tpu.memory_space<vmem>> -> memref<128x128xf32, #tpu.memory_space<vmem>>
    tpu.wait_dma2 semaphore(%arg11 : memref<!tpu.dma_semaphore, #tpu.memory_space<semaphore_mem>>) src(%dma_wait3A_679 : memref<128x128xf32, #tpu.memory_space<vmem>>) dst(%dma_wait3A_675 : memref<128x128xf32, #tpu.memory_space<hbm>>)
    %dma_wait3A_680 = arith.constant 0 : i32
    %dma_wait3A_681 = arith.constant 2 : i32
    %dma_wait3A_682 = arith.constant 0 : i32
    %dma_wait3A_683 = arith.constant 0 : i32
    %dma_wait3A_684 = tpu.memref_slice %arg8[%dma_wait3A_680, %dma_wait3A_682, %dma_wait3A_683] : memref<5x128x128xf32, #tpu.memory_space<vmem>> -> memref<1x128x128xf32, #tpu.memory_space<vmem>>
    %dma_wait3A_685 = tpu.memref_squeeze %dma_wait3A_684 : memref<1x128x128xf32, #tpu.memory_space<vmem>> -> memref<128x128xf32, #tpu.memory_space<vmem>>
    %dma_wait3A_686 = arith.constant 0 : i32
    %dma_wait3A_687 = tpu.memref_slice %arg5[%dma_wait3A_681, %add3A_571, %dma_wait3A_686] : memref<4x8192x128xf32, #tpu.memory_space<hbm>> -> memref<1x128x128xf32, #tpu.memory_space<hbm>>
    %dma_wait3A_688 = tpu.memref_squeeze %dma_wait3A_687 : memref<1x128x128xf32, #tpu.memory_space<hbm>> -> memref<128x128xf32, #tpu.memory_space<hbm>>
    %dma_wait3A_689 = arith.constant 0 : i32
    %dma_wait3A_690 = tpu.memref_slice %arg5[%dma_wait3A_681, %add3A_571, %dma_wait3A_689] : memref<4x8192x128xf32, #tpu.memory_space<hbm>> -> memref<1x128x128xf32, #tpu.memory_space<hbm>>
    %dma_wait3A_691 = tpu.memref_squeeze %dma_wait3A_690 : memref<1x128x128xf32, #tpu.memory_space<hbm>> -> memref<128x128xf32, #tpu.memory_space<hbm>>
    %dma_wait3A_692 = arith.constant 0 : i32
    %dma_wait3A_693 = arith.constant 0 : i32
    %dma_wait3A_694 = tpu.memref_slice %arg8[%dma_wait3A_680, %dma_wait3A_692, %dma_wait3A_693] : memref<5x128x128xf32, #tpu.memory_space<vmem>> -> memref<1x128x128xf32, #tpu.memory_space<vmem>>
    %dma_wait3A_695 = tpu.memref_squeeze %dma_wait3A_694 : memref<1x128x128xf32, #tpu.memory_space<vmem>> -> memref<128x128xf32, #tpu.memory_space<vmem>>
    tpu.wait_dma2 semaphore(%arg11 : memref<!tpu.dma_semaphore, #tpu.memory_space<semaphore_mem>>) src(%dma_wait3A_695 : memref<128x128xf32, #tpu.memory_space<vmem>>) dst(%dma_wait3A_691 : memref<128x128xf32, #tpu.memory_space<hbm>>)
    %dma_wait3A_696 = arith.constant 1 : i32
    %dma_wait3A_697 = arith.constant 3 : i32
    %dma_wait3A_698 = arith.constant 0 : i32
    %dma_wait3A_699 = arith.constant 0 : i32
    %dma_wait3A_700 = tpu.memref_slice %arg8[%dma_wait3A_696, %dma_wait3A_698, %dma_wait3A_699] : memref<5x128x128xf32, #tpu.memory_space<vmem>> -> memref<1x128x128xf32, #tpu.memory_space<vmem>>
    %dma_wait3A_701 = tpu.memref_squeeze %dma_wait3A_700 : memref<1x128x128xf32, #tpu.memory_space<vmem>> -> memref<128x128xf32, #tpu.memory_space<vmem>>
    %dma_wait3A_702 = arith.constant 0 : i32
    %dma_wait3A_703 = tpu.memref_slice %arg5[%dma_wait3A_697, %add3A_601, %dma_wait3A_702] : memref<4x8192x128xf32, #tpu.memory_space<hbm>> -> memref<1x128x128xf32, #tpu.memory_space<hbm>>
    %dma_wait3A_704 = tpu.memref_squeeze %dma_wait3A_703 : memref<1x128x128xf32, #tpu.memory_space<hbm>> -> memref<128x128xf32, #tpu.memory_space<hbm>>
    %dma_wait3A_705 = arith.constant 0 : i32
    %dma_wait3A_706 = tpu.memref_slice %arg5[%dma_wait3A_697, %add3A_601, %dma_wait3A_705] : memref<4x8192x128xf32, #tpu.memory_space<hbm>> -> memref<1x128x128xf32, #tpu.memory_space<hbm>>
    %dma_wait3A_707 = tpu.memref_squeeze %dma_wait3A_706 : memref<1x128x128xf32, #tpu.memory_space<hbm>> -> memref<128x128xf32, #tpu.memory_space<hbm>>
    %dma_wait3A_708 = arith.constant 0 : i32
    %dma_wait3A_709 = arith.constant 0 : i32
    %dma_wait3A_710 = tpu.memref_slice %arg8[%dma_wait3A_696, %dma_wait3A_708, %dma_wait3A_709] : memref<5x128x128xf32, #tpu.memory_space<vmem>> -> memref<1x128x128xf32, #tpu.memory_space<vmem>>
    %dma_wait3A_711 = tpu.memref_squeeze %dma_wait3A_710 : memref<1x128x128xf32, #tpu.memory_space<vmem>> -> memref<128x128xf32, #tpu.memory_space<vmem>>
    tpu.wait_dma2 semaphore(%arg11 : memref<!tpu.dma_semaphore, #tpu.memory_space<semaphore_mem>>) src(%dma_wait3A_711 : memref<128x128xf32, #tpu.memory_space<vmem>>) dst(%dma_wait3A_707 : memref<128x128xf32, #tpu.memory_space<hbm>>)
    %dma_wait3A_712 = arith.constant 2 : i32
    %dma_wait3A_713 = arith.constant 3 : i32
    %dma_wait3A_714 = arith.constant 0 : i32
    %dma_wait3A_715 = arith.constant 0 : i32
    %dma_wait3A_716 = tpu.memref_slice %arg8[%dma_wait3A_712, %dma_wait3A_714, %dma_wait3A_715] : memref<5x128x128xf32, #tpu.memory_space<vmem>> -> memref<1x128x128xf32, #tpu.memory_space<vmem>>
    %dma_wait3A_717 = tpu.memref_squeeze %dma_wait3A_716 : memref<1x128x128xf32, #tpu.memory_space<vmem>> -> memref<128x128xf32, #tpu.memory_space<vmem>>
    %dma_wait3A_718 = arith.constant 0 : i32
    %dma_wait3A_719 = tpu.memref_slice %arg5[%dma_wait3A_713, %add3A_631, %dma_wait3A_718] : memref<4x8192x128xf32, #tpu.memory_space<hbm>> -> memref<1x128x128xf32, #tpu.memory_space<hbm>>
    %dma_wait3A_720 = tpu.memref_squeeze %dma_wait3A_719 : memref<1x128x128xf32, #tpu.memory_space<hbm>> -> memref<128x128xf32, #tpu.memory_space<hbm>>
    %dma_wait3A_721 = arith.constant 0 : i32
    %dma_wait3A_722 = tpu.memref_slice %arg5[%dma_wait3A_713, %add3A_631, %dma_wait3A_721] : memref<4x8192x128xf32, #tpu.memory_space<hbm>> -> memref<1x128x128xf32, #tpu.memory_space<hbm>>
    %dma_wait3A_723 = tpu.memref_squeeze %dma_wait3A_722 : memref<1x128x128xf32, #tpu.memory_space<hbm>> -> memref<128x128xf32, #tpu.memory_space<hbm>>
    %dma_wait3A_724 = arith.constant 0 : i32
    %dma_wait3A_725 = arith.constant 0 : i32
    %dma_wait3A_726 = tpu.memref_slice %arg8[%dma_wait3A_712, %dma_wait3A_724, %dma_wait3A_725] : memref<5x128x128xf32, #tpu.memory_space<vmem>> -> memref<1x128x128xf32, #tpu.memory_space<vmem>>
    %dma_wait3A_727 = tpu.memref_squeeze %dma_wait3A_726 : memref<1x128x128xf32, #tpu.memory_space<vmem>> -> memref<128x128xf32, #tpu.memory_space<vmem>>
    tpu.wait_dma2 semaphore(%arg11 : memref<!tpu.dma_semaphore, #tpu.memory_space<semaphore_mem>>) src(%dma_wait3A_727 : memref<128x128xf32, #tpu.memory_space<vmem>>) dst(%dma_wait3A_723 : memref<128x128xf32, #tpu.memory_space<hbm>>)
    return
  }
}

</mosaic_0001>

<sc_bundles>
// kernel: _embed.3.cloned.1.call-start
scs
__scs_entry_jumppad:
0x0: {  	(pc) =	sbr.rel $0x88, $3  }
0x1: {  	(tag) =	ssettag $0x0;
	lr =	simm.s32 $0x1  }
0x2: {  	[smem:$0x3F9E] =	sst lr;
	_ =	strace $0xD0000000  }
0x3: {  	_ = 	snop  }
0x4: {  	_ = 	snop  }
0x5: {  	_ = 	snop  }
0x6: {  	_ = 	snop  }
0x7: {  	_ = 	snop  }
__scs_overlays_trampoline_lowered:
0x8: {  	[smem:$0x3FAD] =	sst s0  }
0x9: {  	[smem:$0x3FAE] =	sst s1  }
0xa: {  	[smem:$0x3FAF] =	sst s2  }
0xb: {  	[smem:$0x3FB0] =	sst s3  }
0xc: {  	[smem:$0x3FB1] =	sst s4  }
0xd: {  	[smem:$0x3FB2] =	sst s5  }
0xe: {  	[smem:$0x3FB3] =	sst s6  }
0xf: {  	[smem:$0x3FB4] =	sst s7  }
0x10: {  	[smem:$0x3FB5] =	sst s8  }
0x11: {  	[smem:$0x3FB6] =	sst s9;
	s0 =	simm.s32 @!p0 $0x0  }
0x12: {  	s1 =	sld [smem:$0x3F9C];
	s0 =	simm.s32 @p0 $0x1  }
0x13: {  	[smem:$0x3FB7] =	sst s0;
	s0 =	simm.s32 @!p1 $0x0  }
0x14: {  	s2 =	sld [smem:$0x3F9B];
	s0 =	simm.s32 @p1 $0x1  }
0x15: {  	[smem:$0x3FB8] =	sst s0;
	s0 =	simm.s32 @!p2 $0x0  }
0x16: {  	s3 =	sld [smem:$0x3FDB];
	s0 =	simm.s32 @p2 $0x1  }
0x17: {  	s4 =	simm.s32 $0x1BF5;
	[smem:$0x3FBA] =	sst s0  }
0x18: {  	s0 =	sld [smem:$0x3F9D];
	_ =	swait.ge [sflag:s4], $0x0  }
0x19: {  	s7 =	sld [smem:$0x3F9E]  }
0x1a: {  	s8 =	sadd.s32 $0xFFFFE003, lr  }
0x1b: {  	s9 =	sadd.s32 $0xFFFFFEF7, lr;
	s5 =	simm.s32 $0xFFFFFFFF;
	p2 =	slt.u32 s8, $0xFFFFF086  }
0x1c: {  	p1 =	slt.u32 s9, $0xF7A;
	s5 =	simm.s32 @!p2 $0x0  }
0x1d: {  	s5 =	simm.s32 @p1 $0x1;
	p0 =	seq.s32 s7, s2  }
0x1e: {  	s7 =	smul.u32 @!p0 $0xF7A, s2;
	p2 =	seq.s32 @!p0 s5, $0x0  }
0x1f: {  	s9 =	smul.u32 $0xF7A, s1;
	s8 =	simm.s32 @!p0 $0x1BF5;
	p2 =	por !p2, p0  }
0x20: {  	[sflag:s8] =	ssyncset.s32 @!p0 $0xFFFFF086;
	s6 =	sadd.s32 @!p0 s3, s7;
	s7 =	simm.s32 @!p0 $0x108  }
0x21: {  	s3 =	sadd.s32 s3, s9;
	s6 =	sadd.s32 @!p0 $0x88, s6;
	s7 =	simm.s32 @p2 $0x1082  }
0x22: {  	[simem:s7], [sflag:s8] =	dma.local @!p0 [hbm:s6], $0xF7A  }
0x23: {  	s9 =	sor.u32 $0xD0000000, s2;
	s6 =	simm.s32 $0x108;
	_ =	swait.ge @!p0 [sflag:s8], $0x0  }
0x24: {  	s3 =	sadd.s32 $0x88, s3;
	s6 =	simm.s32 @!p1 $0x1082;
	[sflag:s4] =	ssyncset.s32 $0xFFFFF086  }
0x25: {  	[simem:s6], [sflag:s4] =	dma.local [hbm:s3], $0xF7A  }
0x26: {  	[smem:$0x3F9E] =	sst s1;
	(tag) =	ssettag s2;
	_ =	strace s9  }
0x27: {  	s1 =	sld [smem:$0x3FAE]  }
0x28: {  	s2 =	sld [smem:$0x3FAF]  }
0x29: {  	s4 =	sld [smem:$0x3FB1]  }
0x2a: {  	p0 =	seq.s32 s5, $0x0;
	s5 =	sld [smem:$0x3FB2]  }
0x2b: {  	s6 =	sld [smem:$0x3FB3]  }
0x2c: {  	s7 =	sld [smem:$0x3FB4]  }
0x2d: {  	s3 =	simm.s32 $0x108;
	s8 =	sld [smem:$0x3FB5]  }
0x2e: {  	s3 =	simm.s32 @!p0 $0x1082;
	s9 =	sld [smem:$0x3FB6]  }
0x2f: {  	lr =	sadd.s32 s0, s3;
	s0 =	sld [smem:$0x3FAD]  }
0x30: {  	s3 =	sld [smem:$0x3FB0]  }
0x31: {  	[smem:$0x3FB9] =	sst s10  }
0x32: {  	s10 =	sld [smem:$0x3FB7];
	_ =	sdelay $0x3  }
0x33: {  	p0 =	seq.s32 s10, $0x1;
	s10 =	sld [smem:$0x3FB9];
	_ =	sdelay $0x3  }
0x34: {  	[smem:$0x3FB9] =	sst s10  }
0x35: {  	s10 =	sld [smem:$0x3FB8];
	_ =	sdelay $0x3  }
0x36: {  	p1 =	seq.s32 s10, $0x1;
	s10 =	sld [smem:$0x3FB9];
	_ =	sdelay $0x3  }
0x37: {  	[smem:$0x3FB9] =	sst s10  }
0x38: {  	s10 =	sld [smem:$0x3FBA]  }
0x39: {  	_ = 	snop;
	(pc) =	sbr.ind lr, $3  }
0x3a: {  	_ = 	snop  }
0x3b: {  	_ = 	snop  }
0x3c: {  	p2 =	seq.s32 s10, $0x1;
	s10 =	sld [smem:$0x3FB9]  }
0x3d: {  	_ =	shalt  }
0x3e: {  	_ =	shalt  }
0x3f: {  	_ =	shalt  }
0x40: {  	_ =	shalt  }
0x41: {  	_ =	shalt  }
0x42: {  	_ =	shalt  }
0x43: {  	_ =	shalt  }
0x44: {  	_ =	shalt  }
0x45: {  	_ =	shalt  }
0x46: {  	_ =	shalt  }
0x47: {  	_ =	shalt  }
0x48: {  	_ =	shalt  }
0x49: {  	_ =	shalt  }
0x4a: {  	_ =	shalt  }
0x4b: {  	_ =	shalt  }
0x4c: {  	_ =	shalt  }
0x4d: {  	_ =	shalt  }
0x4e: {  	_ =	shalt  }
0x4f: {  	_ =	shalt  }
0x50: {  	_ =	shalt  }
0x51: {  	_ =	shalt  }
0x52: {  	_ =	shalt  }
0x53: {  	_ =	shalt  }
0x54: {  	_ =	shalt  }
0x55: {  	_ =	shalt  }
0x56: {  	_ =	shalt  }
0x57: {  	_ =	shalt  }
0x58: {  	_ =	shalt  }
0x59: {  	_ =	shalt  }
0x5a: {  	_ =	shalt  }
0x5b: {  	_ =	shalt  }
0x5c: {  	_ =	shalt  }
0x5d: {  	_ =	shalt  }
0x5e: {  	_ =	shalt  }
0x5f: {  	_ =	shalt  }
0x60: {  	_ =	shalt  }
0x61: {  	_ =	shalt  }
0x62: {  	_ =	shalt  }
0x63: {  	_ =	shalt  }
0x64: {  	_ =	shalt  }
0x65: {  	_ =	shalt  }
0x66: {  	_ =	shalt  }
0x67: {  	_ =	shalt  }
0x68: {  	_ =	shalt  }
0x69: {  	_ =	shalt  }
0x6a: {  	_ =	shalt  }
0x6b: {  	_ =	shalt  }
0x6c: {  	_ =	shalt  }
0x6d: {  	_ =	shalt  }
0x6e: {  	_ =	shalt  }
0x6f: {  	_ =	shalt  }
0x70: {  	_ =	shalt  }
0x71: {  	_ =	shalt  }
0x72: {  	_ =	shalt  }
0x73: {  	_ =	shalt  }
0x74: {  	_ =	shalt  }
0x75: {  	_ =	shalt  }
0x76: {  	_ =	shalt  }
0x77: {  	_ =	shalt  }
0x78: {  	_ =	shalt  }
0x79: {  	_ =	shalt  }
0x7a: {  	_ =	shalt  }
0x7b: {  	_ =	shalt  }
0x7c: {  	_ =	shalt  }
0x7d: {  	_ =	shalt  }
0x7e: {  	_ =	shalt  }
0x7f: {  	_ =	shalt  }
0x80: {  	_ =	shalt  }
0x81: {  	_ =	shalt  }
0x82: {  	_ =	shalt  }
0x83: {  	_ =	shalt  }
0x84: {  	_ =	shalt  }
0x85: {  	_ =	shalt  }
0x86: {  	_ =	shalt  }
0x87: {  	_ =	shalt  }
.Lfunc_end0:
.L_simem_size_0:
called_computation_lowered:
.L_overlay_start_0:
0x88: {  	s2 =	sld [smem:$0x3FD9]  }
0x89: {  	s3 =	sld [smem:$0x3FFE];
	_ =	sdelay $0x1  }
0x8a: {  	s1 =	srdreg.scid  }
0x8b: {  	s0 =	sand.u32 $0x1, s1  }
0x8c: {  	s18 =	sshll.u32 s0, $0xA;
	s2 =	sadd.s32 s3, s2  }
0x8d: {  	s2 =	sadd.s32 s2, s18  }
0x8e: {  	[smem:$0x3FC5] =	sst s2  }
0x8f: {  	_ = 	snop  }
0x90: {  	s2 =	sld [smem:$0x3FC9]  }
0x91: {  	s19 =	sld [smem:$0x3FC8]  }
0x92: {  	s4 =	sld [smem:$0x3FC7]  }
0x93: {  	s5 =	sld [smem:$0x3FD0];
	(tm) =	ssettm $0x1  }
0x94: {  	s6 =	sld [smem:$0x3FFB];
	_ =	sdelay $0x3  }
0x95: {  	_ =	strace s6  }
0x96: {  	s6 =	sld [smem:$0x3FFC];
	_ =	sdelay $0x3  }
0x97: {  	_ =	strace s6  }
0x98: {  	s6 =	sld [smem:$0x3FFD];
	_ =	sdelay $0x3  }
0x99: {  	_ =	strace s6  }
0x9a: {  	_ =	strace $0x8FFFFFFF  }
0x9b: {  	s20 =	sld [smem:$0x3FDB];
	_ =	sdelay $0x1  }
0x9c: {  	s7 =	simm.s32 $_scs_section_size  }
0x9d: {  	s8 =	simm.s32 $_size__tile_overlayer_lowered;
	s9 =	simm.s32 $_tile_overlayer_lowered  }
0x9e: {  	s23 =	simm.s32 $0x1BFF;
	s22 =	sshll.u32 s9, $0x1;
	s6 =	sadd.s32 s7, s20  }
0x9f: {  	s10 =	simm.s32 $0x0;
	s21 =	sshll.u32 s8, $0x1;
	s8 =	sadd.s32 s22, s6  }
0xa0: {  	[timem:s10], [sflag:s23] =	dma.local [hbm:s8], s21  }
0xa1: {  	_ =	swait.ge [sflag:s23], s21  }
0xa2: {  	s7 =	ssub.s32 $0x0, s21;
	[sflag:s23] =	ssyncset.done $0x0  }
0xa3: {  	[sflag:s23] =	ssyncadd.s32 s7;
	_ =	sdelay $0x1  }
0xa4: {  	s24 =	simm.s32 $0x1B8B  }
0xa5: {  	_ =	swait.ge [sflag:s24], $0x1  }
0xa6: {  	[sflag:s24] =	ssyncset.done $0x0  }
0xa7: {  	s25 =	simm.s32 $0x1B8E;
	[sflag:s24] =	ssyncadd.s32 $0xFFFFFFFF  }
0xa8: {  	s26 =	simm.s32 $execute0_lowered;
	[smem:$0x3FD2] =	sst s25  }
0xa9: {  	s7 =	sshll.u32 s26, $0x1;
	_ =	strace $0x80000046;
	[dreg:$0x1] =	wrdreg $0xFFFFFFFF  }
0xaa: {  	s28 =	simm.s32 $_size_execute0_lowered;
	s6 =	sadd.s32 s6, s7;
	[dreg:$0x0] =	wrdreg $0x0  }
0xab: {  	s7 =	sshll.u32 s28, $0x1;
	[dreg:$0x2] =	wrdreg s6  }
0xac: {  	[dreg:$0x3] =	wrdreg s7  }
0xad: {  	[dreg:$0x4] =	wrdreg $0xC0  }
0xae: {  	_ =	task [dreg:s10], $0x5FFFF  }
0xaf: {  	[dreg:$0x1] =	wrdreg $0xFFFFFFFF  }
0xb0: {  	[dreg:$0x0] =	wrdreg $0x60  }
0xb1: {  	[dreg:$0x2] =	wrdreg s2  }
0xb2: {  	[dreg:$0x3] =	wrdreg s19  }
0xb3: {  	[dreg:$0x4] =	wrdreg s4  }
0xb4: {  	[dreg:$0x5] =	wrdreg s5  }
0xb5: {  	[dreg:$0x6] =	wrdreg $0x9  }
0xb6: {  	_ =	task.clear_ibuf [dreg:s10], $0x7FFFF;
	_ =	strace $0x90000046  }
0xb7: {  	s29 =	simm.s32 $0x9;
	_ =	strace $0x80000048  }
0xb8: {  	_ =	swait.ge [sflag:s29], $0x1  }
0xb9: {  	[sflag:s29] =	ssyncadd.s32 $0xFFFFFFFF  }
0xba: {  	_ =	strace $0x90000048  }
0xbb: {  	_ =	sfence  }
0xbc: {  	s30 =	sld [smem:$0x0];
	_ =	sdelay $0x2  }
0xbd: {  	s31 =	sshll.u32 s1, $0xD;
	s1 =	sshrl.u32 s1, $0x2  }
0xbe: {  	s3 =	sand.u32 $0x4000, s31;
	s1 =	sadd.s32 s1, s30  }
0xbf: {  	s0 =	sor.u32 s3, s0;
	s1 =	sshll.u32 s1, $0x11  }
0xc0: {  	s0 =	sor.u32 s1, s0  }
0xc1: {  	s0 =	sadd.s32 $0x8F2B, s0  }
0xc2: {  	[sflag:s0] =	ssyncadd.remote.s32 $0x1  }
0xc3: {  	_ =	sfence.sel $0xFFFF  }
0xc4: {  	[dreg:$0x0] =	wrdreg $0xFFFFFFFF;
	(pc) =	sbr.abs _section_cstart, $3  }
0xc5: {  	[dreg:$0x1] =	wrdreg $0xFFFFFFFF  }
0xc6: {  	_ =	task.clear_ibuf [dreg:s10], $0x2FFFF;
	_ =	strace $0x9FFFFFFF  }
0xc7: {  	(tm) =	ssettm $0x7FFFFFFF  }
tec
execute0_lowered:
.L_overlay_start_1:
0x0: {  	(tag) =	ssettag $0x1  }
0x1: {  	s0 =	rddreg [dreg:$0x0]  }
0x2: {  	s1 =	rddreg [dreg:$0x1]  }
0x3: {  	s2 =	rddreg [dreg:$0x2]  }
0x4: {  	s4 =	rddreg [dreg:$0x3];
	s3 =	simm.s32 $0x0  }
0x5: {  	s5 =	srdreg.scid;
	s7 =	stileid.u32;
	s28 =	simm.s32 $0x300  }
0x6: {  	s29 =	simm.s32 $0x380;
	s31 =	simm.s32 $0x4;
	s30 =	simm.s32 $0xC400  }
0x7: {  	[smem:$0x7FF] =	sst s3;
	s5 =	sand.u32 $0x1, s5;
	s7 =	sshll.u32 s7, $0x9  }
0x8: {  	s10 =	sadd.s32 $0x10, s0;
	s19 =	sadd.s32 $0x20, s0;
	s24 =	sadd.s32 $0x20000, s4  }
0x9: {  	s25 =	sadd.s32 $0x40000, s4;
	s6 =	ssub.s32 $0x2, s5;
	s5 =	sshll.u32 s5, $0x8  }
0xa: {  	s26 =	sadd.s32 $0x60000, s4;
	s8 =	sshrl.u32 s6, $0x1;
	s5 =	sor.u32 s5, s7  }
0xb: {  	_ =	strace $0x80000047;
	s6 =	ssub.s32 s6, s8;
	s7 =	sshrl.u32 s5, $0x1  }
0xc: {  	s16 =	sor.u32 $0x80, s5;
	s5 =	sshll.u32 s5, $0x4;
	s8 =	simm.s32 $0x3  }
0xd: {  	s9 =	sadd.s32 s0, s7;
	s17 =	sshrl.u32 s16, $0x1;
	s18 =	sadd.s32 s7, s10  }
0xe: {  	s20 =	sadd.s32 s7, s19;
	s22 =	sadd.s32 s2, s5;
	s23 =	sshll.u32 s16, $0x4  }
0xf: {  	s13 =	sadd.s32 s4, s5;
	s15 =	sadd.s32 s5, s24;
	[dreg:$0x5] =	wrdreg s9  }
0x10: {  	s2 =	simm.s32 $0x8400;
	s11 =	sadd.s32 s0, s17;
	[dreg:$0x7] =	wrdreg s18  }
0x11: {  	s10 =	sadd.s32 s17, s10;
	[dreg:$0x9] =	wrdreg s20;
	s0 =	sadd.s32 $0x30, s0  }
0x12: {  	s21 =	sadd.s32 s17, s19;
	[dreg:$0xd] =	wrdreg s22;
	s14 =	sadd.s32 s4, s23  }
0x13: {  	s16 =	sadd.s32 s23, s24;
	s18 =	sadd.s32 s23, s25;
	s19 =	sadd.s32 s5, s26  }
0x14: {  	s20 =	sadd.s32 s23, s26;
	s22 =	simm.s32 $0x80;
	s23 =	simm.s32 $0x100  }
0x15: {  	s24 =	simm.s32 $0x180;
	s26 =	simm.s32 $0x280;
	[dreg:$0x6] =	wrdreg s11  }
0x16: {  	s4 =	simm.s32 $0x10400;
	s9 =	simm.s32 $0x0;
	[dreg:$0x8] =	wrdreg s10  }
0x17: {  	[dreg:$0xa] =	wrdreg s21;
	s7 =	sadd.s32 s7, s0;
	s0 =	sadd.s32 s17, s0  }
0x18: {  	s17 =	sadd.s32 s5, s25;
	s21 =	smax.u32 s6, $0x1;
	s25 =	simm.s32 $0x200  }
0x19: {  	s5 =	simm.s32 $0x14400;
	s6 =	simm.s32 $0x18400;
	[dreg:$0xb] =	wrdreg s7  }
0x1a: {  	[dreg:$0xc] =	wrdreg s0;
	s0 =	simm.s32 $0x1;
	s7 =	simm.s32 $0x2  }
.LBB2_1:
0x1b: {  	s10 =	rddreg [dreg:$0x5]  }
0x1c: {  	[tilespmem:s3], [sflag:$0x1] =	stream.linear.gather [hbm4b:s10+s3], $0x80, $0x38;
	[tilespmem:$0x1C400] =	vst v63  }
0x1d: {  	s11 =	rddreg [dreg:$0x6]  }
0x1e: {  	[tilespmem:s22], [sflag:$0x1] =	stream.linear.gather [hbm4b:s11+s3], $0x80, $0x38;
	[tilespmem:$0x1C400] =	vst v63  }
0x1f: {  	s12 =	rddreg [dreg:$0x7]  }
0x20: {  	[tilespmem:s23], [sflag:$0x1] =	stream.linear.gather [hbm4b:s12+s3], $0x80, $0x38;
	[tilespmem:$0x1C400] =	vst v63  }
0x21: {  	s11 =	rddreg [dreg:$0x8]  }
0x22: {  	[tilespmem:s24], [sflag:$0x1] =	stream.linear.gather [hbm4b:s11+s3], $0x80, $0x38;
	[tilespmem:$0x1C400] =	vst v63  }
0x23: {  	s12 =	rddreg [dreg:$0x9]  }
0x24: {  	[tilespmem:s25], [sflag:$0x1] =	stream.linear.gather [hbm4b:s12+s3], $0x80, $0x38;
	[tilespmem:$0x1C400] =	vst v63  }
0x25: {  	s11 =	rddreg [dreg:$0xa]  }
0x26: {  	[tilespmem:s26], [sflag:$0x1] =	stream.linear.gather [hbm4b:s11+s3], $0x80, $0x38;
	[tilespmem:$0x1C400] =	vst v63  }
0x27: {  	s12 =	rddreg [dreg:$0xb]  }
0x28: {  	[tilespmem:s28], [sflag:$0x1] =	stream.linear.gather [hbm4b:s12+s3], $0x80, $0x38;
	[tilespmem:$0x1C400] =	vst v63  }
0x29: {  	s11 =	rddreg [dreg:$0xc]  }
0x2a: {  	[tilespmem:s29], [sflag:$0x1] =	stream.linear.gather [hbm4b:s11+s3], $0x80, $0x38;
	[tilespmem:$0x1C400] =	vst v63  }
0x2b: {  	s12 =	rddreg [dreg:$0xd];
	s11 =	simm.s32 $0x400  }
0x2c: {  	[tilespmem:s11], [sflag:$0x4] =	stream.linear.gather [hbm4b:s12+s3], $0x8000, $0x38;
	[tilespmem:$0x1C400] =	vst v63  }
0x2d: {  	_ =	swait.ge [sflag:s31], $0x8000  }
0x2e: {  	[sflag:s31] =	ssyncset.done $0x0  }
0x2f: {  	[sflag:s31] =	ssyncadd.s32 $0xFFFF8000  }
0x30: {  	_ =	swait.ge [sflag:s0], $0x80  }
0x31: {  	[sflag:s0] =	ssyncset.done $0x0  }
0x32: {  	[sflag:s0] =	ssyncadd.s32 $0xFFFFFF80  }
0x33: {  	_ =	swait.ge [sflag:s0], $0x80  }
0x34: {  	[sflag:s0] =	ssyncset.done $0x0  }
0x35: {  	[sflag:s0] =	ssyncadd.s32 $0xFFFFFF80  }
0x36: {  	_ =	swait.ge [sflag:s0], $0x80  }
0x37: {  	[sflag:s0] =	ssyncset.done $0x0  }
0x38: {  	[sflag:s0] =	ssyncadd.s32 $0xFFFFFF80  }
0x39: {  	_ =	swait.ge [sflag:s0], $0x80  }
0x3a: {  	[sflag:s0] =	ssyncset.done $0x0  }
0x3b: {  	[sflag:s0] =	ssyncadd.s32 $0xFFFFFF80  }
0x3c: {  	_ =	swait.ge [sflag:s0], $0x80  }
0x3d: {  	[sflag:s0] =	ssyncset.done $0x0  }
0x3e: {  	[sflag:s0] =	ssyncadd.s32 $0xFFFFFF80  }
0x3f: {  	_ =	swait.ge [sflag:s0], $0x80  }
0x40: {  	[sflag:s0] =	ssyncset.done $0x0  }
0x41: {  	[sflag:s0] =	ssyncadd.s32 $0xFFFFFF80  }
0x42: {  	_ =	swait.ge [sflag:s0], $0x80  }
0x43: {  	[sflag:s0] =	ssyncset.done $0x0  }
0x44: {  	[sflag:s0] =	ssyncadd.s32 $0xFFFFFF80  }
0x45: {  	_ =	swait.ge [sflag:s0], $0x80  }
0x46: {  	[sflag:s0] =	ssyncset.done $0x0  }
0x47: {  	s10 =	simm.s32 $0x0;
	[sflag:s0] =	ssyncadd.s32 $0xFFFFFF80  }
0x48: {  	v3 =	vld [tilespmem:s10+$0x470]  }
0x49: {  	v4 =	vld [tilespmem:s10+$0x400]  }
0x4a: {  	v5 =	vld [tilespmem:s10+$0x410]  }
0x4b: {  	v2 =	vld [tilespmem:s10+$0x420]  }
0x4c: {  	v0 =	vld [tilespmem:s10+$0x430]  }
0x4d: {  	v1 =	vld [tilespmem:s10+$0x440];
	[tilespmem:s10+$0x8470] =	vst v3  }
0x4e: {  	[tilespmem:s10+$0x8400] =	vst v4;
	v3 =	vld [tilespmem:s10+$0x450]  }
0x4f: {  	s11 =	simm.s32 $0x80;
	s12 =	simm.s32 $0x400;
	[tilespmem:s10+$0x8410] =	vst v5;
	v4 =	vld [tilespmem:s10+$0x460]  }
.LBB2_2:
0x50: {  	p0 =	sne.s32 s12, $0xFE00;
	v5 =	vld [tilespmem:s11+$0x470];
	[tilespmem:s10+$0x8420] =	vst v2  }
0x51: {  	v6 =	vld [tilespmem:s11+$0x400];
	[tilespmem:s10+$0x8430] =	vst v0  }
0x52: {  	v7 =	vld [tilespmem:s11+$0x410];
	[tilespmem:s10+$0x8440] =	vst v1  }
.Ltmp0:
0x53: {  	v2 =	vld [tilespmem:s11+$0x420];
	[tilespmem:s10+$0x8450] =	vst v3;
	(pc) =	sbr.rel @p0 .LBB2_2-.Ltmp0, $4  }
0x54: {  	v0 =	vld [tilespmem:s11+$0x430];
	[tilespmem:s10+$0x8460] =	vst v4;
	s10 =	smov.u32 s11  }
0x55: {  	v1 =	vld [tilespmem:s10+$0x440];
	[tilespmem:s10+$0x8470] =	vst v5  }
0x56: {  	[tilespmem:s10+$0x8400] =	vst v6;
	v3 =	vld [tilespmem:s10+$0x450]  }
0x57: {  	s11 =	sshra.s32 s12, $0x2;
	s12 =	sadd.s32 $0x200, s12;
	[tilespmem:s10+$0x8410] =	vst v7;
	v4 =	vld [tilespmem:s10+$0x460]  }
0x58: {  	v5 =	vld [tilespmem:s11+$0x470];
	[tilespmem:s10+$0x8420] =	vst v2  }
0x59: {  	v2 =	vld [tilespmem:s11+$0x400];
	[tilespmem:s10+$0x8430] =	vst v0  }
0x5a: {  	v0 =	vld [tilespmem:s11+$0x410];
	[tilespmem:s10+$0x8440] =	vst v1  }
0x5b: {  	v1 =	vld [tilespmem:s11+$0x420];
	[tilespmem:s10+$0x8450] =	vst v3  }
0x5c: {  	v3 =	vld [tilespmem:s11+$0x430];
	[tilespmem:s10+$0x8460] =	vst v4  }
0x5d: {  	v4 =	vld [tilespmem:s11+$0x440];
	[tilespmem:s11+$0x8470] =	vst v5  }
0x5e: {  	[tilespmem:s11+$0x8400] =	vst v2;
	v2 =	vld [tilespmem:s11+$0x450]  }
0x5f: {  	[tilespmem:s11+$0x8410] =	vst v0;
	v0 =	vld [tilespmem:s11+$0x460]  }
0x60: {  	[tilespmem:s11+$0x8420] =	vst v1  }
0x61: {  	[tilespmem:s11+$0x8430] =	vst v3  }
0x62: {  	[tilespmem:s11+$0x8440] =	vst v4  }
0x63: {  	[tilespmem:s11+$0x8450] =	vst v2  }
0x64: {  	s12 =	simm.s32 $0x0;
	s10 =	simm.s32 $0x0;
	[tilespmem:s11+$0x8460] =	vst v0  }
0x65: {  	[tilespmem:s2], [sflag:$0x2] =	stream.indirect.gather.add.f32 [hbm:s1], $0x80, s12, s22, $0xb8;
	[tilespmem:$0x1C400] =	vst v63  }
0x66: {  	v3 =	vld [tilespmem:s10+$0x4470]  }
0x67: {  	v4 =	vld [tilespmem:s10+$0x4400]  }
0x68: {  	v5 =	vld [tilespmem:s10+$0x4410]  }
0x69: {  	v2 =	vld [tilespmem:s10+$0x4420]  }
0x6a: {  	v0 =	vld [tilespmem:s10+$0x4430]  }
0x6b: {  	v1 =	vld [tilespmem:s10+$0x4440];
	[tilespmem:s10+$0xC470] =	vst v3  }
0x6c: {  	[tilespmem:s10+$0xC400] =	vst v4;
	v3 =	vld [tilespmem:s10+$0x4450]  }
0x6d: {  	s11 =	simm.s32 $0x80;
	s12 =	simm.s32 $0x400;
	[tilespmem:s10+$0xC410] =	vst v5;
	v4 =	vld [tilespmem:s10+$0x4460]  }
.LBB2_4:
0x6e: {  	p0 =	sne.s32 s12, $0xFE00;
	v5 =	vld [tilespmem:s11+$0x4470];
	[tilespmem:s10+$0xC420] =	vst v2  }
0x6f: {  	v6 =	vld [tilespmem:s11+$0x4400];
	[tilespmem:s10+$0xC430] =	vst v0  }
0x70: {  	v7 =	vld [tilespmem:s11+$0x4410];
	[tilespmem:s10+$0xC440] =	vst v1  }
.Ltmp1:
0x71: {  	v2 =	vld [tilespmem:s11+$0x4420];
	[tilespmem:s10+$0xC450] =	vst v3;
	(pc) =	sbr.rel @p0 .LBB2_4-.Ltmp1, $4  }
0x72: {  	v0 =	vld [tilespmem:s11+$0x4430];
	[tilespmem:s10+$0xC460] =	vst v4;
	s10 =	smov.u32 s11  }
0x73: {  	v1 =	vld [tilespmem:s10+$0x4440];
	[tilespmem:s10+$0xC470] =	vst v5  }
0x74: {  	[tilespmem:s10+$0xC400] =	vst v6;
	v3 =	vld [tilespmem:s10+$0x4450]  }
0x75: {  	s11 =	sshra.s32 s12, $0x2;
	s12 =	sadd.s32 $0x200, s12;
	[tilespmem:s10+$0xC410] =	vst v7;
	v4 =	vld [tilespmem:s10+$0x4460]  }
0x76: {  	v5 =	vld [tilespmem:s11+$0x4470];
	[tilespmem:s10+$0xC420] =	vst v2  }
0x77: {  	v2 =	vld [tilespmem:s11+$0x4400];
	[tilespmem:s10+$0xC430] =	vst v0  }
0x78: {  	v0 =	vld [tilespmem:s11+$0x4410];
	[tilespmem:s10+$0xC440] =	vst v1  }
0x79: {  	v1 =	vld [tilespmem:s11+$0x4420];
	[tilespmem:s10+$0xC450] =	vst v3  }
0x7a: {  	v3 =	vld [tilespmem:s11+$0x4430];
	[tilespmem:s10+$0xC460] =	vst v4  }
0x7b: {  	v4 =	vld [tilespmem:s11+$0x4440];
	[tilespmem:s11+$0xC470] =	vst v5  }
0x7c: {  	[tilespmem:s11+$0xC400] =	vst v2;
	v2 =	vld [tilespmem:s11+$0x4450]  }
0x7d: {  	[tilespmem:s11+$0xC410] =	vst v0;
	v0 =	vld [tilespmem:s11+$0x4460]  }
0x7e: {  	[tilespmem:s11+$0xC420] =	vst v1  }
0x7f: {  	[tilespmem:s11+$0xC430] =	vst v3  }
0x80: {  	[tilespmem:s11+$0xC440] =	vst v4  }
0x81: {  	[tilespmem:s11+$0xC450] =	vst v2  }
0x82: {  	s10 =	simm.s32 $0x0;
	[tilespmem:s11+$0xC460] =	vst v0  }
0x83: {  	[tilespmem:s30], [sflag:$0x2] =	stream.indirect.gather.add.f32 [hbm:s1], $0x80, s22, s22, $0xb8;
	[tilespmem:$0x1C400] =	vst v63  }
0x84: {  	v3 =	vld [tilespmem:s10+$0x470]  }
0x85: {  	v4 =	vld [tilespmem:s10+$0x400]  }
0x86: {  	v5 =	vld [tilespmem:s10+$0x410]  }
0x87: {  	v2 =	vld [tilespmem:s10+$0x420]  }
0x88: {  	v0 =	vld [tilespmem:s10+$0x430]  }
0x89: {  	v1 =	vld [tilespmem:s10+$0x440];
	[tilespmem:s10+$0x10470] =	vst v3  }
0x8a: {  	[tilespmem:s10+$0x10400] =	vst v4;
	v3 =	vld [tilespmem:s10+$0x450]  }
0x8b: {  	s12 =	simm.s32 $0x400;
	s11 =	simm.s32 $0x80;
	[tilespmem:s10+$0x10410] =	vst v5;
	v4 =	vld [tilespmem:s10+$0x460]  }
.LBB2_6:
0x8c: {  	p0 =	sne.s32 s12, $0xFE00;
	v5 =	vld [tilespmem:s11+$0x470];
	[tilespmem:s10+$0x10420] =	vst v2  }
0x8d: {  	v6 =	vld [tilespmem:s11+$0x400];
	[tilespmem:s10+$0x10430] =	vst v0  }
0x8e: {  	v7 =	vld [tilespmem:s11+$0x410];
	[tilespmem:s10+$0x10440] =	vst v1  }
.Ltmp2:
0x8f: {  	v2 =	vld [tilespmem:s11+$0x420];
	[tilespmem:s10+$0x10450] =	vst v3;
	(pc) =	sbr.rel @p0 .LBB2_6-.Ltmp2, $4  }
0x90: {  	v0 =	vld [tilespmem:s11+$0x430];
	[tilespmem:s10+$0x10460] =	vst v4;
	s10 =	smov.u32 s11  }
0x91: {  	v1 =	vld [tilespmem:s10+$0x440];
	[tilespmem:s10+$0x10470] =	vst v5  }
0x92: {  	[tilespmem:s10+$0x10400] =	vst v6;
	v3 =	vld [tilespmem:s10+$0x450]  }
0x93: {  	s11 =	sshra.s32 s12, $0x2;
	s12 =	sadd.s32 $0x200, s12;
	[tilespmem:s10+$0x10410] =	vst v7;
	v4 =	vld [tilespmem:s10+$0x460]  }
0x94: {  	v5 =	vld [tilespmem:s11+$0x470];
	[tilespmem:s10+$0x10420] =	vst v2  }
0x95: {  	v2 =	vld [tilespmem:s11+$0x400];
	[tilespmem:s10+$0x10430] =	vst v0  }
0x96: {  	v0 =	vld [tilespmem:s11+$0x410];
	[tilespmem:s10+$0x10440] =	vst v1  }
0x97: {  	v1 =	vld [tilespmem:s11+$0x420];
	[tilespmem:s10+$0x10450] =	vst v3  }
0x98: {  	v3 =	vld [tilespmem:s11+$0x430];
	[tilespmem:s10+$0x10460] =	vst v4  }
0x99: {  	v4 =	vld [tilespmem:s11+$0x440];
	[tilespmem:s11+$0x10470] =	vst v5  }
0x9a: {  	[tilespmem:s11+$0x10400] =	vst v2;
	v2 =	vld [tilespmem:s11+$0x450]  }
0x9b: {  	[tilespmem:s11+$0x10410] =	vst v0;
	v0 =	vld [tilespmem:s11+$0x460]  }
0x9c: {  	[tilespmem:s11+$0x10420] =	vst v1  }
0x9d: {  	[tilespmem:s11+$0x10430] =	vst v3  }
0x9e: {  	[tilespmem:s11+$0x10440] =	vst v4  }
0x9f: {  	[tilespmem:s11+$0x10450] =	vst v2  }
0xa0: {  	s10 =	simm.s32 $0x0;
	[tilespmem:s11+$0x10460] =	vst v0  }
0xa1: {  	[tilespmem:s4], [sflag:$0x2] =	stream.indirect.gather.add.f32 [hbm:s1], $0x80, s23, s22, $0xb8;
	[tilespmem:$0x1C400] =	vst v63  }
0xa2: {  	v3 =	vld [tilespmem:s10+$0x4470]  }
0xa3: {  	v4 =	vld [tilespmem:s10+$0x4400]  }
0xa4: {  	v5 =	vld [tilespmem:s10+$0x4410]  }
0xa5: {  	v2 =	vld [tilespmem:s10+$0x4420]  }
0xa6: {  	v0 =	vld [tilespmem:s10+$0x4430]  }
0xa7: {  	v1 =	vld [tilespmem:s10+$0x4440];
	[tilespmem:s10+$0x14470] =	vst v3  }
0xa8: {  	[tilespmem:s10+$0x14400] =	vst v4;
	v3 =	vld [tilespmem:s10+$0x4450]  }
0xa9: {  	s12 =	simm.s32 $0x400;
	s11 =	simm.s32 $0x80;
	[tilespmem:s10+$0x14410] =	vst v5;
	v4 =	vld [tilespmem:s10+$0x4460]  }
.LBB2_8:
0xaa: {  	p0 =	sne.s32 s12, $0xFE00;
	v5 =	vld [tilespmem:s11+$0x4470];
	[tilespmem:s10+$0x14420] =	vst v2  }
0xab: {  	v6 =	vld [tilespmem:s11+$0x4400];
	[tilespmem:s10+$0x14430] =	vst v0  }
0xac: {  	v7 =	vld [tilespmem:s11+$0x4410];
	[tilespmem:s10+$0x14440] =	vst v1  }
.Ltmp3:
0xad: {  	v2 =	vld [tilespmem:s11+$0x4420];
	[tilespmem:s10+$0x14450] =	vst v3;
	(pc) =	sbr.rel @p0 .LBB2_8-.Ltmp3, $4  }
0xae: {  	v0 =	vld [tilespmem:s11+$0x4430];
	[tilespmem:s10+$0x14460] =	vst v4;
	s10 =	smov.u32 s11  }
0xaf: {  	v1 =	vld [tilespmem:s10+$0x4440];
	[tilespmem:s10+$0x14470] =	vst v5  }
0xb0: {  	[tilespmem:s10+$0x14400] =	vst v6;
	v3 =	vld [tilespmem:s10+$0x4450]  }
0xb1: {  	s11 =	sshra.s32 s12, $0x2;
	s12 =	sadd.s32 $0x200, s12;
	[tilespmem:s10+$0x14410] =	vst v7;
	v4 =	vld [tilespmem:s10+$0x4460]  }
0xb2: {  	v5 =	vld [tilespmem:s11+$0x4470];
	[tilespmem:s10+$0x14420] =	vst v2  }
0xb3: {  	v2 =	vld [tilespmem:s11+$0x4400];
	[tilespmem:s10+$0x14430] =	vst v0  }
0xb4: {  	v0 =	vld [tilespmem:s11+$0x4410];
	[tilespmem:s10+$0x14440] =	vst v1  }
0xb5: {  	v1 =	vld [tilespmem:s11+$0x4420];
	[tilespmem:s10+$0x14450] =	vst v3  }
0xb6: {  	v3 =	vld [tilespmem:s11+$0x4430];
	[tilespmem:s10+$0x14460] =	vst v4  }
0xb7: {  	v4 =	vld [tilespmem:s11+$0x4440];
	[tilespmem:s11+$0x14470] =	vst v5  }
0xb8: {  	[tilespmem:s11+$0x14400] =	vst v2;
	v2 =	vld [tilespmem:s11+$0x4450]  }
0xb9: {  	[tilespmem:s11+$0x14410] =	vst v0;
	v0 =	vld [tilespmem:s11+$0x4460]  }
0xba: {  	[tilespmem:s11+$0x14420] =	vst v1  }
0xbb: {  	[tilespmem:s11+$0x14430] =	vst v3  }
0xbc: {  	[tilespmem:s11+$0x14440] =	vst v4  }
0xbd: {  	[tilespmem:s11+$0x14450] =	vst v2  }
0xbe: {  	s10 =	simm.s32 $0x0;
	[tilespmem:s11+$0x14460] =	vst v0  }
0xbf: {  	[tilespmem:s5], [sflag:$0x2] =	stream.indirect.gather.add.f32 [hbm:s1], $0x80, s24, s22, $0xb8;
	[tilespmem:$0x1C400] =	vst v63  }
0xc0: {  	v3 =	vld [tilespmem:s10+$0x470]  }
0xc1: {  	v4 =	vld [tilespmem:s10+$0x400]  }
0xc2: {  	v5 =	vld [tilespmem:s10+$0x410]  }
0xc3: {  	v2 =	vld [tilespmem:s10+$0x420]  }
0xc4: {  	v0 =	vld [tilespmem:s10+$0x430]  }
0xc5: {  	v1 =	vld [tilespmem:s10+$0x440];
	[tilespmem:s10+$0x18470] =	vst v3  }
0xc6: {  	[tilespmem:s10+$0x18400] =	vst v4;
	v3 =	vld [tilespmem:s10+$0x450]  }
0xc7: {  	s12 =	simm.s32 $0x400;
	s11 =	simm.s32 $0x80;
	[tilespmem:s10+$0x18410] =	vst v5;
	v4 =	vld [tilespmem:s10+$0x460]  }
.LBB2_10:
0xc8: {  	p0 =	sne.s32 s12, $0xFE00;
	v5 =	vld [tilespmem:s11+$0x470];
	[tilespmem:s10+$0x18420] =	vst v2  }
0xc9: {  	v6 =	vld [tilespmem:s11+$0x400];
	[tilespmem:s10+$0x18430] =	vst v0  }
0xca: {  	v7 =	vld [tilespmem:s11+$0x410];
	[tilespmem:s10+$0x18440] =	vst v1  }
.Ltmp4:
0xcb: {  	v2 =	vld [tilespmem:s11+$0x420];
	[tilespmem:s10+$0x18450] =	vst v3;
	(pc) =	sbr.rel @p0 .LBB2_10-.Ltmp4, $4  }
0xcc: {  	v0 =	vld [tilespmem:s11+$0x430];
	[tilespmem:s10+$0x18460] =	vst v4;
	s10 =	smov.u32 s11  }
0xcd: {  	v1 =	vld [tilespmem:s10+$0x440];
	[tilespmem:s10+$0x18470] =	vst v5  }
0xce: {  	[tilespmem:s10+$0x18400] =	vst v6;
	v3 =	vld [tilespmem:s10+$0x450]  }
0xcf: {  	s11 =	sshra.s32 s12, $0x2;
	s12 =	sadd.s32 $0x200, s12;
	[tilespmem:s10+$0x18410] =	vst v7;
	v4 =	vld [tilespmem:s10+$0x460]  }
0xd0: {  	v5 =	vld [tilespmem:s11+$0x470];
	[tilespmem:s10+$0x18420] =	vst v2  }
0xd1: {  	v2 =	vld [tilespmem:s11+$0x400];
	[tilespmem:s10+$0x18430] =	vst v0  }
0xd2: {  	v0 =	vld [tilespmem:s11+$0x410];
	[tilespmem:s10+$0x18440] =	vst v1  }
0xd3: {  	v1 =	vld [tilespmem:s11+$0x420];
	[tilespmem:s10+$0x18450] =	vst v3  }
0xd4: {  	v3 =	vld [tilespmem:s11+$0x430];
	[tilespmem:s10+$0x18460] =	vst v4  }
0xd5: {  	v4 =	vld [tilespmem:s11+$0x440];
	[tilespmem:s11+$0x18470] =	vst v5  }
0xd6: {  	[tilespmem:s11+$0x18400] =	vst v2;
	v2 =	vld [tilespmem:s11+$0x450]  }
0xd7: {  	[tilespmem:s11+$0x18410] =	vst v0;
	v0 =	vld [tilespmem:s11+$0x460]  }
0xd8: {  	[tilespmem:s11+$0x18420] =	vst v1  }
0xd9: {  	[tilespmem:s11+$0x18430] =	vst v3  }
0xda: {  	[tilespmem:s11+$0x18440] =	vst v4  }
0xdb: {  	[tilespmem:s11+$0x18450] =	vst v2  }
0xdc: {  	[tilespmem:s11+$0x18460] =	vst v0  }
0xdd: {  	[tilespmem:s6], [sflag:$0x2] =	stream.indirect.gather.add.f32 [hbm:s1], $0x80, s25, s22, $0xb8;
	[tilespmem:$0x1C400] =	vst v63  }
0xde: {  	_ =	swait.ge [sflag:s7], $0x4000  }
0xdf: {  	[sflag:s7] =	ssyncset.done $0x0  }
0xe0: {  	s12 =	simm.s32 $0x0;
	[sflag:s7] =	ssyncadd.s32 $0xFFFFC000  }
0xe1: {  	[hbm4b:s13+s12] =	stream.linear.scatter [tilespmem:s2], [sflag:$0x3], $0x4000, $0x38;
	[tilespmem:$0x1C400] =	vst v63  }
0xe2: {  	_ =	swait.ge [sflag:s8], $0x4000  }
0xe3: {  	[sflag:s8] =	ssyncset.done $0x0  }
0xe4: {  	s10 =	simm.s32 $0x0;
	[sflag:s8] =	ssyncadd.s32 $0xFFFFC000  }
0xe5: {  	v3 =	vld [tilespmem:s10+$0x4470]  }
0xe6: {  	v4 =	vld [tilespmem:s10+$0x4400]  }
0xe7: {  	v5 =	vld [tilespmem:s10+$0x4410]  }
0xe8: {  	v2 =	vld [tilespmem:s10+$0x4420]  }
0xe9: {  	v0 =	vld [tilespmem:s10+$0x4430]  }
0xea: {  	v1 =	vld [tilespmem:s10+$0x4440];
	[tilespmem:s10+$0x8470] =	vst v3  }
0xeb: {  	[tilespmem:s10+$0x8400] =	vst v4;
	v3 =	vld [tilespmem:s10+$0x4450]  }
0xec: {  	s11 =	simm.s32 $0x80;
	s12 =	simm.s32 $0x400;
	[tilespmem:s10+$0x8410] =	vst v5;
	v4 =	vld [tilespmem:s10+$0x4460]  }
.LBB2_12:
0xed: {  	p0 =	sne.s32 s12, $0xFE00;
	v5 =	vld [tilespmem:s11+$0x4470];
	[tilespmem:s10+$0x8420] =	vst v2  }
0xee: {  	v6 =	vld [tilespmem:s11+$0x4400];
	[tilespmem:s10+$0x8430] =	vst v0  }
0xef: {  	v7 =	vld [tilespmem:s11+$0x4410];
	[tilespmem:s10+$0x8440] =	vst v1  }
.Ltmp5:
0xf0: {  	v2 =	vld [tilespmem:s11+$0x4420];
	[tilespmem:s10+$0x8450] =	vst v3;
	(pc) =	sbr.rel @p0 .LBB2_12-.Ltmp5, $4  }
0xf1: {  	v0 =	vld [tilespmem:s11+$0x4430];
	[tilespmem:s10+$0x8460] =	vst v4;
	s10 =	smov.u32 s11  }
0xf2: {  	v1 =	vld [tilespmem:s10+$0x4440];
	[tilespmem:s10+$0x8470] =	vst v5  }
0xf3: {  	[tilespmem:s10+$0x8400] =	vst v6;
	v3 =	vld [tilespmem:s10+$0x4450]  }
0xf4: {  	s11 =	sshra.s32 s12, $0x2;
	s12 =	sadd.s32 $0x200, s12;
	[tilespmem:s10+$0x8410] =	vst v7;
	v4 =	vld [tilespmem:s10+$0x4460]  }
0xf5: {  	v5 =	vld [tilespmem:s11+$0x4470];
	[tilespmem:s10+$0x8420] =	vst v2  }
0xf6: {  	v2 =	vld [tilespmem:s11+$0x4400];
	[tilespmem:s10+$0x8430] =	vst v0  }
0xf7: {  	v0 =	vld [tilespmem:s11+$0x4410];
	[tilespmem:s10+$0x8440] =	vst v1  }
0xf8: {  	v1 =	vld [tilespmem:s11+$0x4420];
	[tilespmem:s10+$0x8450] =	vst v3  }
0xf9: {  	v3 =	vld [tilespmem:s11+$0x4430];
	[tilespmem:s10+$0x8460] =	vst v4  }
0xfa: {  	v4 =	vld [tilespmem:s11+$0x4440];
	[tilespmem:s11+$0x8470] =	vst v5  }
0xfb: {  	[tilespmem:s11+$0x8400] =	vst v2;
	v2 =	vld [tilespmem:s11+$0x4450]  }
0xfc: {  	[tilespmem:s11+$0x8410] =	vst v0;
	v0 =	vld [tilespmem:s11+$0x4460]  }
0xfd: {  	[tilespmem:s11+$0x8420] =	vst v1  }
0xfe: {  	[tilespmem:s11+$0x8430] =	vst v3  }
0xff: {  	[tilespmem:s11+$0x8440] =	vst v4  }
0x100: {  	[tilespmem:s11+$0x8450] =	vst v2  }
0x101: {  	[tilespmem:s11+$0x8460] =	vst v0  }
0x102: {  	[tilespmem:s2], [sflag:$0x2] =	stream.indirect.gather.add.f32 [hbm:s1], $0x80, s26, s22, $0xb8;
	[tilespmem:$0x1C400] =	vst v63  }
0x103: {  	_ =	swait.ge [sflag:s7], $0x4000  }
0x104: {  	[sflag:s7] =	ssyncset.done $0x0  }
0x105: {  	s12 =	simm.s32 $0x0;
	[sflag:s7] =	ssyncadd.s32 $0xFFFFC000  }
0x106: {  	[hbm4b:s14+s12] =	stream.linear.scatter [tilespmem:s30], [sflag:$0x3], $0x4000, $0x38;
	[tilespmem:$0x1C400] =	vst v63  }
0x107: {  	_ =	swait.ge [sflag:s8], $0x4000  }
0x108: {  	[sflag:s8] =	ssyncset.done $0x0  }
0x109: {  	s10 =	simm.s32 $0x0;
	[sflag:s8] =	ssyncadd.s32 $0xFFFFC000  }
0x10a: {  	v3 =	vld [tilespmem:s10+$0x470]  }
0x10b: {  	v4 =	vld [tilespmem:s10+$0x400]  }
0x10c: {  	v5 =	vld [tilespmem:s10+$0x410]  }
0x10d: {  	v2 =	vld [tilespmem:s10+$0x420]  }
0x10e: {  	v0 =	vld [tilespmem:s10+$0x430]  }
0x10f: {  	v1 =	vld [tilespmem:s10+$0x440];
	[tilespmem:s10+$0xC470] =	vst v3  }
0x110: {  	[tilespmem:s10+$0xC400] =	vst v4;
	v3 =	vld [tilespmem:s10+$0x450]  }
0x111: {  	s11 =	simm.s32 $0x80;
	s12 =	simm.s32 $0x400;
	[tilespmem:s10+$0xC410] =	vst v5;
	v4 =	vld [tilespmem:s10+$0x460]  }
.LBB2_14:
0x112: {  	p0 =	sne.s32 s12, $0xFE00;
	v5 =	vld [tilespmem:s11+$0x470];
	[tilespmem:s10+$0xC420] =	vst v2  }
0x113: {  	v6 =	vld [tilespmem:s11+$0x400];
	[tilespmem:s10+$0xC430] =	vst v0  }
0x114: {  	v7 =	vld [tilespmem:s11+$0x410];
	[tilespmem:s10+$0xC440] =	vst v1  }
.Ltmp6:
0x115: {  	v2 =	vld [tilespmem:s11+$0x420];
	[tilespmem:s10+$0xC450] =	vst v3;
	(pc) =	sbr.rel @p0 .LBB2_14-.Ltmp6, $4  }
0x116: {  	v0 =	vld [tilespmem:s11+$0x430];
	[tilespmem:s10+$0xC460] =	vst v4;
	s10 =	smov.u32 s11  }
0x117: {  	v1 =	vld [tilespmem:s10+$0x440];
	[tilespmem:s10+$0xC470] =	vst v5  }
0x118: {  	[tilespmem:s10+$0xC400] =	vst v6;
	v3 =	vld [tilespmem:s10+$0x450]  }
0x119: {  	s11 =	sshra.s32 s12, $0x2;
	s12 =	sadd.s32 $0x200, s12;
	[tilespmem:s10+$0xC410] =	vst v7;
	v4 =	vld [tilespmem:s10+$0x460]  }
0x11a: {  	v5 =	vld [tilespmem:s11+$0x470];
	[tilespmem:s10+$0xC420] =	vst v2  }
0x11b: {  	v2 =	vld [tilespmem:s11+$0x400];
	[tilespmem:s10+$0xC430] =	vst v0  }
0x11c: {  	v0 =	vld [tilespmem:s11+$0x410];
	[tilespmem:s10+$0xC440] =	vst v1  }
0x11d: {  	v1 =	vld [tilespmem:s11+$0x420];
	[tilespmem:s10+$0xC450] =	vst v3  }
0x11e: {  	v3 =	vld [tilespmem:s11+$0x430];
	[tilespmem:s10+$0xC460] =	vst v4  }
0x11f: {  	v4 =	vld [tilespmem:s11+$0x440];
	[tilespmem:s11+$0xC470] =	vst v5  }
0x120: {  	[tilespmem:s11+$0xC400] =	vst v2;
	v2 =	vld [tilespmem:s11+$0x450]  }
0x121: {  	[tilespmem:s11+$0xC410] =	vst v0;
	v0 =	vld [tilespmem:s11+$0x460]  }
0x122: {  	[tilespmem:s11+$0xC420] =	vst v1  }
0x123: {  	[tilespmem:s11+$0xC430] =	vst v3  }
0x124: {  	[tilespmem:s11+$0xC440] =	vst v4  }
0x125: {  	[tilespmem:s11+$0xC450] =	vst v2  }
0x126: {  	[tilespmem:s11+$0xC460] =	vst v0  }
0x127: {  	[tilespmem:s30], [sflag:$0x2] =	stream.indirect.gather.add.f32 [hbm:s1], $0x80, s28, s22, $0xb8;
	[tilespmem:$0x1C400] =	vst v63  }
0x128: {  	_ =	swait.ge [sflag:s7], $0x4000  }
0x129: {  	[sflag:s7] =	ssyncset.done $0x0  }
0x12a: {  	s12 =	simm.s32 $0x0;
	[sflag:s7] =	ssyncadd.s32 $0xFFFFC000  }
0x12b: {  	[hbm4b:s15+s12] =	stream.linear.scatter [tilespmem:s4], [sflag:$0x3], $0x4000, $0x38;
	[tilespmem:$0x1C400] =	vst v63  }
0x12c: {  	_ =	swait.ge [sflag:s8], $0x4000  }
0x12d: {  	[sflag:s8] =	ssyncset.done $0x0  }
0x12e: {  	s10 =	simm.s32 $0x0;
	[sflag:s8] =	ssyncadd.s32 $0xFFFFC000  }
0x12f: {  	v3 =	vld [tilespmem:s10+$0x4470]  }
0x130: {  	v4 =	vld [tilespmem:s10+$0x4400]  }
0x131: {  	v5 =	vld [tilespmem:s10+$0x4410]  }
0x132: {  	v2 =	vld [tilespmem:s10+$0x4420]  }
0x133: {  	v0 =	vld [tilespmem:s10+$0x4430]  }
0x134: {  	v1 =	vld [tilespmem:s10+$0x4440];
	[tilespmem:s10+$0x10470] =	vst v3  }
0x135: {  	[tilespmem:s10+$0x10400] =	vst v4;
	v3 =	vld [tilespmem:s10+$0x4450]  }
0x136: {  	s11 =	simm.s32 $0x80;
	s12 =	simm.s32 $0x400;
	[tilespmem:s10+$0x10410] =	vst v5;
	v4 =	vld [tilespmem:s10+$0x4460]  }
.LBB2_16:
0x137: {  	p0 =	sne.s32 s12, $0xFE00;
	v5 =	vld [tilespmem:s11+$0x4470];
	[tilespmem:s10+$0x10420] =	vst v2  }
0x138: {  	v6 =	vld [tilespmem:s11+$0x4400];
	[tilespmem:s10+$0x10430] =	vst v0  }
0x139: {  	v7 =	vld [tilespmem:s11+$0x4410];
	[tilespmem:s10+$0x10440] =	vst v1  }
.Ltmp7:
0x13a: {  	v2 =	vld [tilespmem:s11+$0x4420];
	[tilespmem:s10+$0x10450] =	vst v3;
	(pc) =	sbr.rel @p0 .LBB2_16-.Ltmp7, $4  }
0x13b: {  	v0 =	vld [tilespmem:s11+$0x4430];
	[tilespmem:s10+$0x10460] =	vst v4;
	s10 =	smov.u32 s11  }
0x13c: {  	v1 =	vld [tilespmem:s10+$0x4440];
	[tilespmem:s10+$0x10470] =	vst v5  }
0x13d: {  	[tilespmem:s10+$0x10400] =	vst v6;
	v3 =	vld [tilespmem:s10+$0x4450]  }
0x13e: {  	s11 =	sshra.s32 s12, $0x2;
	s12 =	sadd.s32 $0x200, s12;
	[tilespmem:s10+$0x10410] =	vst v7;
	v4 =	vld [tilespmem:s10+$0x4460]  }
0x13f: {  	v5 =	vld [tilespmem:s11+$0x4470];
	[tilespmem:s10+$0x10420] =	vst v2  }
0x140: {  	v2 =	vld [tilespmem:s11+$0x4400];
	[tilespmem:s10+$0x10430] =	vst v0  }
0x141: {  	v0 =	vld [tilespmem:s11+$0x4410];
	[tilespmem:s10+$0x10440] =	vst v1  }
0x142: {  	v1 =	vld [tilespmem:s11+$0x4420];
	[tilespmem:s10+$0x10450] =	vst v3  }
0x143: {  	v3 =	vld [tilespmem:s11+$0x4430];
	[tilespmem:s10+$0x10460] =	vst v4  }
0x144: {  	v4 =	vld [tilespmem:s11+$0x4440];
	[tilespmem:s11+$0x10470] =	vst v5  }
0x145: {  	v62 =	vld [tilespmem:s11+$0x4450];
	[tilespmem:s11+$0x10400] =	vst v2  }
0x146: {  	v63 =	vld [tilespmem:s11+$0x4460];
	[tilespmem:s11+$0x10410] =	vst v0  }
0x147: {  	[tilespmem:s11+$0x10420] =	vst v1  }
0x148: {  	[tilespmem:s11+$0x10430] =	vst v3  }
0x149: {  	[tilespmem:s11+$0x10440] =	vst v4  }
0x14a: {  	[tilespmem:s11+$0x10450] =	vst v62  }
0x14b: {  	[tilespmem:s11+$0x10460] =	vst v63  }
0x14c: {  	[tilespmem:s4], [sflag:$0x2] =	stream.indirect.gather.add.f32 [hbm:s1], $0x80, s29, s22, $0xb8;
	[tilespmem:$0x1C400] =	vst v63  }
0x14d: {  	_ =	swait.ge [sflag:s7], $0x4000  }
0x14e: {  	[sflag:s7] =	ssyncset.done $0x0  }
0x14f: {  	[sflag:s7] =	ssyncadd.s32 $0xFFFFC000  }
0x150: {  	[hbm4b:s16+s3] =	stream.linear.scatter [tilespmem:s5], [sflag:$0x3], $0x4000, $0x38;
	[tilespmem:$0x1C400] =	vst v63  }
0x151: {  	_ =	swait.ge [sflag:s7], $0x4000  }
0x152: {  	[sflag:s7] =	ssyncset.done $0x0  }
0x153: {  	[sflag:s7] =	ssyncadd.s32 $0xFFFFC000  }
0x154: {  	[hbm4b:s17+s3] =	stream.linear.scatter [tilespmem:s6], [sflag:$0x3], $0x4000, $0x38;
	[tilespmem:$0x1C400] =	vst v63  }
0x155: {  	_ =	swait.ge [sflag:s7], $0x4000  }
0x156: {  	[sflag:s7] =	ssyncset.done $0x0  }
0x157: {  	[sflag:s7] =	ssyncadd.s32 $0xFFFFC000  }
0x158: {  	[hbm4b:s18+s3] =	stream.linear.scatter [tilespmem:s2], [sflag:$0x3], $0x4000, $0x38;
	[tilespmem:$0x1C400] =	vst v63  }
0x159: {  	_ =	swait.ge [sflag:s7], $0x4000  }
0x15a: {  	[sflag:s7] =	ssyncset.done $0x0  }
0x15b: {  	[sflag:s7] =	ssyncadd.s32 $0xFFFFC000  }
0x15c: {  	[hbm4b:s19+s3] =	stream.linear.scatter [tilespmem:s30], [sflag:$0x3], $0x4000, $0x38;
	[tilespmem:$0x1C400] =	vst v63  }
0x15d: {  	_ =	swait.ge [sflag:s7], $0x4000  }
0x15e: {  	[sflag:s7] =	ssyncset.done $0x0  }
0x15f: {  	[sflag:s7] =	ssyncadd.s32 $0xFFFFC000  }
0x160: {  	[hbm4b:s20+s3] =	stream.linear.scatter [tilespmem:s4], [sflag:$0x3], $0x4000, $0x38;
	[tilespmem:$0x1C400] =	vst v63  }
0x161: {  	_ =	swait.ge [sflag:s8], $0x4000  }
0x162: {  	[sflag:s8] =	ssyncset.done $0x0  }
0x163: {  	[sflag:s8] =	ssyncadd.s32 $0xFFFFC000  }
0x164: {  	_ =	swait.ge [sflag:s8], $0x4000  }
0x165: {  	[sflag:s8] =	ssyncset.done $0x0  }
0x166: {  	[sflag:s8] =	ssyncadd.s32 $0xFFFFC000  }
0x167: {  	_ =	swait.ge [sflag:s8], $0x4000  }
0x168: {  	[sflag:s8] =	ssyncset.done $0x0  }
0x169: {  	s9 =	sadd.s32 $0x1, s9;
	[sflag:s8] =	ssyncadd.s32 $0xFFFFC000  }
0x16a: {  	p0 =	sne.s32 s9, s21;
	_ =	swait.ge [sflag:s8], $0x4000  }
.Ltmp8:
0x16b: {  	[sflag:s8] =	ssyncset.done $0x0;
	(pc) =	sbr.rel @p0 .LBB2_1-.Ltmp8, $4  }
0x16c: {  	[sflag:s8] =	ssyncadd.s32 $0xFFFFC000  }
0x16d: {  	_ =	swait.ge [sflag:s8], $0x4000  }
0x16e: {  	[sflag:s8] =	ssyncset.done $0x0  }
0x16f: {  	[sflag:s8] =	ssyncadd.s32 $0xFFFFC000  }
0x170: {  	_ =	sfence.sel $0x180000  }
0x171: {  	[bflag:$0x0] =	sbarrier.arrive $0xFFFF  }
0x172: {  	_ =	strace $0x90000047  }
0x173: {  	s0 =	stileid.u32;
	[bflag:$0x2] =	sbarrier.arrive $0xFFFF  }
0x174: {  	p0 =	sne.s32 s0, $0x0;
	s0 =	rddreg [dreg:$0x4]  }
0x175: {  	s0 =	sadd.s32 @!p0 $0x100000, s0  }
0x176: {  	[sflag:s0] =	ssyncadd.tile.s32 @!p0 $0x1;
	_ =	shalt  }
.Lfunc_end2:
_tile_overlayer_lowered:
.L_overlay_start_2:
0x177: {  	(tag) =	ssettag $0x2  }
0x178: {  	s0 =	rddreg [dreg:$0x0];
	s2 =	stileid.u32  }
0x179: {  	s1 =	rddreg [dreg:$0x1];
	p0 =	sne.s32 s2, $0x0  }
0x17a: {  	s3 =	rddreg [dreg:$0x2];
	[bflag:$0x3] =	sbarrier.arrive $0xFFFF;
	s2 =	simm.s32 @!p0 $0x1C04  }
0x17b: {  	[timem:s3], [sflag:s2] =	dma.local @!p0 [hbm:s0], s1  }
0x17c: {  	s0 =	simm.s32 @!p0 $0x4  }
0x17d: {  	_ =	swait.ge @!p0 [sflag:s0], s1  }
0x17e: {  	s1 =	ssub.s32 @!p0 $0x0, s1;
	[sflag:s0] =	ssyncset.done @!p0 $0x0  }
0x17f: {  	[sflag:s0] =	ssyncadd.s32 @!p0 s1  }
0x180: {  	[bflag:$0x3] =	sbarrier.arrive $0xFFFF  }
0x181: {  	_ =	shalt  }

</sc_bundles>
